<compile_context>
chip_gen: v7x
topology: tpu7x:2x2x1
jax: 0.10.2.dev20260603
libtpu: 0.0.44.dev20260713+nightly
codegen_flags: <defaults>
</compile_context>

<pallas_src>
import functools

import jax
import jax.numpy as jnp
import numpy as np
from jax import lax
from jax.experimental import pallas as pl
from jax.experimental.pallas import tpu as pltpu
from jax.experimental.pallas import tpu_sc as plsc

_FMAP = 1024

_DROP_IDX = [
    4, 5, 8, 11, 13, 15, 20, 29, 31, 36, 43, 45, 56, 64, 66, 68, 70, 72, 73,
    80, 81, 82, 84, 87, 90, 92, 93, 94, 95, 96, 97, 105, 108, 109, 114, 116,
    121, 131, 137, 140, 143, 148, 149, 154, 162, 168, 172, 188, 189, 192, 196,
    197, 198, 206, 209, 211, 212, 219, 221, 226, 231, 237, 241, 247, 250, 252,
    258, 264, 266, 267, 269, 273, 274, 277, 278, 279, 283, 291, 299, 302, 304,
    305, 319, 321, 322, 325, 326, 327, 331, 333, 338, 342, 343, 347, 348, 354,
    356, 357, 358, 359, 362, 364, 375, 377, 379, 389, 392, 393, 397, 403, 405,
    409, 411, 418, 419, 423, 430, 432, 434, 435, 440, 447, 450, 452, 454, 457,
    471, 472, 473, 474, 478, 479, 482, 491, 503, 510, 511, 512, 516, 517, 519,
    524, 525, 526, 530, 534, 554, 555, 559, 561, 563, 566, 567, 569, 570, 582,
    586, 590, 601, 606, 607, 615, 618, 623, 625, 631, 643, 645, 649, 652, 653,
    654, 657, 666, 671, 675, 679, 691, 694, 695, 701, 703, 707, 710, 711, 713,
    714, 715, 716, 729, 741, 745, 755, 760, 766, 768, 769, 770, 771, 773, 778,
    779, 785, 807, 808, 815, 816, 831, 832, 844, 845, 860, 862, 869, 886, 892,
    902, 903, 905, 906, 909, 911, 924, 931, 935, 939, 940, 945, 946, 948, 953,
    962, 965, 968, 974, 975, 980, 982, 983, 987, 990, 991, 998, 1006, 1010,
    1012, 1013, 1015, 1016, 1017, 1019,
]

_ROWS = 4 * 2048
_NC, _NS, _L = 2, 16, 16
_NW = _NC * _NS
_RPW = _ROWS // _NW
_CH = 16
_NCH = _RPW // _CH
_NB = 7

_NDROP = len(_DROP_IDX)
_NPAD = -(-_NDROP // _L) * _L
_DROP_IDX_PAD = np.asarray(_DROP_IDX + [_DROP_IDX[-1]] * (_NPAD - _NDROP),
                           dtype=np.int32)
_NVEC = _NPAD // _L

_mesh = plsc.VectorSubcoreMesh(core_axis_name="c", subcore_axis_name="s")


@functools.partial(
    pl.kernel,
    mesh=_mesh,
    out_type=jax.ShapeDtypeStruct((_ROWS, _FMAP), jnp.float32),
    scratch_types=(
        [pltpu.VMEM((_CH, _FMAP), jnp.float32) for _ in range(_NB)]
        + [pltpu.VMEM((_NPAD,), jnp.int32), pltpu.VMEM((_NPAD,), jnp.float32)]
        + [pltpu.SemaphoreType.DMA for _ in range(2 * _NB)]
    ),
    compiler_params=pltpu.CompilerParams(needs_layout_passes=False),
)
def _sc_run(x_hbm, didx_hbm, dval_hbm, out_hbm, *refs):
    bufs = list(refs[:_NB])
    idx_v, val_v = refs[_NB], refs[_NB + 1]
    isems = list(refs[_NB + 2:_NB + 2 + _NB])
    osems = list(refs[_NB + 2 + _NB:])

    wid = lax.axis_index("s") * _NC + lax.axis_index("c")
    base = wid * _RPW

    in_h = [None] * _NB
    out_h = [None] * _NB
    for b in range(4):
        in_h[b] = pltpu.async_copy(
            x_hbm.at[pl.ds(base + b * _CH, _CH)], bufs[b], isems[b])

    pltpu.sync_copy(didx_hbm, idx_v)
    pltpu.sync_copy(dval_hbm, val_v)
    idxs = [idx_v[pl.ds(_L * j, _L)] for j in range(_NVEC)]
    vals = [val_v[pl.ds(_L * j, _L)] for j in range(_NVEC)]

    for ci in range(_NCH):
        b = ci % _NB
        nci = ci + 4
        if nci < _NCH:
            m = nci % _NB
            if nci >= _NB:
                out_h[m].wait()
            in_h[m] = pltpu.async_copy(
                x_hbm.at[pl.ds(base + nci * _CH, _CH)], bufs[m], isems[m])

        in_h[b].wait()

        def row_body(r, c, _b=b):
            rsplat = jnp.broadcast_to(r, (_L,)).astype(jnp.int32)
            for j in range(_NVEC):
                plsc.store_scatter(bufs[_b], [rsplat, idxs[j]], vals[j])
            return c

        lax.fori_loop(0, _CH, row_body, 0)
        out_h[b] = pltpu.async_copy(
            bufs[b], out_hbm.at[pl.ds(base + ci * _CH, _CH)], osems[b])

    for b in range(_NB):
        out_h[b].wait()


def kernel(features, feature_dropout_embed):
    didx = jnp.asarray(_DROP_IDX_PAD)
    dval = feature_dropout_embed[didx]
    x2d = features.reshape(_ROWS, _FMAP)
    out = _sc_run(x2d, didx, dval)
    return out.reshape(features.shape)

# --- scband reference (transcript-rebuilt; emitter-appended) ---
"""Pipeline reference for scband-feature-dropout-21784074126114 (READ-ONLY COPY).

The authoritative reference and input builder live on the scoring server;
editing this copy changes nothing except your own understanding.
"""

import jax, jax.numpy as jnp
import numpy as np

FMAP_SIZE = 1024
FEATURE_DROPOUT_PROBA = 1.0
MAX_FEATURES_DROPPED = 0.3
MIN_FEATURES_DROPPED = 0.1


def setup_inputs(seed: int = 0) -> dict:
    key = jax.random.key(seed)
    k1, k2 = jax.random.split(key)
    features = jax.random.normal(k1, (4, 2048, FMAP_SIZE), dtype=jnp.float32)
    # learned parameter: 2 * (rand(fmap_size) - 0.5)
    feature_dropout_embed = 2.0 * (jax.random.uniform(k2, (FMAP_SIZE,), dtype=jnp.float32) - 0.5)
    return {"features": features, "feature_dropout_embed": feature_dropout_embed}


def reference(features, feature_dropout_embed):
    # Faithful translation of FeatureDropout.forward with do_dropout=True.
    # Torch used torch.rand / np.random.choice; here we use a fixed jax PRNG key
    # so the stochastic branch and mask are deterministic.
    key = jax.random.key(42)
    kg, kf, kp = jax.random.split(key, 3)
    gate = jax.random.uniform(kg, ())
    out = features
    if MAX_FEATURES_DROPPED > 0.001:
        dropped_features_frac = jax.random.uniform(kf, ()) * (MAX_FEATURES_DROPPED - MIN_FEATURES_DROPPED) + MIN_FEATURES_DROPPED
        dropped_features = jnp.floor(dropped_features_frac * FMAP_SIZE).astype(jnp.int32)
        # np.random.choice(..., replace=False) over a fixed bool list == random permutation
        base_mask = jnp.arange(FMAP_SIZE) < dropped_features
        to_swap = jax.random.permutation(kp, base_mask)
        # features[..., to_swap] = embed[to_swap]  (broadcast over leading dims)
        dropped_out = jnp.where(to_swap, feature_dropout_embed, features)
        out = jnp.where(gate < FEATURE_DROPOUT_PROBA, dropped_out, features)
    return out

if __name__ == "__main__":
    import jax
    _d = setup_inputs()
    print(jax.jit(kernel)(*tuple(_d.values())))

</pallas_src>

<mosaic_0001>
#map = affine_map<(d0, d1) -> (0, 0)>
#map1 = affine_map<(d0, d1) -> (0)>
module attributes {stable_mosaic.version = 14 : i64} {
  func.func @_sc_run(%arg0: i32, %arg1: i32, %arg2: memref<8192x1024xf32, #tpu.memory_space<hbm>>, %arg3: memref<256xi32, #tpu.memory_space<hbm>>, %arg4: memref<256xf32, #tpu.memory_space<hbm>>, %arg5: memref<8192x1024xf32, #tpu.memory_space<hbm>>, %arg6: memref<16x1024xf32, #tpu.memory_space<vmem>>, %arg7: memref<16x1024xf32, #tpu.memory_space<vmem>>, %arg8: memref<16x1024xf32, #tpu.memory_space<vmem>>, %arg9: memref<16x1024xf32, #tpu.memory_space<vmem>>, %arg10: memref<16x1024xf32, #tpu.memory_space<vmem>>, %arg11: memref<16x1024xf32, #tpu.memory_space<vmem>>, %arg12: memref<16x1024xf32, #tpu.memory_space<vmem>>, %arg13: memref<256xi32, #tpu.memory_space<vmem>>, %arg14: memref<256xf32, #tpu.memory_space<vmem>>, %arg15: memref<!tpu.dma_semaphore, #tpu.memory_space<semaphore_mem>>, %arg16: memref<!tpu.dma_semaphore, #tpu.memory_space<semaphore_mem>>, %arg17: memref<!tpu.dma_semaphore, #tpu.memory_space<semaphore_mem>>, %arg18: memref<!tpu.dma_semaphore, #tpu.memory_space<semaphore_mem>>, %arg19: memref<!tpu.dma_semaphore, #tpu.memory_space<semaphore_mem>>, %arg20: memref<!tpu.dma_semaphore, #tpu.memory_space<semaphore_mem>>, %arg21: memref<!tpu.dma_semaphore, #tpu.memory_space<semaphore_mem>>, %arg22: memref<!tpu.dma_semaphore, #tpu.memory_space<semaphore_mem>>, %arg23: memref<!tpu.dma_semaphore, #tpu.memory_space<semaphore_mem>>, %arg24: memref<!tpu.dma_semaphore, #tpu.memory_space<semaphore_mem>>, %arg25: memref<!tpu.dma_semaphore, #tpu.memory_space<semaphore_mem>>, %arg26: memref<!tpu.dma_semaphore, #tpu.memory_space<semaphore_mem>>, %arg27: memref<!tpu.dma_semaphore, #tpu.memory_space<semaphore_mem>>, %arg28: memref<!tpu.dma_semaphore, #tpu.memory_space<semaphore_mem>>) attributes {dimension_semantics = [#tpu.dimension_semantics<core_parallel>, #tpu.dimension_semantics<subcore_parallel>], iteration_bounds = array<i64: 2, 16>, scalar_prefetch = 0 : i64, scratch_operands = 23 : i64, tpu.core_type = #tpu.core_type<sc_vector_subcore>, window_params = [{transform_indices = #map}, {transform_indices = #map1}, {transform_indices = #map1}, {transform_indices = #map}]} {
    %mul3A = arith.constant 2 : i32
    %mul3A_0 = arith.muli %arg1, %mul3A : i32
    %add3A = arith.addi %mul3A_0, %arg0 : i32
    %mul3A_1 = arith.constant 256 : i32
    %mul3A_2 = arith.muli %add3A, %mul3A_1 : i32
    %add3A_3 = arith.constant 0 : i32
    %add3A_4 = arith.addi %mul3A_2, %add3A_3 : i32
    %dma_start3A = arith.constant 0 : i32
    %dma_start3A_5 = tpu.memref_slice %arg2[%add3A_4, %dma_start3A] : memref<8192x1024xf32, #tpu.memory_space<hbm>> -> memref<16x1024xf32, #tpu.memory_space<hbm>>
    %dma_start3A_6 = arith.constant 0 : i32
    %dma_start3A_7 = tpu.memref_slice %arg2[%add3A_4, %dma_start3A_6] : memref<8192x1024xf32, #tpu.memory_space<hbm>> -> memref<16x1024xf32, #tpu.memory_space<hbm>>
    tpu.enqueue_dma source(%dma_start3A_7 : memref<16x1024xf32, #tpu.memory_space<hbm>>) target(%arg6 : memref<16x1024xf32, #tpu.memory_space<vmem>>) target_semaphore(%arg15 : memref<!tpu.dma_semaphore, #tpu.memory_space<semaphore_mem>>)
    %add3A_8 = arith.constant 16 : i32
    %add3A_9 = arith.addi %mul3A_2, %add3A_8 : i32
    %dma_start3A_10 = arith.constant 0 : i32
    %dma_start3A_11 = tpu.memref_slice %arg2[%add3A_9, %dma_start3A_10] : memref<8192x1024xf32, #tpu.memory_space<hbm>> -> memref<16x1024xf32, #tpu.memory_space<hbm>>
    %dma_start3A_12 = arith.constant 0 : i32
    %dma_start3A_13 = tpu.memref_slice %arg2[%add3A_9, %dma_start3A_12] : memref<8192x1024xf32, #tpu.memory_space<hbm>> -> memref<16x1024xf32, #tpu.memory_space<hbm>>
    tpu.enqueue_dma source(%dma_start3A_13 : memref<16x1024xf32, #tpu.memory_space<hbm>>) target(%arg7 : memref<16x1024xf32, #tpu.memory_space<vmem>>) target_semaphore(%arg16 : memref<!tpu.dma_semaphore, #tpu.memory_space<semaphore_mem>>)
    %add3A_14 = arith.constant 32 : i32
    %add3A_15 = arith.addi %mul3A_2, %add3A_14 : i32
    %dma_start3A_16 = arith.constant 0 : i32
    %dma_start3A_17 = tpu.memref_slice %arg2[%add3A_15, %dma_start3A_16] : memref<8192x1024xf32, #tpu.memory_space<hbm>> -> memref<16x1024xf32, #tpu.memory_space<hbm>>
    %dma_start3A_18 = arith.constant 0 : i32
    %dma_start3A_19 = tpu.memref_slice %arg2[%add3A_15, %dma_start3A_18] : memref<8192x1024xf32, #tpu.memory_space<hbm>> -> memref<16x1024xf32, #tpu.memory_space<hbm>>
    tpu.enqueue_dma source(%dma_start3A_19 : memref<16x1024xf32, #tpu.memory_space<hbm>>) target(%arg8 : memref<16x1024xf32, #tpu.memory_space<vmem>>) target_semaphore(%arg17 : memref<!tpu.dma_semaphore, #tpu.memory_space<semaphore_mem>>)
    %add3A_20 = arith.constant 48 : i32
    %add3A_21 = arith.addi %mul3A_2, %add3A_20 : i32
    %dma_start3A_22 = arith.constant 0 : i32
    %dma_start3A_23 = tpu.memref_slice %arg2[%add3A_21, %dma_start3A_22] : memref<8192x1024xf32, #tpu.memory_space<hbm>> -> memref<16x1024xf32, #tpu.memory_space<hbm>>
    %dma_start3A_24 = arith.constant 0 : i32
    %dma_start3A_25 = tpu.memref_slice %arg2[%add3A_21, %dma_start3A_24] : memref<8192x1024xf32, #tpu.memory_space<hbm>> -> memref<16x1024xf32, #tpu.memory_space<hbm>>
    tpu.enqueue_dma source(%dma_start3A_25 : memref<16x1024xf32, #tpu.memory_space<hbm>>) target(%arg9 : memref<16x1024xf32, #tpu.memory_space<vmem>>) target_semaphore(%arg18 : memref<!tpu.dma_semaphore, #tpu.memory_space<semaphore_mem>>)
    "tpu.region"() ({
      %run_scoped3A = tpu.sem_alloc : memref<!tpu.dma_semaphore, #tpu.memory_space<semaphore_mem>>
      tpu.enqueue_dma source(%arg3 : memref<256xi32, #tpu.memory_space<hbm>>) target(%arg13 : memref<256xi32, #tpu.memory_space<vmem>>) target_semaphore(%run_scoped3A : memref<!tpu.dma_semaphore, #tpu.memory_space<semaphore_mem>>)
      tpu.wait_dma2 semaphore(%run_scoped3A : memref<!tpu.dma_semaphore, #tpu.memory_space<semaphore_mem>>) src(%arg3 : memref<256xi32, #tpu.memory_space<hbm>>) dst(%arg13 : memref<256xi32, #tpu.memory_space<vmem>>)
      tpu.yield
    }) : () -> ()
    "tpu.region"() ({
      %run_scoped3A = tpu.sem_alloc : memref<!tpu.dma_semaphore, #tpu.memory_space<semaphore_mem>>
      tpu.enqueue_dma source(%arg4 : memref<256xf32, #tpu.memory_space<hbm>>) target(%arg14 : memref<256xf32, #tpu.memory_space<vmem>>) target_semaphore(%run_scoped3A : memref<!tpu.dma_semaphore, #tpu.memory_space<semaphore_mem>>)
      tpu.wait_dma2 semaphore(%run_scoped3A : memref<!tpu.dma_semaphore, #tpu.memory_space<semaphore_mem>>) src(%arg4 : memref<256xf32, #tpu.memory_space<hbm>>) dst(%arg14 : memref<256xf32, #tpu.memory_space<vmem>>)
      tpu.yield
    }) : () -> ()
    %get3A = arith.constant 0 : index
    %get3A_26 = tpu.vector_load %arg13[%get3A] {strides = array<i32>} : memref<256xi32, #tpu.memory_space<vmem>>, vector<16xi32>,
    %get3A_27 = arith.constant 16 : index
    %get3A_28 = tpu.vector_load %arg13[%get3A_27] {strides = array<i32>} : memref<256xi32, #tpu.memory_space<vmem>>, vector<16xi32>,
    %get3A_29 = arith.constant 32 : index
    %get3A_30 = tpu.vector_load %arg13[%get3A_29] {strides = array<i32>} : memref<256xi32, #tpu.memory_space<vmem>>, vector<16xi32>,
    %get3A_31 = arith.constant 48 : index
    %get3A_32 = tpu.vector_load %arg13[%get3A_31] {strides = array<i32>} : memref<256xi32, #tpu.memory_space<vmem>>, vector<16xi32>,
    %get3A_33 = arith.constant 64 : index
    %get3A_34 = tpu.vector_load %arg13[%get3A_33] {strides = array<i32>} : memref<256xi32, #tpu.memory_space<vmem>>, vector<16xi32>,
    %get3A_35 = arith.constant 80 : index
    %get3A_36 = tpu.vector_load %arg13[%get3A_35] {strides = array<i32>} : memref<256xi32, #tpu.memory_space<vmem>>, vector<16xi32>,
    %get3A_37 = arith.constant 96 : index
    %get3A_38 = tpu.vector_load %arg13[%get3A_37] {strides = array<i32>} : memref<256xi32, #tpu.memory_space<vmem>>, vector<16xi32>,
    %get3A_39 = arith.constant 112 : index
    %get3A_40 = tpu.vector_load %arg13[%get3A_39] {strides = array<i32>} : memref<256xi32, #tpu.memory_space<vmem>>, vector<16xi32>,
    %get3A_41 = arith.constant 128 : index
    %get3A_42 = tpu.vector_load %arg13[%get3A_41] {strides = array<i32>} : memref<256xi32, #tpu.memory_space<vmem>>, vector<16xi32>,
    %get3A_43 = arith.constant 144 : index
    %get3A_44 = tpu.vector_load %arg13[%get3A_43] {strides = array<i32>} : memref<256xi32, #tpu.memory_space<vmem>>, vector<16xi32>,
    %get3A_45 = arith.constant 160 : index
    %get3A_46 = tpu.vector_load %arg13[%get3A_45] {strides = array<i32>} : memref<256xi32, #tpu.memory_space<vmem>>, vector<16xi32>,
    %get3A_47 = arith.constant 176 : index
    %get3A_48 = tpu.vector_load %arg13[%get3A_47] {strides = array<i32>} : memref<256xi32, #tpu.memory_space<vmem>>, vector<16xi32>,
    %get3A_49 = arith.constant 192 : index
    %get3A_50 = tpu.vector_load %arg13[%get3A_49] {strides = array<i32>} : memref<256xi32, #tpu.memory_space<vmem>>, vector<16xi32>,
    %get3A_51 = arith.constant 208 : index
    %get3A_52 = tpu.vector_load %arg13[%get3A_51] {strides = array<i32>} : memref<256xi32, #tpu.memory_space<vmem>>, vector<16xi32>,
    %get3A_53 = arith.constant 224 : index
    %get3A_54 = tpu.vector_load %arg13[%get3A_53] {strides = array<i32>} : memref<256xi32, #tpu.memory_space<vmem>>, vector<16xi32>,
    %get3A_55 = arith.constant 240 : index
    %get3A_56 = tpu.vector_load %arg13[%get3A_55] {strides = array<i32>} : memref<256xi32, #tpu.memory_space<vmem>>, vector<16xi32>,
    %get3A_57 = arith.constant 0 : index
    %get3A_58 = tpu.vector_load %arg14[%get3A_57] {strides = array<i32>} : memref<256xf32, #tpu.memory_space<vmem>>, vector<16xf32>,
    %get3A_59 = arith.constant 16 : index
    %get3A_60 = tpu.vector_load %arg14[%get3A_59] {strides = array<i32>} : memref<256xf32, #tpu.memory_space<vmem>>, vector<16xf32>,
    %get3A_61 = arith.constant 32 : index
    %get3A_62 = tpu.vector_load %arg14[%get3A_61] {strides = array<i32>} : memref<256xf32, #tpu.memory_space<vmem>>, vector<16xf32>,
    %get3A_63 = arith.constant 48 : index
    %get3A_64 = tpu.vector_load %arg14[%get3A_63] {strides = array<i32>} : memref<256xf32, #tpu.memory_space<vmem>>, vector<16xf32>,
    %get3A_65 = arith.constant 64 : index
    %get3A_66 = tpu.vector_load %arg14[%get3A_65] {strides = array<i32>} : memref<256xf32, #tpu.memory_space<vmem>>, vector<16xf32>,
    %get3A_67 = arith.constant 80 : index
    %get3A_68 = tpu.vector_load %arg14[%get3A_67] {strides = array<i32>} : memref<256xf32, #tpu.memory_space<vmem>>, vector<16xf32>,
    %get3A_69 = arith.constant 96 : index
    %get3A_70 = tpu.vector_load %arg14[%get3A_69] {strides = array<i32>} : memref<256xf32, #tpu.memory_space<vmem>>, vector<16xf32>,
    %get3A_71 = arith.constant 112 : index
    %get3A_72 = tpu.vector_load %arg14[%get3A_71] {strides = array<i32>} : memref<256xf32, #tpu.memory_space<vmem>>, vector<16xf32>,
    %get3A_73 = arith.constant 128 : index
    %get3A_74 = tpu.vector_load %arg14[%get3A_73] {strides = array<i32>} : memref<256xf32, #tpu.memory_space<vmem>>, vector<16xf32>,
    %get3A_75 = arith.constant 144 : index
    %get3A_76 = tpu.vector_load %arg14[%get3A_75] {strides = array<i32>} : memref<256xf32, #tpu.memory_space<vmem>>, vector<16xf32>,
    %get3A_77 = arith.constant 160 : index
    %get3A_78 = tpu.vector_load %arg14[%get3A_77] {strides = array<i32>} : memref<256xf32, #tpu.memory_space<vmem>>, vector<16xf32>,
    %get3A_79 = arith.constant 176 : index
    %get3A_80 = tpu.vector_load %arg14[%get3A_79] {strides = array<i32>} : memref<256xf32, #tpu.memory_space<vmem>>, vector<16xf32>,
    %get3A_81 = arith.constant 192 : index
    %get3A_82 = tpu.vector_load %arg14[%get3A_81] {strides = array<i32>} : memref<256xf32, #tpu.memory_space<vmem>>, vector<16xf32>,
    %get3A_83 = arith.constant 208 : index
    %get3A_84 = tpu.vector_load %arg14[%get3A_83] {strides = array<i32>} : memref<256xf32, #tpu.memory_space<vmem>>, vector<16xf32>,
    %get3A_85 = arith.constant 224 : index
    %get3A_86 = tpu.vector_load %arg14[%get3A_85] {strides = array<i32>} : memref<256xf32, #tpu.memory_space<vmem>>, vector<16xf32>,
    %get3A_87 = arith.constant 240 : index
    %get3A_88 = tpu.vector_load %arg14[%get3A_87] {strides = array<i32>} : memref<256xf32, #tpu.memory_space<vmem>>, vector<16xf32>,
    %add3A_89 = arith.constant 64 : i32
    %add3A_90 = arith.addi %mul3A_2, %add3A_89 : i32
    %dma_start3A_91 = arith.constant 0 : i32
    %dma_start3A_92 = tpu.memref_slice %arg2[%add3A_90, %dma_start3A_91] : memref<8192x1024xf32, #tpu.memory_space<hbm>> -> memref<16x1024xf32, #tpu.memory_space<hbm>>
    %dma_start3A_93 = arith.constant 0 : i32
    %dma_start3A_94 = tpu.memref_slice %arg2[%add3A_90, %dma_start3A_93] : memref<8192x1024xf32, #tpu.memory_space<hbm>> -> memref<16x1024xf32, #tpu.memory_space<hbm>>
    tpu.enqueue_dma source(%dma_start3A_94 : memref<16x1024xf32, #tpu.memory_space<hbm>>) target(%arg10 : memref<16x1024xf32, #tpu.memory_space<vmem>>) target_semaphore(%arg19 : memref<!tpu.dma_semaphore, #tpu.memory_space<semaphore_mem>>)
    %dma_wait3A = arith.constant 0 : i32
    %dma_wait3A_95 = tpu.memref_slice %arg2[%add3A_4, %dma_wait3A] : memref<8192x1024xf32, #tpu.memory_space<hbm>> -> memref<16x1024xf32, #tpu.memory_space<hbm>>
    %dma_wait3A_96 = arith.constant 0 : i32
    %dma_wait3A_97 = tpu.memref_slice %arg2[%add3A_4, %dma_wait3A_96] : memref<8192x1024xf32, #tpu.memory_space<hbm>> -> memref<16x1024xf32, #tpu.memory_space<hbm>>
    tpu.wait_dma2 semaphore(%arg15 : memref<!tpu.dma_semaphore, #tpu.memory_space<semaphore_mem>>) src(%dma_wait3A_97 : memref<16x1024xf32, #tpu.memory_space<hbm>>) dst(%arg6 : memref<16x1024xf32, #tpu.memory_space<vmem>>)
    %scan3A = arith.constant 0 : i32
    %scan3A_98 = arith.constant 0 : i32
    %scan3A_99 = arith.constant 16 : i32
    %scan3A_100 = arith.addi %scan3A_98, %scan3A_99 : i32
    %scan3A_101 = arith.constant 1 : i32
    scf.for %scan3A_479 = %scan3A_98 to %scan3A_100 step %scan3A_101  : i32 {
      %broadcast_in_dim3A = vector.broadcast %scan3A_479 : i32 to vector<16xi32>
      tpu.vector_store_idx %arg6[%broadcast_in_dim3A, %get3A_26], %get3A_58 : memref<16x1024xf32, #tpu.memory_space<vmem>>[vector<16xi32>, vector<16xi32>], vector<16xf32>,
      tpu.vector_store_idx %arg6[%broadcast_in_dim3A, %get3A_28], %get3A_60 : memref<16x1024xf32, #tpu.memory_space<vmem>>[vector<16xi32>, vector<16xi32>], vector<16xf32>,
      tpu.vector_store_idx %arg6[%broadcast_in_dim3A, %get3A_30], %get3A_62 : memref<16x1024xf32, #tpu.memory_space<vmem>>[vector<16xi32>, vector<16xi32>], vector<16xf32>,
      tpu.vector_store_idx %arg6[%broadcast_in_dim3A, %get3A_32], %get3A_64 : memref<16x1024xf32, #tpu.memory_space<vmem>>[vector<16xi32>, vector<16xi32>], vector<16xf32>,
      tpu.vector_store_idx %arg6[%broadcast_in_dim3A, %get3A_34], %get3A_66 : memref<16x1024xf32, #tpu.memory_space<vmem>>[vector<16xi32>, vector<16xi32>], vector<16xf32>,
      tpu.vector_store_idx %arg6[%broadcast_in_dim3A, %get3A_36], %get3A_68 : memref<16x1024xf32, #tpu.memory_space<vmem>>[vector<16xi32>, vector<16xi32>], vector<16xf32>,
      tpu.vector_store_idx %arg6[%broadcast_in_dim3A, %get3A_38], %get3A_70 : memref<16x1024xf32, #tpu.memory_space<vmem>>[vector<16xi32>, vector<16xi32>], vector<16xf32>,
      tpu.vector_store_idx %arg6[%broadcast_in_dim3A, %get3A_40], %get3A_72 : memref<16x1024xf32, #tpu.memory_space<vmem>>[vector<16xi32>, vector<16xi32>], vector<16xf32>,
      tpu.vector_store_idx %arg6[%broadcast_in_dim3A, %get3A_42], %get3A_74 : memref<16x1024xf32, #tpu.memory_space<vmem>>[vector<16xi32>, vector<16xi32>], vector<16xf32>,
      tpu.vector_store_idx %arg6[%broadcast_in_dim3A, %get3A_44], %get3A_76 : memref<16x1024xf32, #tpu.memory_space<vmem>>[vector<16xi32>, vector<16xi32>], vector<16xf32>,
      tpu.vector_store_idx %arg6[%broadcast_in_dim3A, %get3A_46], %get3A_78 : memref<16x1024xf32, #tpu.memory_space<vmem>>[vector<16xi32>, vector<16xi32>], vector<16xf32>,
      tpu.vector_store_idx %arg6[%broadcast_in_dim3A, %get3A_48], %get3A_80 : memref<16x1024xf32, #tpu.memory_space<vmem>>[vector<16xi32>, vector<16xi32>], vector<16xf32>,
      tpu.vector_store_idx %arg6[%broadcast_in_dim3A, %get3A_50], %get3A_82 : memref<16x1024xf32, #tpu.memory_space<vmem>>[vector<16xi32>, vector<16xi32>], vector<16xf32>,
      tpu.vector_store_idx %arg6[%broadcast_in_dim3A, %get3A_52], %get3A_84 : memref<16x1024xf32, #tpu.memory_space<vmem>>[vector<16xi32>, vector<16xi32>], vector<16xf32>,
      tpu.vector_store_idx %arg6[%broadcast_in_dim3A, %get3A_54], %get3A_86 : memref<16x1024xf32, #tpu.memory_space<vmem>>[vector<16xi32>, vector<16xi32>], vector<16xf32>,
      tpu.vector_store_idx %arg6[%broadcast_in_dim3A, %get3A_56], %get3A_88 : memref<16x1024xf32, #tpu.memory_space<vmem>>[vector<16xi32>, vector<16xi32>], vector<16xf32>,
    }
    %scan3A_102 = arith.constant 16 : i32
    %add3A_103 = arith.constant 0 : i32
    %add3A_104 = arith.addi %mul3A_2, %add3A_103 : i32
    %dma_start3A_105 = arith.constant 0 : i32
    %dma_start3A_106 = tpu.memref_slice %arg5[%add3A_104, %dma_start3A_105] : memref<8192x1024xf32, #tpu.memory_space<hbm>> -> memref<16x1024xf32, #tpu.memory_space<hbm>>
    %dma_start3A_107 = arith.constant 0 : i32
    %dma_start3A_108 = tpu.memref_slice %arg5[%add3A_104, %dma_start3A_107] : memref<8192x1024xf32, #tpu.memory_space<hbm>> -> memref<16x1024xf32, #tpu.memory_space<hbm>>
    tpu.enqueue_dma source(%arg6 : memref<16x1024xf32, #tpu.memory_space<vmem>>) target(%dma_start3A_108 : memref<16x1024xf32, #tpu.memory_space<hbm>>) target_semaphore(%arg22 : memref<!tpu.dma_semaphore, #tpu.memory_space<semaphore_mem>>)
    %add3A_109 = arith.constant 80 : i32
    %add3A_110 = arith.addi %mul3A_2, %add3A_109 : i32
    %dma_start3A_111 = arith.constant 0 : i32
    %dma_start3A_112 = tpu.memref_slice %arg2[%add3A_110, %dma_start3A_111] : memref<8192x1024xf32, #tpu.memory_space<hbm>> -> memref<16x1024xf32, #tpu.memory_space<hbm>>
    %dma_start3A_113 = arith.constant 0 : i32
    %dma_start3A_114 = tpu.memref_slice %arg2[%add3A_110, %dma_start3A_113] : memref<8192x1024xf32, #tpu.memory_space<hbm>> -> memref<16x1024xf32, #tpu.memory_space<hbm>>
    tpu.enqueue_dma source(%dma_start3A_114 : memref<16x1024xf32, #tpu.memory_space<hbm>>) target(%arg11 : memref<16x1024xf32, #tpu.memory_space<vmem>>) target_semaphore(%arg20 : memref<!tpu.dma_semaphore, #tpu.memory_space<semaphore_mem>>)
    %dma_wait3A_115 = arith.constant 0 : i32
    %dma_wait3A_116 = tpu.memref_slice %arg2[%add3A_9, %dma_wait3A_115] : memref<8192x1024xf32, #tpu.memory_space<hbm>> -> memref<16x1024xf32, #tpu.memory_space<hbm>>
    %dma_wait3A_117 = arith.constant 0 : i32
    %dma_wait3A_118 = tpu.memref_slice %arg2[%add3A_9, %dma_wait3A_117] : memref<8192x1024xf32, #tpu.memory_space<hbm>> -> memref<16x1024xf32, #tpu.memory_space<hbm>>
    tpu.wait_dma2 semaphore(%arg16 : memref<!tpu.dma_semaphore, #tpu.memory_space<semaphore_mem>>) src(%dma_wait3A_118 : memref<16x1024xf32, #tpu.memory_space<hbm>>) dst(%arg7 : memref<16x1024xf32, #tpu.memory_space<vmem>>)
    %scan3A_119 = arith.constant 0 : i32
    %scan3A_120 = arith.constant 0 : i32
    %scan3A_121 = arith.constant 16 : i32
    %scan3A_122 = arith.addi %scan3A_120, %scan3A_121 : i32
    %scan3A_123 = arith.constant 1 : i32
    scf.for %scan3A_479 = %scan3A_120 to %scan3A_122 step %scan3A_123  : i32 {
      %broadcast_in_dim3A = vector.broadcast %scan3A_479 : i32 to vector<16xi32>
      tpu.vector_store_idx %arg7[%broadcast_in_dim3A, %get3A_26], %get3A_58 : memref<16x1024xf32, #tpu.memory_space<vmem>>[vector<16xi32>, vector<16xi32>], vector<16xf32>,
      tpu.vector_store_idx %arg7[%broadcast_in_dim3A, %get3A_28], %get3A_60 : memref<16x1024xf32, #tpu.memory_space<vmem>>[vector<16xi32>, vector<16xi32>], vector<16xf32>,
      tpu.vector_store_idx %arg7[%broadcast_in_dim3A, %get3A_30], %get3A_62 : memref<16x1024xf32, #tpu.memory_space<vmem>>[vector<16xi32>, vector<16xi32>], vector<16xf32>,
      tpu.vector_store_idx %arg7[%broadcast_in_dim3A, %get3A_32], %get3A_64 : memref<16x1024xf32, #tpu.memory_space<vmem>>[vector<16xi32>, vector<16xi32>], vector<16xf32>,
      tpu.vector_store_idx %arg7[%broadcast_in_dim3A, %get3A_34], %get3A_66 : memref<16x1024xf32, #tpu.memory_space<vmem>>[vector<16xi32>, vector<16xi32>], vector<16xf32>,
      tpu.vector_store_idx %arg7[%broadcast_in_dim3A, %get3A_36], %get3A_68 : memref<16x1024xf32, #tpu.memory_space<vmem>>[vector<16xi32>, vector<16xi32>], vector<16xf32>,
      tpu.vector_store_idx %arg7[%broadcast_in_dim3A, %get3A_38], %get3A_70 : memref<16x1024xf32, #tpu.memory_space<vmem>>[vector<16xi32>, vector<16xi32>], vector<16xf32>,
      tpu.vector_store_idx %arg7[%broadcast_in_dim3A, %get3A_40], %get3A_72 : memref<16x1024xf32, #tpu.memory_space<vmem>>[vector<16xi32>, vector<16xi32>], vector<16xf32>,
      tpu.vector_store_idx %arg7[%broadcast_in_dim3A, %get3A_42], %get3A_74 : memref<16x1024xf32, #tpu.memory_space<vmem>>[vector<16xi32>, vector<16xi32>], vector<16xf32>,
      tpu.vector_store_idx %arg7[%broadcast_in_dim3A, %get3A_44], %get3A_76 : memref<16x1024xf32, #tpu.memory_space<vmem>>[vector<16xi32>, vector<16xi32>], vector<16xf32>,
      tpu.vector_store_idx %arg7[%broadcast_in_dim3A, %get3A_46], %get3A_78 : memref<16x1024xf32, #tpu.memory_space<vmem>>[vector<16xi32>, vector<16xi32>], vector<16xf32>,
      tpu.vector_store_idx %arg7[%broadcast_in_dim3A, %get3A_48], %get3A_80 : memref<16x1024xf32, #tpu.memory_space<vmem>>[vector<16xi32>, vector<16xi32>], vector<16xf32>,
      tpu.vector_store_idx %arg7[%broadcast_in_dim3A, %get3A_50], %get3A_82 : memref<16x1024xf32, #tpu.memory_space<vmem>>[vector<16xi32>, vector<16xi32>], vector<16xf32>,
      tpu.vector_store_idx %arg7[%broadcast_in_dim3A, %get3A_52], %get3A_84 : memref<16x1024xf32, #tpu.memory_space<vmem>>[vector<16xi32>, vector<16xi32>], vector<16xf32>,
      tpu.vector_store_idx %arg7[%broadcast_in_dim3A, %get3A_54], %get3A_86 : memref<16x1024xf32, #tpu.memory_space<vmem>>[vector<16xi32>, vector<16xi32>], vector<16xf32>,
      tpu.vector_store_idx %arg7[%broadcast_in_dim3A, %get3A_56], %get3A_88 : memref<16x1024xf32, #tpu.memory_space<vmem>>[vector<16xi32>, vector<16xi32>], vector<16xf32>,
    }
    %scan3A_124 = arith.constant 16 : i32
    %add3A_125 = arith.constant 16 : i32
    %add3A_126 = arith.addi %mul3A_2, %add3A_125 : i32
    %dma_start3A_127 = arith.constant 0 : i32
    %dma_start3A_128 = tpu.memref_slice %arg5[%add3A_126, %dma_start3A_127] : memref<8192x1024xf32, #tpu.memory_space<hbm>> -> memref<16x1024xf32, #tpu.memory_space<hbm>>
    %dma_start3A_129 = arith.constant 0 : i32
    %dma_start3A_130 = tpu.memref_slice %arg5[%add3A_126, %dma_start3A_129] : memref<8192x1024xf32, #tpu.memory_space<hbm>> -> memref<16x1024xf32, #tpu.memory_space<hbm>>
    tpu.enqueue_dma source(%arg7 : memref<16x1024xf32, #tpu.memory_space<vmem>>) target(%dma_start3A_130 : memref<16x1024xf32, #tpu.memory_space<hbm>>) target_semaphore(%arg23 : memref<!tpu.dma_semaphore, #tpu.memory_space<semaphore_mem>>)
    %add3A_131 = arith.constant 96 : i32
    %add3A_132 = arith.addi %mul3A_2, %add3A_131 : i32
    %dma_start3A_133 = arith.constant 0 : i32
    %dma_start3A_134 = tpu.memref_slice %arg2[%add3A_132, %dma_start3A_133] : memref<8192x1024xf32, #tpu.memory_space<hbm>> -> memref<16x1024xf32, #tpu.memory_space<hbm>>
    %dma_start3A_135 = arith.constant 0 : i32
    %dma_start3A_136 = tpu.memref_slice %arg2[%add3A_132, %dma_start3A_135] : memref<8192x1024xf32, #tpu.memory_space<hbm>> -> memref<16x1024xf32, #tpu.memory_space<hbm>>
    tpu.enqueue_dma source(%dma_start3A_136 : memref<16x1024xf32, #tpu.memory_space<hbm>>) target(%arg12 : memref<16x1024xf32, #tpu.memory_space<vmem>>) target_semaphore(%arg21 : memref<!tpu.dma_semaphore, #tpu.memory_space<semaphore_mem>>)
    %dma_wait3A_137 = arith.constant 0 : i32
    %dma_wait3A_138 = tpu.memref_slice %arg2[%add3A_15, %dma_wait3A_137] : memref<8192x1024xf32, #tpu.memory_space<hbm>> -> memref<16x1024xf32, #tpu.memory_space<hbm>>
    %dma_wait3A_139 = arith.constant 0 : i32
    %dma_wait3A_140 = tpu.memref_slice %arg2[%add3A_15, %dma_wait3A_139] : memref<8192x1024xf32, #tpu.memory_space<hbm>> -> memref<16x1024xf32, #tpu.memory_space<hbm>>
    tpu.wait_dma2 semaphore(%arg17 : memref<!tpu.dma_semaphore, #tpu.memory_space<semaphore_mem>>) src(%dma_wait3A_140 : memref<16x1024xf32, #tpu.memory_space<hbm>>) dst(%arg8 : memref<16x1024xf32, #tpu.memory_space<vmem>>)
    %scan3A_141 = arith.constant 0 : i32
    %scan3A_142 = arith.constant 0 : i32
    %scan3A_143 = arith.constant 16 : i32
    %scan3A_144 = arith.addi %scan3A_142, %scan3A_143 : i32
    %scan3A_145 = arith.constant 1 : i32
    scf.for %scan3A_479 = %scan3A_142 to %scan3A_144 step %scan3A_145  : i32 {
      %broadcast_in_dim3A = vector.broadcast %scan3A_479 : i32 to vector<16xi32>
      tpu.vector_store_idx %arg8[%broadcast_in_dim3A, %get3A_26], %get3A_58 : memref<16x1024xf32, #tpu.memory_space<vmem>>[vector<16xi32>, vector<16xi32>], vector<16xf32>,
      tpu.vector_store_idx %arg8[%broadcast_in_dim3A, %get3A_28], %get3A_60 : memref<16x1024xf32, #tpu.memory_space<vmem>>[vector<16xi32>, vector<16xi32>], vector<16xf32>,
      tpu.vector_store_idx %arg8[%broadcast_in_dim3A, %get3A_30], %get3A_62 : memref<16x1024xf32, #tpu.memory_space<vmem>>[vector<16xi32>, vector<16xi32>], vector<16xf32>,
      tpu.vector_store_idx %arg8[%broadcast_in_dim3A, %get3A_32], %get3A_64 : memref<16x1024xf32, #tpu.memory_space<vmem>>[vector<16xi32>, vector<16xi32>], vector<16xf32>,
      tpu.vector_store_idx %arg8[%broadcast_in_dim3A, %get3A_34], %get3A_66 : memref<16x1024xf32, #tpu.memory_space<vmem>>[vector<16xi32>, vector<16xi32>], vector<16xf32>,
      tpu.vector_store_idx %arg8[%broadcast_in_dim3A, %get3A_36], %get3A_68 : memref<16x1024xf32, #tpu.memory_space<vmem>>[vector<16xi32>, vector<16xi32>], vector<16xf32>,
      tpu.vector_store_idx %arg8[%broadcast_in_dim3A, %get3A_38], %get3A_70 : memref<16x1024xf32, #tpu.memory_space<vmem>>[vector<16xi32>, vector<16xi32>], vector<16xf32>,
      tpu.vector_store_idx %arg8[%broadcast_in_dim3A, %get3A_40], %get3A_72 : memref<16x1024xf32, #tpu.memory_space<vmem>>[vector<16xi32>, vector<16xi32>], vector<16xf32>,
      tpu.vector_store_idx %arg8[%broadcast_in_dim3A, %get3A_42], %get3A_74 : memref<16x1024xf32, #tpu.memory_space<vmem>>[vector<16xi32>, vector<16xi32>], vector<16xf32>,
      tpu.vector_store_idx %arg8[%broadcast_in_dim3A, %get3A_44], %get3A_76 : memref<16x1024xf32, #tpu.memory_space<vmem>>[vector<16xi32>, vector<16xi32>], vector<16xf32>,
      tpu.vector_store_idx %arg8[%broadcast_in_dim3A, %get3A_46], %get3A_78 : memref<16x1024xf32, #tpu.memory_space<vmem>>[vector<16xi32>, vector<16xi32>], vector<16xf32>,
      tpu.vector_store_idx %arg8[%broadcast_in_dim3A, %get3A_48], %get3A_80 : memref<16x1024xf32, #tpu.memory_space<vmem>>[vector<16xi32>, vector<16xi32>], vector<16xf32>,
      tpu.vector_store_idx %arg8[%broadcast_in_dim3A, %get3A_50], %get3A_82 : memref<16x1024xf32, #tpu.memory_space<vmem>>[vector<16xi32>, vector<16xi32>], vector<16xf32>,
      tpu.vector_store_idx %arg8[%broadcast_in_dim3A, %get3A_52], %get3A_84 : memref<16x1024xf32, #tpu.memory_space<vmem>>[vector<16xi32>, vector<16xi32>], vector<16xf32>,
      tpu.vector_store_idx %arg8[%broadcast_in_dim3A, %get3A_54], %get3A_86 : memref<16x1024xf32, #tpu.memory_space<vmem>>[vector<16xi32>, vector<16xi32>], vector<16xf32>,
      tpu.vector_store_idx %arg8[%broadcast_in_dim3A, %get3A_56], %get3A_88 : memref<16x1024xf32, #tpu.memory_space<vmem>>[vector<16xi32>, vector<16xi32>], vector<16xf32>,
    }
    %scan3A_146 = arith.constant 16 : i32
    %add3A_147 = arith.constant 32 : i32
    %add3A_148 = arith.addi %mul3A_2, %add3A_147 : i32
    %dma_start3A_149 = arith.constant 0 : i32
    %dma_start3A_150 = tpu.memref_slice %arg5[%add3A_148, %dma_start3A_149] : memref<8192x1024xf32, #tpu.memory_space<hbm>> -> memref<16x1024xf32, #tpu.memory_space<hbm>>
    %dma_start3A_151 = arith.constant 0 : i32
    %dma_start3A_152 = tpu.memref_slice %arg5[%add3A_148, %dma_start3A_151] : memref<8192x1024xf32, #tpu.memory_space<hbm>> -> memref<16x1024xf32, #tpu.memory_space<hbm>>
    tpu.enqueue_dma source(%arg8 : memref<16x1024xf32, #tpu.memory_space<vmem>>) target(%dma_start3A_152 : memref<16x1024xf32, #tpu.memory_space<hbm>>) target_semaphore(%arg24 : memref<!tpu.dma_semaphore, #tpu.memory_space<semaphore_mem>>)
    %dma_wait3A_153 = arith.constant 0 : i32
    %dma_wait3A_154 = tpu.memref_slice %arg5[%add3A_104, %dma_wait3A_153] : memref<8192x1024xf32, #tpu.memory_space<hbm>> -> memref<16x1024xf32, #tpu.memory_space<hbm>>
    %dma_wait3A_155 = arith.constant 0 : i32
    %dma_wait3A_156 = tpu.memref_slice %arg5[%add3A_104, %dma_wait3A_155] : memref<8192x1024xf32, #tpu.memory_space<hbm>> -> memref<16x1024xf32, #tpu.memory_space<hbm>>
    tpu.wait_dma2 semaphore(%arg22 : memref<!tpu.dma_semaphore, #tpu.memory_space<semaphore_mem>>) src(%arg6 : memref<16x1024xf32, #tpu.memory_space<vmem>>) dst(%dma_wait3A_156 : memref<16x1024xf32, #tpu.memory_space<hbm>>)
    %add3A_157 = arith.constant 112 : i32
    %add3A_158 = arith.addi %mul3A_2, %add3A_157 : i32
    %dma_start3A_159 = arith.constant 0 : i32
    %dma_start3A_160 = tpu.memref_slice %arg2[%add3A_158, %dma_start3A_159] : memref<8192x1024xf32, #tpu.memory_space<hbm>> -> memref<16x1024xf32, #tpu.memory_space<hbm>>
    %dma_start3A_161 = arith.constant 0 : i32
    %dma_start3A_162 = tpu.memref_slice %arg2[%add3A_158, %dma_start3A_161] : memref<8192x1024xf32, #tpu.memory_space<hbm>> -> memref<16x1024xf32, #tpu.memory_space<hbm>>
    tpu.enqueue_dma source(%dma_start3A_162 : memref<16x1024xf32, #tpu.memory_space<hbm>>) target(%arg6 : memref<16x1024xf32, #tpu.memory_space<vmem>>) target_semaphore(%arg15 : memref<!tpu.dma_semaphore, #tpu.memory_space<semaphore_mem>>)
    %dma_wait3A_163 = arith.constant 0 : i32
    %dma_wait3A_164 = tpu.memref_slice %arg2[%add3A_21, %dma_wait3A_163] : memref<8192x1024xf32, #tpu.memory_space<hbm>> -> memref<16x1024xf32, #tpu.memory_space<hbm>>
    %dma_wait3A_165 = arith.constant 0 : i32
    %dma_wait3A_166 = tpu.memref_slice %arg2[%add3A_21, %dma_wait3A_165] : memref<8192x1024xf32, #tpu.memory_space<hbm>> -> memref<16x1024xf32, #tpu.memory_space<hbm>>
    tpu.wait_dma2 semaphore(%arg18 : memref<!tpu.dma_semaphore, #tpu.memory_space<semaphore_mem>>) src(%dma_wait3A_166 : memref<16x1024xf32, #tpu.memory_space<hbm>>) dst(%arg9 : memref<16x1024xf32, #tpu.memory_space<vmem>>)
    %scan3A_167 = arith.constant 0 : i32
    %scan3A_168 = arith.constant 0 : i32
    %scan3A_169 = arith.constant 16 : i32
    %scan3A_170 = arith.addi %scan3A_168, %scan3A_169 : i32
    %scan3A_171 = arith.constant 1 : i32
    scf.for %scan3A_479 = %scan3A_168 to %scan3A_170 step %scan3A_171  : i32 {
      %broadcast_in_dim3A = vector.broadcast %scan3A_479 : i32 to vector<16xi32>
      tpu.vector_store_idx %arg9[%broadcast_in_dim3A, %get3A_26], %get3A_58 : memref<16x1024xf32, #tpu.memory_space<vmem>>[vector<16xi32>, vector<16xi32>], vector<16xf32>,
      tpu.vector_store_idx %arg9[%broadcast_in_dim3A, %get3A_28], %get3A_60 : memref<16x1024xf32, #tpu.memory_space<vmem>>[vector<16xi32>, vector<16xi32>], vector<16xf32>,
      tpu.vector_store_idx %arg9[%broadcast_in_dim3A, %get3A_30], %get3A_62 : memref<16x1024xf32, #tpu.memory_space<vmem>>[vector<16xi32>, vector<16xi32>], vector<16xf32>,
      tpu.vector_store_idx %arg9[%broadcast_in_dim3A, %get3A_32], %get3A_64 : memref<16x1024xf32, #tpu.memory_space<vmem>>[vector<16xi32>, vector<16xi32>], vector<16xf32>,
      tpu.vector_store_idx %arg9[%broadcast_in_dim3A, %get3A_34], %get3A_66 : memref<16x1024xf32, #tpu.memory_space<vmem>>[vector<16xi32>, vector<16xi32>], vector<16xf32>,
      tpu.vector_store_idx %arg9[%broadcast_in_dim3A, %get3A_36], %get3A_68 : memref<16x1024xf32, #tpu.memory_space<vmem>>[vector<16xi32>, vector<16xi32>], vector<16xf32>,
      tpu.vector_store_idx %arg9[%broadcast_in_dim3A, %get3A_38], %get3A_70 : memref<16x1024xf32, #tpu.memory_space<vmem>>[vector<16xi32>, vector<16xi32>], vector<16xf32>,
      tpu.vector_store_idx %arg9[%broadcast_in_dim3A, %get3A_40], %get3A_72 : memref<16x1024xf32, #tpu.memory_space<vmem>>[vector<16xi32>, vector<16xi32>], vector<16xf32>,
      tpu.vector_store_idx %arg9[%broadcast_in_dim3A, %get3A_42], %get3A_74 : memref<16x1024xf32, #tpu.memory_space<vmem>>[vector<16xi32>, vector<16xi32>], vector<16xf32>,
      tpu.vector_store_idx %arg9[%broadcast_in_dim3A, %get3A_44], %get3A_76 : memref<16x1024xf32, #tpu.memory_space<vmem>>[vector<16xi32>, vector<16xi32>], vector<16xf32>,
      tpu.vector_store_idx %arg9[%broadcast_in_dim3A, %get3A_46], %get3A_78 : memref<16x1024xf32, #tpu.memory_space<vmem>>[vector<16xi32>, vector<16xi32>], vector<16xf32>,
      tpu.vector_store_idx %arg9[%broadcast_in_dim3A, %get3A_48], %get3A_80 : memref<16x1024xf32, #tpu.memory_space<vmem>>[vector<16xi32>, vector<16xi32>], vector<16xf32>,
      tpu.vector_store_idx %arg9[%broadcast_in_dim3A, %get3A_50], %get3A_82 : memref<16x1024xf32, #tpu.memory_space<vmem>>[vector<16xi32>, vector<16xi32>], vector<16xf32>,
      tpu.vector_store_idx %arg9[%broadcast_in_dim3A, %get3A_52], %get3A_84 : memref<16x1024xf32, #tpu.memory_space<vmem>>[vector<16xi32>, vector<16xi32>], vector<16xf32>,
      tpu.vector_store_idx %arg9[%broadcast_in_dim3A, %get3A_54], %get3A_86 : memref<16x1024xf32, #tpu.memory_space<vmem>>[vector<16xi32>, vector<16xi32>], vector<16xf32>,
      tpu.vector_store_idx %arg9[%broadcast_in_dim3A, %get3A_56], %get3A_88 : memref<16x1024xf32, #tpu.memory_space<vmem>>[vector<16xi32>, vector<16xi32>], vector<16xf32>,
    }
    %scan3A_172 = arith.constant 16 : i32
    %add3A_173 = arith.constant 48 : i32
    %add3A_174 = arith.addi %mul3A_2, %add3A_173 : i32
    %dma_start3A_175 = arith.constant 0 : i32
    %dma_start3A_176 = tpu.memref_slice %arg5[%add3A_174, %dma_start3A_175] : memref<8192x1024xf32, #tpu.memory_space<hbm>> -> memref<16x1024xf32, #tpu.memory_space<hbm>>
    %dma_start3A_177 = arith.constant 0 : i32
    %dma_start3A_178 = tpu.memref_slice %arg5[%add3A_174, %dma_start3A_177] : memref<8192x1024xf32, #tpu.memory_space<hbm>> -> memref<16x1024xf32, #tpu.memory_space<hbm>>
    tpu.enqueue_dma source(%arg9 : memref<16x1024xf32, #tpu.memory_space<vmem>>) target(%dma_start3A_178 : memref<16x1024xf32, #tpu.memory_space<hbm>>) target_semaphore(%arg25 : memref<!tpu.dma_semaphore, #tpu.memory_space<semaphore_mem>>)
    %dma_wait3A_179 = arith.constant 0 : i32
    %dma_wait3A_180 = tpu.memref_slice %arg5[%add3A_126, %dma_wait3A_179] : memref<8192x1024xf32, #tpu.memory_space<hbm>> -> memref<16x1024xf32, #tpu.memory_space<hbm>>
    %dma_wait3A_181 = arith.constant 0 : i32
    %dma_wait3A_182 = tpu.memref_slice %arg5[%add3A_126, %dma_wait3A_181] : memref<8192x1024xf32, #tpu.memory_space<hbm>> -> memref<16x1024xf32, #tpu.memory_space<hbm>>
    tpu.wait_dma2 semaphore(%arg23 : memref<!tpu.dma_semaphore, #tpu.memory_space<semaphore_mem>>) src(%arg7 : memref<16x1024xf32, #tpu.memory_space<vmem>>) dst(%dma_wait3A_182 : memref<16x1024xf32, #tpu.memory_space<hbm>>)
    %add3A_183 = arith.constant 128 : i32
    %add3A_184 = arith.addi %mul3A_2, %add3A_183 : i32
    %dma_start3A_185 = arith.constant 0 : i32
    %dma_start3A_186 = tpu.memref_slice %arg2[%add3A_184, %dma_start3A_185] : memref<8192x1024xf32, #tpu.memory_space<hbm>> -> memref<16x1024xf32, #tpu.memory_space<hbm>>
    %dma_start3A_187 = arith.constant 0 : i32
    %dma_start3A_188 = tpu.memref_slice %arg2[%add3A_184, %dma_start3A_187] : memref<8192x1024xf32, #tpu.memory_space<hbm>> -> memref<16x1024xf32, #tpu.memory_space<hbm>>
    tpu.enqueue_dma source(%dma_start3A_188 : memref<16x1024xf32, #tpu.memory_space<hbm>>) target(%arg7 : memref<16x1024xf32, #tpu.memory_space<vmem>>) target_semaphore(%arg16 : memref<!tpu.dma_semaphore, #tpu.memory_space<semaphore_mem>>)
    %dma_wait3A_189 = arith.constant 0 : i32
    %dma_wait3A_190 = tpu.memref_slice %arg2[%add3A_90, %dma_wait3A_189] : memref<8192x1024xf32, #tpu.memory_space<hbm>> -> memref<16x1024xf32, #tpu.memory_space<hbm>>
    %dma_wait3A_191 = arith.constant 0 : i32
    %dma_wait3A_192 = tpu.memref_slice %arg2[%add3A_90, %dma_wait3A_191] : memref<8192x1024xf32, #tpu.memory_space<hbm>> -> memref<16x1024xf32, #tpu.memory_space<hbm>>
    tpu.wait_dma2 semaphore(%arg19 : memref<!tpu.dma_semaphore, #tpu.memory_space<semaphore_mem>>) src(%dma_wait3A_192 : memref<16x1024xf32, #tpu.memory_space<hbm>>) dst(%arg10 : memref<16x1024xf32, #tpu.memory_space<vmem>>)
    %scan3A_193 = arith.constant 0 : i32
    %scan3A_194 = arith.constant 0 : i32
    %scan3A_195 = arith.constant 16 : i32
    %scan3A_196 = arith.addi %scan3A_194, %scan3A_195 : i32
    %scan3A_197 = arith.constant 1 : i32
    scf.for %scan3A_479 = %scan3A_194 to %scan3A_196 step %scan3A_197  : i32 {
      %broadcast_in_dim3A = vector.broadcast %scan3A_479 : i32 to vector<16xi32>
      tpu.vector_store_idx %arg10[%broadcast_in_dim3A, %get3A_26], %get3A_58 : memref<16x1024xf32, #tpu.memory_space<vmem>>[vector<16xi32>, vector<16xi32>], vector<16xf32>,
      tpu.vector_store_idx %arg10[%broadcast_in_dim3A, %get3A_28], %get3A_60 : memref<16x1024xf32, #tpu.memory_space<vmem>>[vector<16xi32>, vector<16xi32>], vector<16xf32>,
      tpu.vector_store_idx %arg10[%broadcast_in_dim3A, %get3A_30], %get3A_62 : memref<16x1024xf32, #tpu.memory_space<vmem>>[vector<16xi32>, vector<16xi32>], vector<16xf32>,
      tpu.vector_store_idx %arg10[%broadcast_in_dim3A, %get3A_32], %get3A_64 : memref<16x1024xf32, #tpu.memory_space<vmem>>[vector<16xi32>, vector<16xi32>], vector<16xf32>,
      tpu.vector_store_idx %arg10[%broadcast_in_dim3A, %get3A_34], %get3A_66 : memref<16x1024xf32, #tpu.memory_space<vmem>>[vector<16xi32>, vector<16xi32>], vector<16xf32>,
      tpu.vector_store_idx %arg10[%broadcast_in_dim3A, %get3A_36], %get3A_68 : memref<16x1024xf32, #tpu.memory_space<vmem>>[vector<16xi32>, vector<16xi32>], vector<16xf32>,
      tpu.vector_store_idx %arg10[%broadcast_in_dim3A, %get3A_38], %get3A_70 : memref<16x1024xf32, #tpu.memory_space<vmem>>[vector<16xi32>, vector<16xi32>], vector<16xf32>,
      tpu.vector_store_idx %arg10[%broadcast_in_dim3A, %get3A_40], %get3A_72 : memref<16x1024xf32, #tpu.memory_space<vmem>>[vector<16xi32>, vector<16xi32>], vector<16xf32>,
      tpu.vector_store_idx %arg10[%broadcast_in_dim3A, %get3A_42], %get3A_74 : memref<16x1024xf32, #tpu.memory_space<vmem>>[vector<16xi32>, vector<16xi32>], vector<16xf32>,
      tpu.vector_store_idx %arg10[%broadcast_in_dim3A, %get3A_44], %get3A_76 : memref<16x1024xf32, #tpu.memory_space<vmem>>[vector<16xi32>, vector<16xi32>], vector<16xf32>,
      tpu.vector_store_idx %arg10[%broadcast_in_dim3A, %get3A_46], %get3A_78 : memref<16x1024xf32, #tpu.memory_space<vmem>>[vector<16xi32>, vector<16xi32>], vector<16xf32>,
      tpu.vector_store_idx %arg10[%broadcast_in_dim3A, %get3A_48], %get3A_80 : memref<16x1024xf32, #tpu.memory_space<vmem>>[vector<16xi32>, vector<16xi32>], vector<16xf32>,
      tpu.vector_store_idx %arg10[%broadcast_in_dim3A, %get3A_50], %get3A_82 : memref<16x1024xf32, #tpu.memory_space<vmem>>[vector<16xi32>, vector<16xi32>], vector<16xf32>,
      tpu.vector_store_idx %arg10[%broadcast_in_dim3A, %get3A_52], %get3A_84 : memref<16x1024xf32, #tpu.memory_space<vmem>>[vector<16xi32>, vector<16xi32>], vector<16xf32>,
      tpu.vector_store_idx %arg10[%broadcast_in_dim3A, %get3A_54], %get3A_86 : memref<16x1024xf32, #tpu.memory_space<vmem>>[vector<16xi32>, vector<16xi32>], vector<16xf32>,
      tpu.vector_store_idx %arg10[%broadcast_in_dim3A, %get3A_56], %get3A_88 : memref<16x1024xf32, #tpu.memory_space<vmem>>[vector<16xi32>, vector<16xi32>], vector<16xf32>,
    }
    %scan3A_198 = arith.constant 16 : i32
    %add3A_199 = arith.constant 64 : i32
    %add3A_200 = arith.addi %mul3A_2, %add3A_199 : i32
    %dma_start3A_201 = arith.constant 0 : i32
    %dma_start3A_202 = tpu.memref_slice %arg5[%add3A_200, %dma_start3A_201] : memref<8192x1024xf32, #tpu.memory_space<hbm>> -> memref<16x1024xf32, #tpu.memory_space<hbm>>
    %dma_start3A_203 = arith.constant 0 : i32
    %dma_start3A_204 = tpu.memref_slice %arg5[%add3A_200, %dma_start3A_203] : memref<8192x1024xf32, #tpu.memory_space<hbm>> -> memref<16x1024xf32, #tpu.memory_space<hbm>>
    tpu.enqueue_dma source(%arg10 : memref<16x1024xf32, #tpu.memory_space<vmem>>) target(%dma_start3A_204 : memref<16x1024xf32, #tpu.memory_space<hbm>>) target_semaphore(%arg26 : memref<!tpu.dma_semaphore, #tpu.memory_space<semaphore_mem>>)
    %dma_wait3A_205 = arith.constant 0 : i32
    %dma_wait3A_206 = tpu.memref_slice %arg5[%add3A_148, %dma_wait3A_205] : memref<8192x1024xf32, #tpu.memory_space<hbm>> -> memref<16x1024xf32, #tpu.memory_space<hbm>>
    %dma_wait3A_207 = arith.constant 0 : i32
    %dma_wait3A_208 = tpu.memref_slice %arg5[%add3A_148, %dma_wait3A_207] : memref<8192x1024xf32, #tpu.memory_space<hbm>> -> memref<16x1024xf32, #tpu.memory_space<hbm>>
    tpu.wait_dma2 semaphore(%arg24 : memref<!tpu.dma_semaphore, #tpu.memory_space<semaphore_mem>>) src(%arg8 : memref<16x1024xf32, #tpu.memory_space<vmem>>) dst(%dma_wait3A_208 : memref<16x1024xf32, #tpu.memory_space<hbm>>)
    %add3A_209 = arith.constant 144 : i32
    %add3A_210 = arith.addi %mul3A_2, %add3A_209 : i32
    %dma_start3A_211 = arith.constant 0 : i32
    %dma_start3A_212 = tpu.memref_slice %arg2[%add3A_210, %dma_start3A_211] : memref<8192x1024xf32, #tpu.memory_space<hbm>> -> memref<16x1024xf32, #tpu.memory_space<hbm>>
    %dma_start3A_213 = arith.constant 0 : i32
    %dma_start3A_214 = tpu.memref_slice %arg2[%add3A_210, %dma_start3A_213] : memref<8192x1024xf32, #tpu.memory_space<hbm>> -> memref<16x1024xf32, #tpu.memory_space<hbm>>
    tpu.enqueue_dma source(%dma_start3A_214 : memref<16x1024xf32, #tpu.memory_space<hbm>>) target(%arg8 : memref<16x1024xf32, #tpu.memory_space<vmem>>) target_semaphore(%arg17 : memref<!tpu.dma_semaphore, #tpu.memory_space<semaphore_mem>>)
    %dma_wait3A_215 = arith.constant 0 : i32
    %dma_wait3A_216 = tpu.memref_slice %arg2[%add3A_110, %dma_wait3A_215] : memref<8192x1024xf32, #tpu.memory_space<hbm>> -> memref<16x1024xf32, #tpu.memory_space<hbm>>
    %dma_wait3A_217 = arith.constant 0 : i32
    %dma_wait3A_218 = tpu.memref_slice %arg2[%add3A_110, %dma_wait3A_217] : memref<8192x1024xf32, #tpu.memory_space<hbm>> -> memref<16x1024xf32, #tpu.memory_space<hbm>>
    tpu.wait_dma2 semaphore(%arg20 : memref<!tpu.dma_semaphore, #tpu.memory_space<semaphore_mem>>) src(%dma_wait3A_218 : memref<16x1024xf32, #tpu.memory_space<hbm>>) dst(%arg11 : memref<16x1024xf32, #tpu.memory_space<vmem>>)
    %scan3A_219 = arith.constant 0 : i32
    %scan3A_220 = arith.constant 0 : i32
    %scan3A_221 = arith.constant 16 : i32
    %scan3A_222 = arith.addi %scan3A_220, %scan3A_221 : i32
    %scan3A_223 = arith.constant 1 : i32
    scf.for %scan3A_479 = %scan3A_220 to %scan3A_222 step %scan3A_223  : i32 {
      %broadcast_in_dim3A = vector.broadcast %scan3A_479 : i32 to vector<16xi32>
      tpu.vector_store_idx %arg11[%broadcast_in_dim3A, %get3A_26], %get3A_58 : memref<16x1024xf32, #tpu.memory_space<vmem>>[vector<16xi32>, vector<16xi32>], vector<16xf32>,
      tpu.vector_store_idx %arg11[%broadcast_in_dim3A, %get3A_28], %get3A_60 : memref<16x1024xf32, #tpu.memory_space<vmem>>[vector<16xi32>, vector<16xi32>], vector<16xf32>,
      tpu.vector_store_idx %arg11[%broadcast_in_dim3A, %get3A_30], %get3A_62 : memref<16x1024xf32, #tpu.memory_space<vmem>>[vector<16xi32>, vector<16xi32>], vector<16xf32>,
      tpu.vector_store_idx %arg11[%broadcast_in_dim3A, %get3A_32], %get3A_64 : memref<16x1024xf32, #tpu.memory_space<vmem>>[vector<16xi32>, vector<16xi32>], vector<16xf32>,
      tpu.vector_store_idx %arg11[%broadcast_in_dim3A, %get3A_34], %get3A_66 : memref<16x1024xf32, #tpu.memory_space<vmem>>[vector<16xi32>, vector<16xi32>], vector<16xf32>,
      tpu.vector_store_idx %arg11[%broadcast_in_dim3A, %get3A_36], %get3A_68 : memref<16x1024xf32, #tpu.memory_space<vmem>>[vector<16xi32>, vector<16xi32>], vector<16xf32>,
      tpu.vector_store_idx %arg11[%broadcast_in_dim3A, %get3A_38], %get3A_70 : memref<16x1024xf32, #tpu.memory_space<vmem>>[vector<16xi32>, vector<16xi32>], vector<16xf32>,
      tpu.vector_store_idx %arg11[%broadcast_in_dim3A, %get3A_40], %get3A_72 : memref<16x1024xf32, #tpu.memory_space<vmem>>[vector<16xi32>, vector<16xi32>], vector<16xf32>,
      tpu.vector_store_idx %arg11[%broadcast_in_dim3A, %get3A_42], %get3A_74 : memref<16x1024xf32, #tpu.memory_space<vmem>>[vector<16xi32>, vector<16xi32>], vector<16xf32>,
      tpu.vector_store_idx %arg11[%broadcast_in_dim3A, %get3A_44], %get3A_76 : memref<16x1024xf32, #tpu.memory_space<vmem>>[vector<16xi32>, vector<16xi32>], vector<16xf32>,
      tpu.vector_store_idx %arg11[%broadcast_in_dim3A, %get3A_46], %get3A_78 : memref<16x1024xf32, #tpu.memory_space<vmem>>[vector<16xi32>, vector<16xi32>], vector<16xf32>,
      tpu.vector_store_idx %arg11[%broadcast_in_dim3A, %get3A_48], %get3A_80 : memref<16x1024xf32, #tpu.memory_space<vmem>>[vector<16xi32>, vector<16xi32>], vector<16xf32>,
      tpu.vector_store_idx %arg11[%broadcast_in_dim3A, %get3A_50], %get3A_82 : memref<16x1024xf32, #tpu.memory_space<vmem>>[vector<16xi32>, vector<16xi32>], vector<16xf32>,
      tpu.vector_store_idx %arg11[%broadcast_in_dim3A, %get3A_52], %get3A_84 : memref<16x1024xf32, #tpu.memory_space<vmem>>[vector<16xi32>, vector<16xi32>], vector<16xf32>,
      tpu.vector_store_idx %arg11[%broadcast_in_dim3A, %get3A_54], %get3A_86 : memref<16x1024xf32, #tpu.memory_space<vmem>>[vector<16xi32>, vector<16xi32>], vector<16xf32>,
      tpu.vector_store_idx %arg11[%broadcast_in_dim3A, %get3A_56], %get3A_88 : memref<16x1024xf32, #tpu.memory_space<vmem>>[vector<16xi32>, vector<16xi32>], vector<16xf32>,
    }
    %scan3A_224 = arith.constant 16 : i32
    %add3A_225 = arith.constant 80 : i32
    %add3A_226 = arith.addi %mul3A_2, %add3A_225 : i32
    %dma_start3A_227 = arith.constant 0 : i32
    %dma_start3A_228 = tpu.memref_slice %arg5[%add3A_226, %dma_start3A_227] : memref<8192x1024xf32, #tpu.memory_space<hbm>> -> memref<16x1024xf32, #tpu.memory_space<hbm>>
    %dma_start3A_229 = arith.constant 0 : i32
    %dma_start3A_230 = tpu.memref_slice %arg5[%add3A_226, %dma_start3A_229] : memref<8192x1024xf32, #tpu.memory_space<hbm>> -> memref<16x1024xf32, #tpu.memory_space<hbm>>
    tpu.enqueue_dma source(%arg11 : memref<16x1024xf32, #tpu.memory_space<vmem>>) target(%dma_start3A_230 : memref<16x1024xf32, #tpu.memory_space<hbm>>) target_semaphore(%arg27 : memref<!tpu.dma_semaphore, #tpu.memory_space<semaphore_mem>>)
    %dma_wait3A_231 = arith.constant 0 : i32
    %dma_wait3A_232 = tpu.memref_slice %arg5[%add3A_174, %dma_wait3A_231] : memref<8192x1024xf32, #tpu.memory_space<hbm>> -> memref<16x1024xf32, #tpu.memory_space<hbm>>
    %dma_wait3A_233 = arith.constant 0 : i32
    %dma_wait3A_234 = tpu.memref_slice %arg5[%add3A_174, %dma_wait3A_233] : memref<8192x1024xf32, #tpu.memory_space<hbm>> -> memref<16x1024xf32, #tpu.memory_space<hbm>>
    tpu.wait_dma2 semaphore(%arg25 : memref<!tpu.dma_semaphore, #tpu.memory_space<semaphore_mem>>) src(%arg9 : memref<16x1024xf32, #tpu.memory_space<vmem>>) dst(%dma_wait3A_234 : memref<16x1024xf32, #tpu.memory_space<hbm>>)
    %add3A_235 = arith.constant 160 : i32
    %add3A_236 = arith.addi %mul3A_2, %add3A_235 : i32
    %dma_start3A_237 = arith.constant 0 : i32
    %dma_start3A_238 = tpu.memref_slice %arg2[%add3A_236, %dma_start3A_237] : memref<8192x1024xf32, #tpu.memory_space<hbm>> -> memref<16x1024xf32, #tpu.memory_space<hbm>>
    %dma_start3A_239 = arith.constant 0 : i32
    %dma_start3A_240 = tpu.memref_slice %arg2[%add3A_236, %dma_start3A_239] : memref<8192x1024xf32, #tpu.memory_space<hbm>> -> memref<16x1024xf32, #tpu.memory_space<hbm>>
    tpu.enqueue_dma source(%dma_start3A_240 : memref<16x1024xf32, #tpu.memory_space<hbm>>) target(%arg9 : memref<16x1024xf32, #tpu.memory_space<vmem>>) target_semaphore(%arg18 : memref<!tpu.dma_semaphore, #tpu.memory_space<semaphore_mem>>)
    %dma_wait3A_241 = arith.constant 0 : i32
    %dma_wait3A_242 = tpu.memref_slice %arg2[%add3A_132, %dma_wait3A_241] : memref<8192x1024xf32, #tpu.memory_space<hbm>> -> memref<16x1024xf32, #tpu.memory_space<hbm>>
    %dma_wait3A_243 = arith.constant 0 : i32
    %dma_wait3A_244 = tpu.memref_slice %arg2[%add3A_132, %dma_wait3A_243] : memref<8192x1024xf32, #tpu.memory_space<hbm>> -> memref<16x1024xf32, #tpu.memory_space<hbm>>
    tpu.wait_dma2 semaphore(%arg21 : memref<!tpu.dma_semaphore, #tpu.memory_space<semaphore_mem>>) src(%dma_wait3A_244 : memref<16x1024xf32, #tpu.memory_space<hbm>>) dst(%arg12 : memref<16x1024xf32, #tpu.memory_space<vmem>>)
    %scan3A_245 = arith.constant 0 : i32
    %scan3A_246 = arith.constant 0 : i32
    %scan3A_247 = arith.constant 16 : i32
    %scan3A_248 = arith.addi %scan3A_246, %scan3A_247 : i32
    %scan3A_249 = arith.constant 1 : i32
    scf.for %scan3A_479 = %scan3A_246 to %scan3A_248 step %scan3A_249  : i32 {
      %broadcast_in_dim3A = vector.broadcast %scan3A_479 : i32 to vector<16xi32>
      tpu.vector_store_idx %arg12[%broadcast_in_dim3A, %get3A_26], %get3A_58 : memref<16x1024xf32, #tpu.memory_space<vmem>>[vector<16xi32>, vector<16xi32>], vector<16xf32>,
      tpu.vector_store_idx %arg12[%broadcast_in_dim3A, %get3A_28], %get3A_60 : memref<16x1024xf32, #tpu.memory_space<vmem>>[vector<16xi32>, vector<16xi32>], vector<16xf32>,
      tpu.vector_store_idx %arg12[%broadcast_in_dim3A, %get3A_30], %get3A_62 : memref<16x1024xf32, #tpu.memory_space<vmem>>[vector<16xi32>, vector<16xi32>], vector<16xf32>,
      tpu.vector_store_idx %arg12[%broadcast_in_dim3A, %get3A_32], %get3A_64 : memref<16x1024xf32, #tpu.memory_space<vmem>>[vector<16xi32>, vector<16xi32>], vector<16xf32>,
      tpu.vector_store_idx %arg12[%broadcast_in_dim3A, %get3A_34], %get3A_66 : memref<16x1024xf32, #tpu.memory_space<vmem>>[vector<16xi32>, vector<16xi32>], vector<16xf32>,
      tpu.vector_store_idx %arg12[%broadcast_in_dim3A, %get3A_36], %get3A_68 : memref<16x1024xf32, #tpu.memory_space<vmem>>[vector<16xi32>, vector<16xi32>], vector<16xf32>,
      tpu.vector_store_idx %arg12[%broadcast_in_dim3A, %get3A_38], %get3A_70 : memref<16x1024xf32, #tpu.memory_space<vmem>>[vector<16xi32>, vector<16xi32>], vector<16xf32>,
      tpu.vector_store_idx %arg12[%broadcast_in_dim3A, %get3A_40], %get3A_72 : memref<16x1024xf32, #tpu.memory_space<vmem>>[vector<16xi32>, vector<16xi32>], vector<16xf32>,
      tpu.vector_store_idx %arg12[%broadcast_in_dim3A, %get3A_42], %get3A_74 : memref<16x1024xf32, #tpu.memory_space<vmem>>[vector<16xi32>, vector<16xi32>], vector<16xf32>,
      tpu.vector_store_idx %arg12[%broadcast_in_dim3A, %get3A_44], %get3A_76 : memref<16x1024xf32, #tpu.memory_space<vmem>>[vector<16xi32>, vector<16xi32>], vector<16xf32>,
      tpu.vector_store_idx %arg12[%broadcast_in_dim3A, %get3A_46], %get3A_78 : memref<16x1024xf32, #tpu.memory_space<vmem>>[vector<16xi32>, vector<16xi32>], vector<16xf32>,
      tpu.vector_store_idx %arg12[%broadcast_in_dim3A, %get3A_48], %get3A_80 : memref<16x1024xf32, #tpu.memory_space<vmem>>[vector<16xi32>, vector<16xi32>], vector<16xf32>,
      tpu.vector_store_idx %arg12[%broadcast_in_dim3A, %get3A_50], %get3A_82 : memref<16x1024xf32, #tpu.memory_space<vmem>>[vector<16xi32>, vector<16xi32>], vector<16xf32>,
      tpu.vector_store_idx %arg12[%broadcast_in_dim3A, %get3A_52], %get3A_84 : memref<16x1024xf32, #tpu.memory_space<vmem>>[vector<16xi32>, vector<16xi32>], vector<16xf32>,
      tpu.vector_store_idx %arg12[%broadcast_in_dim3A, %get3A_54], %get3A_86 : memref<16x1024xf32, #tpu.memory_space<vmem>>[vector<16xi32>, vector<16xi32>], vector<16xf32>,
      tpu.vector_store_idx %arg12[%broadcast_in_dim3A, %get3A_56], %get3A_88 : memref<16x1024xf32, #tpu.memory_space<vmem>>[vector<16xi32>, vector<16xi32>], vector<16xf32>,
    }
    %scan3A_250 = arith.constant 16 : i32
    %add3A_251 = arith.constant 96 : i32
    %add3A_252 = arith.addi %mul3A_2, %add3A_251 : i32
    %dma_start3A_253 = arith.constant 0 : i32
    %dma_start3A_254 = tpu.memref_slice %arg5[%add3A_252, %dma_start3A_253] : memref<8192x1024xf32, #tpu.memory_space<hbm>> -> memref<16x1024xf32, #tpu.memory_space<hbm>>
    %dma_start3A_255 = arith.constant 0 : i32
    %dma_start3A_256 = tpu.memref_slice %arg5[%add3A_252, %dma_start3A_255] : memref<8192x1024xf32, #tpu.memory_space<hbm>> -> memref<16x1024xf32, #tpu.memory_space<hbm>>
    tpu.enqueue_dma source(%arg12 : memref<16x1024xf32, #tpu.memory_space<vmem>>) target(%dma_start3A_256 : memref<16x1024xf32, #tpu.memory_space<hbm>>) target_semaphore(%arg28 : memref<!tpu.dma_semaphore, #tpu.memory_space<semaphore_mem>>)
    %dma_wait3A_257 = arith.constant 0 : i32
    %dma_wait3A_258 = tpu.memref_slice %arg5[%add3A_200, %dma_wait3A_257] : memref<8192x1024xf32, #tpu.memory_space<hbm>> -> memref<16x1024xf32, #tpu.memory_space<hbm>>
    %dma_wait3A_259 = arith.constant 0 : i32
    %dma_wait3A_260 = tpu.memref_slice %arg5[%add3A_200, %dma_wait3A_259] : memref<8192x1024xf32, #tpu.memory_space<hbm>> -> memref<16x1024xf32, #tpu.memory_space<hbm>>
    tpu.wait_dma2 semaphore(%arg26 : memref<!tpu.dma_semaphore, #tpu.memory_space<semaphore_mem>>) src(%arg10 : memref<16x1024xf32, #tpu.memory_space<vmem>>) dst(%dma_wait3A_260 : memref<16x1024xf32, #tpu.memory_space<hbm>>)
    %add3A_261 = arith.constant 176 : i32
    %add3A_262 = arith.addi %mul3A_2, %add3A_261 : i32
    %dma_start3A_263 = arith.constant 0 : i32
    %dma_start3A_264 = tpu.memref_slice %arg2[%add3A_262, %dma_start3A_263] : memref<8192x1024xf32, #tpu.memory_space<hbm>> -> memref<16x1024xf32, #tpu.memory_space<hbm>>
    %dma_start3A_265 = arith.constant 0 : i32
    %dma_start3A_266 = tpu.memref_slice %arg2[%add3A_262, %dma_start3A_265] : memref<8192x1024xf32, #tpu.memory_space<hbm>> -> memref<16x1024xf32, #tpu.memory_space<hbm>>
    tpu.enqueue_dma source(%dma_start3A_266 : memref<16x1024xf32, #tpu.memory_space<hbm>>) target(%arg10 : memref<16x1024xf32, #tpu.memory_space<vmem>>) target_semaphore(%arg19 : memref<!tpu.dma_semaphore, #tpu.memory_space<semaphore_mem>>)
    %dma_wait3A_267 = arith.constant 0 : i32
    %dma_wait3A_268 = tpu.memref_slice %arg2[%add3A_158, %dma_wait3A_267] : memref<8192x1024xf32, #tpu.memory_space<hbm>> -> memref<16x1024xf32, #tpu.memory_space<hbm>>
    %dma_wait3A_269 = arith.constant 0 : i32
    %dma_wait3A_270 = tpu.memref_slice %arg2[%add3A_158, %dma_wait3A_269] : memref<8192x1024xf32, #tpu.memory_space<hbm>> -> memref<16x1024xf32, #tpu.memory_space<hbm>>
    tpu.wait_dma2 semaphore(%arg15 : memref<!tpu.dma_semaphore, #tpu.memory_space<semaphore_mem>>) src(%dma_wait3A_270 : memref<16x1024xf32, #tpu.memory_space<hbm>>) dst(%arg6 : memref<16x1024xf32, #tpu.memory_space<vmem>>)
    %scan3A_271 = arith.constant 0 : i32
    %scan3A_272 = arith.constant 0 : i32
    %scan3A_273 = arith.constant 16 : i32
    %scan3A_274 = arith.addi %scan3A_272, %scan3A_273 : i32
    %scan3A_275 = arith.constant 1 : i32
    scf.for %scan3A_479 = %scan3A_272 to %scan3A_274 step %scan3A_275  : i32 {
      %broadcast_in_dim3A = vector.broadcast %scan3A_479 : i32 to vector<16xi32>
      tpu.vector_store_idx %arg6[%broadcast_in_dim3A, %get3A_26], %get3A_58 : memref<16x1024xf32, #tpu.memory_space<vmem>>[vector<16xi32>, vector<16xi32>], vector<16xf32>,
      tpu.vector_store_idx %arg6[%broadcast_in_dim3A, %get3A_28], %get3A_60 : memref<16x1024xf32, #tpu.memory_space<vmem>>[vector<16xi32>, vector<16xi32>], vector<16xf32>,
      tpu.vector_store_idx %arg6[%broadcast_in_dim3A, %get3A_30], %get3A_62 : memref<16x1024xf32, #tpu.memory_space<vmem>>[vector<16xi32>, vector<16xi32>], vector<16xf32>,
      tpu.vector_store_idx %arg6[%broadcast_in_dim3A, %get3A_32], %get3A_64 : memref<16x1024xf32, #tpu.memory_space<vmem>>[vector<16xi32>, vector<16xi32>], vector<16xf32>,
      tpu.vector_store_idx %arg6[%broadcast_in_dim3A, %get3A_34], %get3A_66 : memref<16x1024xf32, #tpu.memory_space<vmem>>[vector<16xi32>, vector<16xi32>], vector<16xf32>,
      tpu.vector_store_idx %arg6[%broadcast_in_dim3A, %get3A_36], %get3A_68 : memref<16x1024xf32, #tpu.memory_space<vmem>>[vector<16xi32>, vector<16xi32>], vector<16xf32>,
      tpu.vector_store_idx %arg6[%broadcast_in_dim3A, %get3A_38], %get3A_70 : memref<16x1024xf32, #tpu.memory_space<vmem>>[vector<16xi32>, vector<16xi32>], vector<16xf32>,
      tpu.vector_store_idx %arg6[%broadcast_in_dim3A, %get3A_40], %get3A_72 : memref<16x1024xf32, #tpu.memory_space<vmem>>[vector<16xi32>, vector<16xi32>], vector<16xf32>,
      tpu.vector_store_idx %arg6[%broadcast_in_dim3A, %get3A_42], %get3A_74 : memref<16x1024xf32, #tpu.memory_space<vmem>>[vector<16xi32>, vector<16xi32>], vector<16xf32>,
      tpu.vector_store_idx %arg6[%broadcast_in_dim3A, %get3A_44], %get3A_76 : memref<16x1024xf32, #tpu.memory_space<vmem>>[vector<16xi32>, vector<16xi32>], vector<16xf32>,
      tpu.vector_store_idx %arg6[%broadcast_in_dim3A, %get3A_46], %get3A_78 : memref<16x1024xf32, #tpu.memory_space<vmem>>[vector<16xi32>, vector<16xi32>], vector<16xf32>,
      tpu.vector_store_idx %arg6[%broadcast_in_dim3A, %get3A_48], %get3A_80 : memref<16x1024xf32, #tpu.memory_space<vmem>>[vector<16xi32>, vector<16xi32>], vector<16xf32>,
      tpu.vector_store_idx %arg6[%broadcast_in_dim3A, %get3A_50], %get3A_82 : memref<16x1024xf32, #tpu.memory_space<vmem>>[vector<16xi32>, vector<16xi32>], vector<16xf32>,
      tpu.vector_store_idx %arg6[%broadcast_in_dim3A, %get3A_52], %get3A_84 : memref<16x1024xf32, #tpu.memory_space<vmem>>[vector<16xi32>, vector<16xi32>], vector<16xf32>,
      tpu.vector_store_idx %arg6[%broadcast_in_dim3A, %get3A_54], %get3A_86 : memref<16x1024xf32, #tpu.memory_space<vmem>>[vector<16xi32>, vector<16xi32>], vector<16xf32>,
      tpu.vector_store_idx %arg6[%broadcast_in_dim3A, %get3A_56], %get3A_88 : memref<16x1024xf32, #tpu.memory_space<vmem>>[vector<16xi32>, vector<16xi32>], vector<16xf32>,
    }
    %scan3A_276 = arith.constant 16 : i32
    %add3A_277 = arith.constant 112 : i32
    %add3A_278 = arith.addi %mul3A_2, %add3A_277 : i32
    %dma_start3A_279 = arith.constant 0 : i32
    %dma_start3A_280 = tpu.memref_slice %arg5[%add3A_278, %dma_start3A_279] : memref<8192x1024xf32, #tpu.memory_space<hbm>> -> memref<16x1024xf32, #tpu.memory_space<hbm>>
    %dma_start3A_281 = arith.constant 0 : i32
    %dma_start3A_282 = tpu.memref_slice %arg5[%add3A_278, %dma_start3A_281] : memref<8192x1024xf32, #tpu.memory_space<hbm>> -> memref<16x1024xf32, #tpu.memory_space<hbm>>
    tpu.enqueue_dma source(%arg6 : memref<16x1024xf32, #tpu.memory_space<vmem>>) target(%dma_start3A_282 : memref<16x1024xf32, #tpu.memory_space<hbm>>) target_semaphore(%arg22 : memref<!tpu.dma_semaphore, #tpu.memory_space<semaphore_mem>>)
    %dma_wait3A_283 = arith.constant 0 : i32
    %dma_wait3A_284 = tpu.memref_slice %arg5[%add3A_226, %dma_wait3A_283] : memref<8192x1024xf32, #tpu.memory_space<hbm>> -> memref<16x1024xf32, #tpu.memory_space<hbm>>
    %dma_wait3A_285 = arith.constant 0 : i32
    %dma_wait3A_286 = tpu.memref_slice %arg5[%add3A_226, %dma_wait3A_285] : memref<8192x1024xf32, #tpu.memory_space<hbm>> -> memref<16x1024xf32, #tpu.memory_space<hbm>>
    tpu.wait_dma2 semaphore(%arg27 : memref<!tpu.dma_semaphore, #tpu.memory_space<semaphore_mem>>) src(%arg11 : memref<16x1024xf32, #tpu.memory_space<vmem>>) dst(%dma_wait3A_286 : memref<16x1024xf32, #tpu.memory_space<hbm>>)
    %add3A_287 = arith.constant 192 : i32
    %add3A_288 = arith.addi %mul3A_2, %add3A_287 : i32
    %dma_start3A_289 = arith.constant 0 : i32
    %dma_start3A_290 = tpu.memref_slice %arg2[%add3A_288, %dma_start3A_289] : memref<8192x1024xf32, #tpu.memory_space<hbm>> -> memref<16x1024xf32, #tpu.memory_space<hbm>>
    %dma_start3A_291 = arith.constant 0 : i32
    %dma_start3A_292 = tpu.memref_slice %arg2[%add3A_288, %dma_start3A_291] : memref<8192x1024xf32, #tpu.memory_space<hbm>> -> memref<16x1024xf32, #tpu.memory_space<hbm>>
    tpu.enqueue_dma source(%dma_start3A_292 : memref<16x1024xf32, #tpu.memory_space<hbm>>) target(%arg11 : memref<16x1024xf32, #tpu.memory_space<vmem>>) target_semaphore(%arg20 : memref<!tpu.dma_semaphore, #tpu.memory_space<semaphore_mem>>)
    %dma_wait3A_293 = arith.constant 0 : i32
    %dma_wait3A_294 = tpu.memref_slice %arg2[%add3A_184, %dma_wait3A_293] : memref<8192x1024xf32, #tpu.memory_space<hbm>> -> memref<16x1024xf32, #tpu.memory_space<hbm>>
    %dma_wait3A_295 = arith.constant 0 : i32
    %dma_wait3A_296 = tpu.memref_slice %arg2[%add3A_184, %dma_wait3A_295] : memref<8192x1024xf32, #tpu.memory_space<hbm>> -> memref<16x1024xf32, #tpu.memory_space<hbm>>
    tpu.wait_dma2 semaphore(%arg16 : memref<!tpu.dma_semaphore, #tpu.memory_space<semaphore_mem>>) src(%dma_wait3A_296 : memref<16x1024xf32, #tpu.memory_space<hbm>>) dst(%arg7 : memref<16x1024xf32, #tpu.memory_space<vmem>>)
    %scan3A_297 = arith.constant 0 : i32
    %scan3A_298 = arith.constant 0 : i32
    %scan3A_299 = arith.constant 16 : i32
    %scan3A_300 = arith.addi %scan3A_298, %scan3A_299 : i32
    %scan3A_301 = arith.constant 1 : i32
    scf.for %scan3A_479 = %scan3A_298 to %scan3A_300 step %scan3A_301  : i32 {
      %broadcast_in_dim3A = vector.broadcast %scan3A_479 : i32 to vector<16xi32>
      tpu.vector_store_idx %arg7[%broadcast_in_dim3A, %get3A_26], %get3A_58 : memref<16x1024xf32, #tpu.memory_space<vmem>>[vector<16xi32>, vector<16xi32>], vector<16xf32>,
      tpu.vector_store_idx %arg7[%broadcast_in_dim3A, %get3A_28], %get3A_60 : memref<16x1024xf32, #tpu.memory_space<vmem>>[vector<16xi32>, vector<16xi32>], vector<16xf32>,
      tpu.vector_store_idx %arg7[%broadcast_in_dim3A, %get3A_30], %get3A_62 : memref<16x1024xf32, #tpu.memory_space<vmem>>[vector<16xi32>, vector<16xi32>], vector<16xf32>,
      tpu.vector_store_idx %arg7[%broadcast_in_dim3A, %get3A_32], %get3A_64 : memref<16x1024xf32, #tpu.memory_space<vmem>>[vector<16xi32>, vector<16xi32>], vector<16xf32>,
      tpu.vector_store_idx %arg7[%broadcast_in_dim3A, %get3A_34], %get3A_66 : memref<16x1024xf32, #tpu.memory_space<vmem>>[vector<16xi32>, vector<16xi32>], vector<16xf32>,
      tpu.vector_store_idx %arg7[%broadcast_in_dim3A, %get3A_36], %get3A_68 : memref<16x1024xf32, #tpu.memory_space<vmem>>[vector<16xi32>, vector<16xi32>], vector<16xf32>,
      tpu.vector_store_idx %arg7[%broadcast_in_dim3A, %get3A_38], %get3A_70 : memref<16x1024xf32, #tpu.memory_space<vmem>>[vector<16xi32>, vector<16xi32>], vector<16xf32>,
      tpu.vector_store_idx %arg7[%broadcast_in_dim3A, %get3A_40], %get3A_72 : memref<16x1024xf32, #tpu.memory_space<vmem>>[vector<16xi32>, vector<16xi32>], vector<16xf32>,
      tpu.vector_store_idx %arg7[%broadcast_in_dim3A, %get3A_42], %get3A_74 : memref<16x1024xf32, #tpu.memory_space<vmem>>[vector<16xi32>, vector<16xi32>], vector<16xf32>,
      tpu.vector_store_idx %arg7[%broadcast_in_dim3A, %get3A_44], %get3A_76 : memref<16x1024xf32, #tpu.memory_space<vmem>>[vector<16xi32>, vector<16xi32>], vector<16xf32>,
      tpu.vector_store_idx %arg7[%broadcast_in_dim3A, %get3A_46], %get3A_78 : memref<16x1024xf32, #tpu.memory_space<vmem>>[vector<16xi32>, vector<16xi32>], vector<16xf32>,
      tpu.vector_store_idx %arg7[%broadcast_in_dim3A, %get3A_48], %get3A_80 : memref<16x1024xf32, #tpu.memory_space<vmem>>[vector<16xi32>, vector<16xi32>], vector<16xf32>,
      tpu.vector_store_idx %arg7[%broadcast_in_dim3A, %get3A_50], %get3A_82 : memref<16x1024xf32, #tpu.memory_space<vmem>>[vector<16xi32>, vector<16xi32>], vector<16xf32>,
      tpu.vector_store_idx %arg7[%broadcast_in_dim3A, %get3A_52], %get3A_84 : memref<16x1024xf32, #tpu.memory_space<vmem>>[vector<16xi32>, vector<16xi32>], vector<16xf32>,
      tpu.vector_store_idx %arg7[%broadcast_in_dim3A, %get3A_54], %get3A_86 : memref<16x1024xf32, #tpu.memory_space<vmem>>[vector<16xi32>, vector<16xi32>], vector<16xf32>,
      tpu.vector_store_idx %arg7[%broadcast_in_dim3A, %get3A_56], %get3A_88 : memref<16x1024xf32, #tpu.memory_space<vmem>>[vector<16xi32>, vector<16xi32>], vector<16xf32>,
    }
    %scan3A_302 = arith.constant 16 : i32
    %add3A_303 = arith.constant 128 : i32
    %add3A_304 = arith.addi %mul3A_2, %add3A_303 : i32
    %dma_start3A_305 = arith.constant 0 : i32
    %dma_start3A_306 = tpu.memref_slice %arg5[%add3A_304, %dma_start3A_305] : memref<8192x1024xf32, #tpu.memory_space<hbm>> -> memref<16x1024xf32, #tpu.memory_space<hbm>>
    %dma_start3A_307 = arith.constant 0 : i32
    %dma_start3A_308 = tpu.memref_slice %arg5[%add3A_304, %dma_start3A_307] : memref<8192x1024xf32, #tpu.memory_space<hbm>> -> memref<16x1024xf32, #tpu.memory_space<hbm>>
    tpu.enqueue_dma source(%arg7 : memref<16x1024xf32, #tpu.memory_space<vmem>>) target(%dma_start3A_308 : memref<16x1024xf32, #tpu.memory_space<hbm>>) target_semaphore(%arg23 : memref<!tpu.dma_semaphore, #tpu.memory_space<semaphore_mem>>)
    %dma_wait3A_309 = arith.constant 0 : i32
    %dma_wait3A_310 = tpu.memref_slice %arg5[%add3A_252, %dma_wait3A_309] : memref<8192x1024xf32, #tpu.memory_space<hbm>> -> memref<16x1024xf32, #tpu.memory_space<hbm>>
    %dma_wait3A_311 = arith.constant 0 : i32
    %dma_wait3A_312 = tpu.memref_slice %arg5[%add3A_252, %dma_wait3A_311] : memref<8192x1024xf32, #tpu.memory_space<hbm>> -> memref<16x1024xf32, #tpu.memory_space<hbm>>
    tpu.wait_dma2 semaphore(%arg28 : memref<!tpu.dma_semaphore, #tpu.memory_space<semaphore_mem>>) src(%arg12 : memref<16x1024xf32, #tpu.memory_space<vmem>>) dst(%dma_wait3A_312 : memref<16x1024xf32, #tpu.memory_space<hbm>>)
    %add3A_313 = arith.constant 208 : i32
    %add3A_314 = arith.addi %mul3A_2, %add3A_313 : i32
    %dma_start3A_315 = arith.constant 0 : i32
    %dma_start3A_316 = tpu.memref_slice %arg2[%add3A_314, %dma_start3A_315] : memref<8192x1024xf32, #tpu.memory_space<hbm>> -> memref<16x1024xf32, #tpu.memory_space<hbm>>
    %dma_start3A_317 = arith.constant 0 : i32
    %dma_start3A_318 = tpu.memref_slice %arg2[%add3A_314, %dma_start3A_317] : memref<8192x1024xf32, #tpu.memory_space<hbm>> -> memref<16x1024xf32, #tpu.memory_space<hbm>>
    tpu.enqueue_dma source(%dma_start3A_318 : memref<16x1024xf32, #tpu.memory_space<hbm>>) target(%arg12 : memref<16x1024xf32, #tpu.memory_space<vmem>>) target_semaphore(%arg21 : memref<!tpu.dma_semaphore, #tpu.memory_space<semaphore_mem>>)
    %dma_wait3A_319 = arith.constant 0 : i32
    %dma_wait3A_320 = tpu.memref_slice %arg2[%add3A_210, %dma_wait3A_319] : memref<8192x1024xf32, #tpu.memory_space<hbm>> -> memref<16x1024xf32, #tpu.memory_space<hbm>>
    %dma_wait3A_321 = arith.constant 0 : i32
    %dma_wait3A_322 = tpu.memref_slice %arg2[%add3A_210, %dma_wait3A_321] : memref<8192x1024xf32, #tpu.memory_space<hbm>> -> memref<16x1024xf32, #tpu.memory_space<hbm>>
    tpu.wait_dma2 semaphore(%arg17 : memref<!tpu.dma_semaphore, #tpu.memory_space<semaphore_mem>>) src(%dma_wait3A_322 : memref<16x1024xf32, #tpu.memory_space<hbm>>) dst(%arg8 : memref<16x1024xf32, #tpu.memory_space<vmem>>)
    %scan3A_323 = arith.constant 0 : i32
    %scan3A_324 = arith.constant 0 : i32
    %scan3A_325 = arith.constant 16 : i32
    %scan3A_326 = arith.addi %scan3A_324, %scan3A_325 : i32
    %scan3A_327 = arith.constant 1 : i32
    scf.for %scan3A_479 = %scan3A_324 to %scan3A_326 step %scan3A_327  : i32 {
      %broadcast_in_dim3A = vector.broadcast %scan3A_479 : i32 to vector<16xi32>
      tpu.vector_store_idx %arg8[%broadcast_in_dim3A, %get3A_26], %get3A_58 : memref<16x1024xf32, #tpu.memory_space<vmem>>[vector<16xi32>, vector<16xi32>], vector<16xf32>,
      tpu.vector_store_idx %arg8[%broadcast_in_dim3A, %get3A_28], %get3A_60 : memref<16x1024xf32, #tpu.memory_space<vmem>>[vector<16xi32>, vector<16xi32>], vector<16xf32>,
      tpu.vector_store_idx %arg8[%broadcast_in_dim3A, %get3A_30], %get3A_62 : memref<16x1024xf32, #tpu.memory_space<vmem>>[vector<16xi32>, vector<16xi32>], vector<16xf32>,
      tpu.vector_store_idx %arg8[%broadcast_in_dim3A, %get3A_32], %get3A_64 : memref<16x1024xf32, #tpu.memory_space<vmem>>[vector<16xi32>, vector<16xi32>], vector<16xf32>,
      tpu.vector_store_idx %arg8[%broadcast_in_dim3A, %get3A_34], %get3A_66 : memref<16x1024xf32, #tpu.memory_space<vmem>>[vector<16xi32>, vector<16xi32>], vector<16xf32>,
      tpu.vector_store_idx %arg8[%broadcast_in_dim3A, %get3A_36], %get3A_68 : memref<16x1024xf32, #tpu.memory_space<vmem>>[vector<16xi32>, vector<16xi32>], vector<16xf32>,
      tpu.vector_store_idx %arg8[%broadcast_in_dim3A, %get3A_38], %get3A_70 : memref<16x1024xf32, #tpu.memory_space<vmem>>[vector<16xi32>, vector<16xi32>], vector<16xf32>,
      tpu.vector_store_idx %arg8[%broadcast_in_dim3A, %get3A_40], %get3A_72 : memref<16x1024xf32, #tpu.memory_space<vmem>>[vector<16xi32>, vector<16xi32>], vector<16xf32>,
      tpu.vector_store_idx %arg8[%broadcast_in_dim3A, %get3A_42], %get3A_74 : memref<16x1024xf32, #tpu.memory_space<vmem>>[vector<16xi32>, vector<16xi32>], vector<16xf32>,
      tpu.vector_store_idx %arg8[%broadcast_in_dim3A, %get3A_44], %get3A_76 : memref<16x1024xf32, #tpu.memory_space<vmem>>[vector<16xi32>, vector<16xi32>], vector<16xf32>,
      tpu.vector_store_idx %arg8[%broadcast_in_dim3A, %get3A_46], %get3A_78 : memref<16x1024xf32, #tpu.memory_space<vmem>>[vector<16xi32>, vector<16xi32>], vector<16xf32>,
      tpu.vector_store_idx %arg8[%broadcast_in_dim3A, %get3A_48], %get3A_80 : memref<16x1024xf32, #tpu.memory_space<vmem>>[vector<16xi32>, vector<16xi32>], vector<16xf32>,
      tpu.vector_store_idx %arg8[%broadcast_in_dim3A, %get3A_50], %get3A_82 : memref<16x1024xf32, #tpu.memory_space<vmem>>[vector<16xi32>, vector<16xi32>], vector<16xf32>,
      tpu.vector_store_idx %arg8[%broadcast_in_dim3A, %get3A_52], %get3A_84 : memref<16x1024xf32, #tpu.memory_space<vmem>>[vector<16xi32>, vector<16xi32>], vector<16xf32>,
      tpu.vector_store_idx %arg8[%broadcast_in_dim3A, %get3A_54], %get3A_86 : memref<16x1024xf32, #tpu.memory_space<vmem>>[vector<16xi32>, vector<16xi32>], vector<16xf32>,
      tpu.vector_store_idx %arg8[%broadcast_in_dim3A, %get3A_56], %get3A_88 : memref<16x1024xf32, #tpu.memory_space<vmem>>[vector<16xi32>, vector<16xi32>], vector<16xf32>,
    }
    %scan3A_328 = arith.constant 16 : i32
    %add3A_329 = arith.constant 144 : i32
    %add3A_330 = arith.addi %mul3A_2, %add3A_329 : i32
    %dma_start3A_331 = arith.constant 0 : i32
    %dma_start3A_332 = tpu.memref_slice %arg5[%add3A_330, %dma_start3A_331] : memref<8192x1024xf32, #tpu.memory_space<hbm>> -> memref<16x1024xf32, #tpu.memory_space<hbm>>
    %dma_start3A_333 = arith.constant 0 : i32
    %dma_start3A_334 = tpu.memref_slice %arg5[%add3A_330, %dma_start3A_333] : memref<8192x1024xf32, #tpu.memory_space<hbm>> -> memref<16x1024xf32, #tpu.memory_space<hbm>>
    tpu.enqueue_dma source(%arg8 : memref<16x1024xf32, #tpu.memory_space<vmem>>) target(%dma_start3A_334 : memref<16x1024xf32, #tpu.memory_space<hbm>>) target_semaphore(%arg24 : memref<!tpu.dma_semaphore, #tpu.memory_space<semaphore_mem>>)
    %dma_wait3A_335 = arith.constant 0 : i32
    %dma_wait3A_336 = tpu.memref_slice %arg5[%add3A_278, %dma_wait3A_335] : memref<8192x1024xf32, #tpu.memory_space<hbm>> -> memref<16x1024xf32, #tpu.memory_space<hbm>>
    %dma_wait3A_337 = arith.constant 0 : i32
    %dma_wait3A_338 = tpu.memref_slice %arg5[%add3A_278, %dma_wait3A_337] : memref<8192x1024xf32, #tpu.memory_space<hbm>> -> memref<16x1024xf32, #tpu.memory_space<hbm>>
    tpu.wait_dma2 semaphore(%arg22 : memref<!tpu.dma_semaphore, #tpu.memory_space<semaphore_mem>>) src(%arg6 : memref<16x1024xf32, #tpu.memory_space<vmem>>) dst(%dma_wait3A_338 : memref<16x1024xf32, #tpu.memory_space<hbm>>)
    %add3A_339 = arith.constant 224 : i32
    %add3A_340 = arith.addi %mul3A_2, %add3A_339 : i32
    %dma_start3A_341 = arith.constant 0 : i32
    %dma_start3A_342 = tpu.memref_slice %arg2[%add3A_340, %dma_start3A_341] : memref<8192x1024xf32, #tpu.memory_space<hbm>> -> memref<16x1024xf32, #tpu.memory_space<hbm>>
    %dma_start3A_343 = arith.constant 0 : i32
    %dma_start3A_344 = tpu.memref_slice %arg2[%add3A_340, %dma_start3A_343] : memref<8192x1024xf32, #tpu.memory_space<hbm>> -> memref<16x1024xf32, #tpu.memory_space<hbm>>
    tpu.enqueue_dma source(%dma_start3A_344 : memref<16x1024xf32, #tpu.memory_space<hbm>>) target(%arg6 : memref<16x1024xf32, #tpu.memory_space<vmem>>) target_semaphore(%arg15 : memref<!tpu.dma_semaphore, #tpu.memory_space<semaphore_mem>>)
    %dma_wait3A_345 = arith.constant 0 : i32
    %dma_wait3A_346 = tpu.memref_slice %arg2[%add3A_236, %dma_wait3A_345] : memref<8192x1024xf32, #tpu.memory_space<hbm>> -> memref<16x1024xf32, #tpu.memory_space<hbm>>
    %dma_wait3A_347 = arith.constant 0 : i32
    %dma_wait3A_348 = tpu.memref_slice %arg2[%add3A_236, %dma_wait3A_347] : memref<8192x1024xf32, #tpu.memory_space<hbm>> -> memref<16x1024xf32, #tpu.memory_space<hbm>>
    tpu.wait_dma2 semaphore(%arg18 : memref<!tpu.dma_semaphore, #tpu.memory_space<semaphore_mem>>) src(%dma_wait3A_348 : memref<16x1024xf32, #tpu.memory_space<hbm>>) dst(%arg9 : memref<16x1024xf32, #tpu.memory_space<vmem>>)
    %scan3A_349 = arith.constant 0 : i32
    %scan3A_350 = arith.constant 0 : i32
    %scan3A_351 = arith.constant 16 : i32
    %scan3A_352 = arith.addi %scan3A_350, %scan3A_351 : i32
    %scan3A_353 = arith.constant 1 : i32
    scf.for %scan3A_479 = %scan3A_350 to %scan3A_352 step %scan3A_353  : i32 {
      %broadcast_in_dim3A = vector.broadcast %scan3A_479 : i32 to vector<16xi32>
      tpu.vector_store_idx %arg9[%broadcast_in_dim3A, %get3A_26], %get3A_58 : memref<16x1024xf32, #tpu.memory_space<vmem>>[vector<16xi32>, vector<16xi32>], vector<16xf32>,
      tpu.vector_store_idx %arg9[%broadcast_in_dim3A, %get3A_28], %get3A_60 : memref<16x1024xf32, #tpu.memory_space<vmem>>[vector<16xi32>, vector<16xi32>], vector<16xf32>,
      tpu.vector_store_idx %arg9[%broadcast_in_dim3A, %get3A_30], %get3A_62 : memref<16x1024xf32, #tpu.memory_space<vmem>>[vector<16xi32>, vector<16xi32>], vector<16xf32>,
      tpu.vector_store_idx %arg9[%broadcast_in_dim3A, %get3A_32], %get3A_64 : memref<16x1024xf32, #tpu.memory_space<vmem>>[vector<16xi32>, vector<16xi32>], vector<16xf32>,
      tpu.vector_store_idx %arg9[%broadcast_in_dim3A, %get3A_34], %get3A_66 : memref<16x1024xf32, #tpu.memory_space<vmem>>[vector<16xi32>, vector<16xi32>], vector<16xf32>,
      tpu.vector_store_idx %arg9[%broadcast_in_dim3A, %get3A_36], %get3A_68 : memref<16x1024xf32, #tpu.memory_space<vmem>>[vector<16xi32>, vector<16xi32>], vector<16xf32>,
      tpu.vector_store_idx %arg9[%broadcast_in_dim3A, %get3A_38], %get3A_70 : memref<16x1024xf32, #tpu.memory_space<vmem>>[vector<16xi32>, vector<16xi32>], vector<16xf32>,
      tpu.vector_store_idx %arg9[%broadcast_in_dim3A, %get3A_40], %get3A_72 : memref<16x1024xf32, #tpu.memory_space<vmem>>[vector<16xi32>, vector<16xi32>], vector<16xf32>,
      tpu.vector_store_idx %arg9[%broadcast_in_dim3A, %get3A_42], %get3A_74 : memref<16x1024xf32, #tpu.memory_space<vmem>>[vector<16xi32>, vector<16xi32>], vector<16xf32>,
      tpu.vector_store_idx %arg9[%broadcast_in_dim3A, %get3A_44], %get3A_76 : memref<16x1024xf32, #tpu.memory_space<vmem>>[vector<16xi32>, vector<16xi32>], vector<16xf32>,
      tpu.vector_store_idx %arg9[%broadcast_in_dim3A, %get3A_46], %get3A_78 : memref<16x1024xf32, #tpu.memory_space<vmem>>[vector<16xi32>, vector<16xi32>], vector<16xf32>,
      tpu.vector_store_idx %arg9[%broadcast_in_dim3A, %get3A_48], %get3A_80 : memref<16x1024xf32, #tpu.memory_space<vmem>>[vector<16xi32>, vector<16xi32>], vector<16xf32>,
      tpu.vector_store_idx %arg9[%broadcast_in_dim3A, %get3A_50], %get3A_82 : memref<16x1024xf32, #tpu.memory_space<vmem>>[vector<16xi32>, vector<16xi32>], vector<16xf32>,
      tpu.vector_store_idx %arg9[%broadcast_in_dim3A, %get3A_52], %get3A_84 : memref<16x1024xf32, #tpu.memory_space<vmem>>[vector<16xi32>, vector<16xi32>], vector<16xf32>,
      tpu.vector_store_idx %arg9[%broadcast_in_dim3A, %get3A_54], %get3A_86 : memref<16x1024xf32, #tpu.memory_space<vmem>>[vector<16xi32>, vector<16xi32>], vector<16xf32>,
      tpu.vector_store_idx %arg9[%broadcast_in_dim3A, %get3A_56], %get3A_88 : memref<16x1024xf32, #tpu.memory_space<vmem>>[vector<16xi32>, vector<16xi32>], vector<16xf32>,
    }
    %scan3A_354 = arith.constant 16 : i32
    %add3A_355 = arith.constant 160 : i32
    %add3A_356 = arith.addi %mul3A_2, %add3A_355 : i32
    %dma_start3A_357 = arith.constant 0 : i32
    %dma_start3A_358 = tpu.memref_slice %arg5[%add3A_356, %dma_start3A_357] : memref<8192x1024xf32, #tpu.memory_space<hbm>> -> memref<16x1024xf32, #tpu.memory_space<hbm>>
    %dma_start3A_359 = arith.constant 0 : i32
    %dma_start3A_360 = tpu.memref_slice %arg5[%add3A_356, %dma_start3A_359] : memref<8192x1024xf32, #tpu.memory_space<hbm>> -> memref<16x1024xf32, #tpu.memory_space<hbm>>
    tpu.enqueue_dma source(%arg9 : memref<16x1024xf32, #tpu.memory_space<vmem>>) target(%dma_start3A_360 : memref<16x1024xf32, #tpu.memory_space<hbm>>) target_semaphore(%arg25 : memref<!tpu.dma_semaphore, #tpu.memory_space<semaphore_mem>>)
    %dma_wait3A_361 = arith.constant 0 : i32
    %dma_wait3A_362 = tpu.memref_slice %arg5[%add3A_304, %dma_wait3A_361] : memref<8192x1024xf32, #tpu.memory_space<hbm>> -> memref<16x1024xf32, #tpu.memory_space<hbm>>
    %dma_wait3A_363 = arith.constant 0 : i32
    %dma_wait3A_364 = tpu.memref_slice %arg5[%add3A_304, %dma_wait3A_363] : memref<8192x1024xf32, #tpu.memory_space<hbm>> -> memref<16x1024xf32, #tpu.memory_space<hbm>>
    tpu.wait_dma2 semaphore(%arg23 : memref<!tpu.dma_semaphore, #tpu.memory_space<semaphore_mem>>) src(%arg7 : memref<16x1024xf32, #tpu.memory_space<vmem>>) dst(%dma_wait3A_364 : memref<16x1024xf32, #tpu.memory_space<hbm>>)
    %add3A_365 = arith.constant 240 : i32
    %add3A_366 = arith.addi %mul3A_2, %add3A_365 : i32
    %dma_start3A_367 = arith.constant 0 : i32
    %dma_start3A_368 = tpu.memref_slice %arg2[%add3A_366, %dma_start3A_367] : memref<8192x1024xf32, #tpu.memory_space<hbm>> -> memref<16x1024xf32, #tpu.memory_space<hbm>>
    %dma_start3A_369 = arith.constant 0 : i32
    %dma_start3A_370 = tpu.memref_slice %arg2[%add3A_366, %dma_start3A_369] : memref<8192x1024xf32, #tpu.memory_space<hbm>> -> memref<16x1024xf32, #tpu.memory_space<hbm>>
    tpu.enqueue_dma source(%dma_start3A_370 : memref<16x1024xf32, #tpu.memory_space<hbm>>) target(%arg7 : memref<16x1024xf32, #tpu.memory_space<vmem>>) target_semaphore(%arg16 : memref<!tpu.dma_semaphore, #tpu.memory_space<semaphore_mem>>)
    %dma_wait3A_371 = arith.constant 0 : i32
    %dma_wait3A_372 = tpu.memref_slice %arg2[%add3A_262, %dma_wait3A_371] : memref<8192x1024xf32, #tpu.memory_space<hbm>> -> memref<16x1024xf32, #tpu.memory_space<hbm>>
    %dma_wait3A_373 = arith.constant 0 : i32
    %dma_wait3A_374 = tpu.memref_slice %arg2[%add3A_262, %dma_wait3A_373] : memref<8192x1024xf32, #tpu.memory_space<hbm>> -> memref<16x1024xf32, #tpu.memory_space<hbm>>
    tpu.wait_dma2 semaphore(%arg19 : memref<!tpu.dma_semaphore, #tpu.memory_space<semaphore_mem>>) src(%dma_wait3A_374 : memref<16x1024xf32, #tpu.memory_space<hbm>>) dst(%arg10 : memref<16x1024xf32, #tpu.memory_space<vmem>>)
    %scan3A_375 = arith.constant 0 : i32
    %scan3A_376 = arith.constant 0 : i32
    %scan3A_377 = arith.constant 16 : i32
    %scan3A_378 = arith.addi %scan3A_376, %scan3A_377 : i32
    %scan3A_379 = arith.constant 1 : i32
    scf.for %scan3A_479 = %scan3A_376 to %scan3A_378 step %scan3A_379  : i32 {
      %broadcast_in_dim3A = vector.broadcast %scan3A_479 : i32 to vector<16xi32>
      tpu.vector_store_idx %arg10[%broadcast_in_dim3A, %get3A_26], %get3A_58 : memref<16x1024xf32, #tpu.memory_space<vmem>>[vector<16xi32>, vector<16xi32>], vector<16xf32>,
      tpu.vector_store_idx %arg10[%broadcast_in_dim3A, %get3A_28], %get3A_60 : memref<16x1024xf32, #tpu.memory_space<vmem>>[vector<16xi32>, vector<16xi32>], vector<16xf32>,
      tpu.vector_store_idx %arg10[%broadcast_in_dim3A, %get3A_30], %get3A_62 : memref<16x1024xf32, #tpu.memory_space<vmem>>[vector<16xi32>, vector<16xi32>], vector<16xf32>,
      tpu.vector_store_idx %arg10[%broadcast_in_dim3A, %get3A_32], %get3A_64 : memref<16x1024xf32, #tpu.memory_space<vmem>>[vector<16xi32>, vector<16xi32>], vector<16xf32>,
      tpu.vector_store_idx %arg10[%broadcast_in_dim3A, %get3A_34], %get3A_66 : memref<16x1024xf32, #tpu.memory_space<vmem>>[vector<16xi32>, vector<16xi32>], vector<16xf32>,
      tpu.vector_store_idx %arg10[%broadcast_in_dim3A, %get3A_36], %get3A_68 : memref<16x1024xf32, #tpu.memory_space<vmem>>[vector<16xi32>, vector<16xi32>], vector<16xf32>,
      tpu.vector_store_idx %arg10[%broadcast_in_dim3A, %get3A_38], %get3A_70 : memref<16x1024xf32, #tpu.memory_space<vmem>>[vector<16xi32>, vector<16xi32>], vector<16xf32>,
      tpu.vector_store_idx %arg10[%broadcast_in_dim3A, %get3A_40], %get3A_72 : memref<16x1024xf32, #tpu.memory_space<vmem>>[vector<16xi32>, vector<16xi32>], vector<16xf32>,
      tpu.vector_store_idx %arg10[%broadcast_in_dim3A, %get3A_42], %get3A_74 : memref<16x1024xf32, #tpu.memory_space<vmem>>[vector<16xi32>, vector<16xi32>], vector<16xf32>,
      tpu.vector_store_idx %arg10[%broadcast_in_dim3A, %get3A_44], %get3A_76 : memref<16x1024xf32, #tpu.memory_space<vmem>>[vector<16xi32>, vector<16xi32>], vector<16xf32>,
      tpu.vector_store_idx %arg10[%broadcast_in_dim3A, %get3A_46], %get3A_78 : memref<16x1024xf32, #tpu.memory_space<vmem>>[vector<16xi32>, vector<16xi32>], vector<16xf32>,
      tpu.vector_store_idx %arg10[%broadcast_in_dim3A, %get3A_48], %get3A_80 : memref<16x1024xf32, #tpu.memory_space<vmem>>[vector<16xi32>, vector<16xi32>], vector<16xf32>,
      tpu.vector_store_idx %arg10[%broadcast_in_dim3A, %get3A_50], %get3A_82 : memref<16x1024xf32, #tpu.memory_space<vmem>>[vector<16xi32>, vector<16xi32>], vector<16xf32>,
      tpu.vector_store_idx %arg10[%broadcast_in_dim3A, %get3A_52], %get3A_84 : memref<16x1024xf32, #tpu.memory_space<vmem>>[vector<16xi32>, vector<16xi32>], vector<16xf32>,
      tpu.vector_store_idx %arg10[%broadcast_in_dim3A, %get3A_54], %get3A_86 : memref<16x1024xf32, #tpu.memory_space<vmem>>[vector<16xi32>, vector<16xi32>], vector<16xf32>,
      tpu.vector_store_idx %arg10[%broadcast_in_dim3A, %get3A_56], %get3A_88 : memref<16x1024xf32, #tpu.memory_space<vmem>>[vector<16xi32>, vector<16xi32>], vector<16xf32>,
    }
    %scan3A_380 = arith.constant 16 : i32
    %add3A_381 = arith.constant 176 : i32
    %add3A_382 = arith.addi %mul3A_2, %add3A_381 : i32
    %dma_start3A_383 = arith.constant 0 : i32
    %dma_start3A_384 = tpu.memref_slice %arg5[%add3A_382, %dma_start3A_383] : memref<8192x1024xf32, #tpu.memory_space<hbm>> -> memref<16x1024xf32, #tpu.memory_space<hbm>>
    %dma_start3A_385 = arith.constant 0 : i32
    %dma_start3A_386 = tpu.memref_slice %arg5[%add3A_382, %dma_start3A_385] : memref<8192x1024xf32, #tpu.memory_space<hbm>> -> memref<16x1024xf32, #tpu.memory_space<hbm>>
    tpu.enqueue_dma source(%arg10 : memref<16x1024xf32, #tpu.memory_space<vmem>>) target(%dma_start3A_386 : memref<16x1024xf32, #tpu.memory_space<hbm>>) target_semaphore(%arg26 : memref<!tpu.dma_semaphore, #tpu.memory_space<semaphore_mem>>)
    %dma_wait3A_387 = arith.constant 0 : i32
    %dma_wait3A_388 = tpu.memref_slice %arg2[%add3A_288, %dma_wait3A_387] : memref<8192x1024xf32, #tpu.memory_space<hbm>> -> memref<16x1024xf32, #tpu.memory_space<hbm>>
    %dma_wait3A_389 = arith.constant 0 : i32
    %dma_wait3A_390 = tpu.memref_slice %arg2[%add3A_288, %dma_wait3A_389] : memref<8192x1024xf32, #tpu.memory_space<hbm>> -> memref<16x1024xf32, #tpu.memory_space<hbm>>
    tpu.wait_dma2 semaphore(%arg20 : memref<!tpu.dma_semaphore, #tpu.memory_space<semaphore_mem>>) src(%dma_wait3A_390 : memref<16x1024xf32, #tpu.memory_space<hbm>>) dst(%arg11 : memref<16x1024xf32, #tpu.memory_space<vmem>>)
    %scan3A_391 = arith.constant 0 : i32
    %scan3A_392 = arith.constant 0 : i32
    %scan3A_393 = arith.constant 16 : i32
    %scan3A_394 = arith.addi %scan3A_392, %scan3A_393 : i32
    %scan3A_395 = arith.constant 1 : i32
    scf.for %scan3A_479 = %scan3A_392 to %scan3A_394 step %scan3A_395  : i32 {
      %broadcast_in_dim3A = vector.broadcast %scan3A_479 : i32 to vector<16xi32>
      tpu.vector_store_idx %arg11[%broadcast_in_dim3A, %get3A_26], %get3A_58 : memref<16x1024xf32, #tpu.memory_space<vmem>>[vector<16xi32>, vector<16xi32>], vector<16xf32>,
      tpu.vector_store_idx %arg11[%broadcast_in_dim3A, %get3A_28], %get3A_60 : memref<16x1024xf32, #tpu.memory_space<vmem>>[vector<16xi32>, vector<16xi32>], vector<16xf32>,
      tpu.vector_store_idx %arg11[%broadcast_in_dim3A, %get3A_30], %get3A_62 : memref<16x1024xf32, #tpu.memory_space<vmem>>[vector<16xi32>, vector<16xi32>], vector<16xf32>,
      tpu.vector_store_idx %arg11[%broadcast_in_dim3A, %get3A_32], %get3A_64 : memref<16x1024xf32, #tpu.memory_space<vmem>>[vector<16xi32>, vector<16xi32>], vector<16xf32>,
      tpu.vector_store_idx %arg11[%broadcast_in_dim3A, %get3A_34], %get3A_66 : memref<16x1024xf32, #tpu.memory_space<vmem>>[vector<16xi32>, vector<16xi32>], vector<16xf32>,
      tpu.vector_store_idx %arg11[%broadcast_in_dim3A, %get3A_36], %get3A_68 : memref<16x1024xf32, #tpu.memory_space<vmem>>[vector<16xi32>, vector<16xi32>], vector<16xf32>,
      tpu.vector_store_idx %arg11[%broadcast_in_dim3A, %get3A_38], %get3A_70 : memref<16x1024xf32, #tpu.memory_space<vmem>>[vector<16xi32>, vector<16xi32>], vector<16xf32>,
      tpu.vector_store_idx %arg11[%broadcast_in_dim3A, %get3A_40], %get3A_72 : memref<16x1024xf32, #tpu.memory_space<vmem>>[vector<16xi32>, vector<16xi32>], vector<16xf32>,
      tpu.vector_store_idx %arg11[%broadcast_in_dim3A, %get3A_42], %get3A_74 : memref<16x1024xf32, #tpu.memory_space<vmem>>[vector<16xi32>, vector<16xi32>], vector<16xf32>,
      tpu.vector_store_idx %arg11[%broadcast_in_dim3A, %get3A_44], %get3A_76 : memref<16x1024xf32, #tpu.memory_space<vmem>>[vector<16xi32>, vector<16xi32>], vector<16xf32>,
      tpu.vector_store_idx %arg11[%broadcast_in_dim3A, %get3A_46], %get3A_78 : memref<16x1024xf32, #tpu.memory_space<vmem>>[vector<16xi32>, vector<16xi32>], vector<16xf32>,
      tpu.vector_store_idx %arg11[%broadcast_in_dim3A, %get3A_48], %get3A_80 : memref<16x1024xf32, #tpu.memory_space<vmem>>[vector<16xi32>, vector<16xi32>], vector<16xf32>,
      tpu.vector_store_idx %arg11[%broadcast_in_dim3A, %get3A_50], %get3A_82 : memref<16x1024xf32, #tpu.memory_space<vmem>>[vector<16xi32>, vector<16xi32>], vector<16xf32>,
      tpu.vector_store_idx %arg11[%broadcast_in_dim3A, %get3A_52], %get3A_84 : memref<16x1024xf32, #tpu.memory_space<vmem>>[vector<16xi32>, vector<16xi32>], vector<16xf32>,
      tpu.vector_store_idx %arg11[%broadcast_in_dim3A, %get3A_54], %get3A_86 : memref<16x1024xf32, #tpu.memory_space<vmem>>[vector<16xi32>, vector<16xi32>], vector<16xf32>,
      tpu.vector_store_idx %arg11[%broadcast_in_dim3A, %get3A_56], %get3A_88 : memref<16x1024xf32, #tpu.memory_space<vmem>>[vector<16xi32>, vector<16xi32>], vector<16xf32>,
    }
    %scan3A_396 = arith.constant 16 : i32
    %add3A_397 = arith.constant 192 : i32
    %add3A_398 = arith.addi %mul3A_2, %add3A_397 : i32
    %dma_start3A_399 = arith.constant 0 : i32
    %dma_start3A_400 = tpu.memref_slice %arg5[%add3A_398, %dma_start3A_399] : memref<8192x1024xf32, #tpu.memory_space<hbm>> -> memref<16x1024xf32, #tpu.memory_space<hbm>>
    %dma_start3A_401 = arith.constant 0 : i32
    %dma_start3A_402 = tpu.memref_slice %arg5[%add3A_398, %dma_start3A_401] : memref<8192x1024xf32, #tpu.memory_space<hbm>> -> memref<16x1024xf32, #tpu.memory_space<hbm>>
    tpu.enqueue_dma source(%arg11 : memref<16x1024xf32, #tpu.memory_space<vmem>>) target(%dma_start3A_402 : memref<16x1024xf32, #tpu.memory_space<hbm>>) target_semaphore(%arg27 : memref<!tpu.dma_semaphore, #tpu.memory_space<semaphore_mem>>)
    %dma_wait3A_403 = arith.constant 0 : i32
    %dma_wait3A_404 = tpu.memref_slice %arg2[%add3A_314, %dma_wait3A_403] : memref<8192x1024xf32, #tpu.memory_space<hbm>> -> memref<16x1024xf32, #tpu.memory_space<hbm>>
    %dma_wait3A_405 = arith.constant 0 : i32
    %dma_wait3A_406 = tpu.memref_slice %arg2[%add3A_314, %dma_wait3A_405] : memref<8192x1024xf32, #tpu.memory_space<hbm>> -> memref<16x1024xf32, #tpu.memory_space<hbm>>
    tpu.wait_dma2 semaphore(%arg21 : memref<!tpu.dma_semaphore, #tpu.memory_space<semaphore_mem>>) src(%dma_wait3A_406 : memref<16x1024xf32, #tpu.memory_space<hbm>>) dst(%arg12 : memref<16x1024xf32, #tpu.memory_space<vmem>>)
    %scan3A_407 = arith.constant 0 : i32
    %scan3A_408 = arith.constant 0 : i32
    %scan3A_409 = arith.constant 16 : i32
    %scan3A_410 = arith.addi %scan3A_408, %scan3A_409 : i32
    %scan3A_411 = arith.constant 1 : i32
    scf.for %scan3A_479 = %scan3A_408 to %scan3A_410 step %scan3A_411  : i32 {
      %broadcast_in_dim3A = vector.broadcast %scan3A_479 : i32 to vector<16xi32>
      tpu.vector_store_idx %arg12[%broadcast_in_dim3A, %get3A_26], %get3A_58 : memref<16x1024xf32, #tpu.memory_space<vmem>>[vector<16xi32>, vector<16xi32>], vector<16xf32>,
      tpu.vector_store_idx %arg12[%broadcast_in_dim3A, %get3A_28], %get3A_60 : memref<16x1024xf32, #tpu.memory_space<vmem>>[vector<16xi32>, vector<16xi32>], vector<16xf32>,
      tpu.vector_store_idx %arg12[%broadcast_in_dim3A, %get3A_30], %get3A_62 : memref<16x1024xf32, #tpu.memory_space<vmem>>[vector<16xi32>, vector<16xi32>], vector<16xf32>,
      tpu.vector_store_idx %arg12[%broadcast_in_dim3A, %get3A_32], %get3A_64 : memref<16x1024xf32, #tpu.memory_space<vmem>>[vector<16xi32>, vector<16xi32>], vector<16xf32>,
      tpu.vector_store_idx %arg12[%broadcast_in_dim3A, %get3A_34], %get3A_66 : memref<16x1024xf32, #tpu.memory_space<vmem>>[vector<16xi32>, vector<16xi32>], vector<16xf32>,
      tpu.vector_store_idx %arg12[%broadcast_in_dim3A, %get3A_36], %get3A_68 : memref<16x1024xf32, #tpu.memory_space<vmem>>[vector<16xi32>, vector<16xi32>], vector<16xf32>,
      tpu.vector_store_idx %arg12[%broadcast_in_dim3A, %get3A_38], %get3A_70 : memref<16x1024xf32, #tpu.memory_space<vmem>>[vector<16xi32>, vector<16xi32>], vector<16xf32>,
      tpu.vector_store_idx %arg12[%broadcast_in_dim3A, %get3A_40], %get3A_72 : memref<16x1024xf32, #tpu.memory_space<vmem>>[vector<16xi32>, vector<16xi32>], vector<16xf32>,
      tpu.vector_store_idx %arg12[%broadcast_in_dim3A, %get3A_42], %get3A_74 : memref<16x1024xf32, #tpu.memory_space<vmem>>[vector<16xi32>, vector<16xi32>], vector<16xf32>,
      tpu.vector_store_idx %arg12[%broadcast_in_dim3A, %get3A_44], %get3A_76 : memref<16x1024xf32, #tpu.memory_space<vmem>>[vector<16xi32>, vector<16xi32>], vector<16xf32>,
      tpu.vector_store_idx %arg12[%broadcast_in_dim3A, %get3A_46], %get3A_78 : memref<16x1024xf32, #tpu.memory_space<vmem>>[vector<16xi32>, vector<16xi32>], vector<16xf32>,
      tpu.vector_store_idx %arg12[%broadcast_in_dim3A, %get3A_48], %get3A_80 : memref<16x1024xf32, #tpu.memory_space<vmem>>[vector<16xi32>, vector<16xi32>], vector<16xf32>,
      tpu.vector_store_idx %arg12[%broadcast_in_dim3A, %get3A_50], %get3A_82 : memref<16x1024xf32, #tpu.memory_space<vmem>>[vector<16xi32>, vector<16xi32>], vector<16xf32>,
      tpu.vector_store_idx %arg12[%broadcast_in_dim3A, %get3A_52], %get3A_84 : memref<16x1024xf32, #tpu.memory_space<vmem>>[vector<16xi32>, vector<16xi32>], vector<16xf32>,
      tpu.vector_store_idx %arg12[%broadcast_in_dim3A, %get3A_54], %get3A_86 : memref<16x1024xf32, #tpu.memory_space<vmem>>[vector<16xi32>, vector<16xi32>], vector<16xf32>,
      tpu.vector_store_idx %arg12[%broadcast_in_dim3A, %get3A_56], %get3A_88 : memref<16x1024xf32, #tpu.memory_space<vmem>>[vector<16xi32>, vector<16xi32>], vector<16xf32>,
    }
    %scan3A_412 = arith.constant 16 : i32
    %add3A_413 = arith.constant 208 : i32
    %add3A_414 = arith.addi %mul3A_2, %add3A_413 : i32
    %dma_start3A_415 = arith.constant 0 : i32
    %dma_start3A_416 = tpu.memref_slice %arg5[%add3A_414, %dma_start3A_415] : memref<8192x1024xf32, #tpu.memory_space<hbm>> -> memref<16x1024xf32, #tpu.memory_space<hbm>>
    %dma_start3A_417 = arith.constant 0 : i32
    %dma_start3A_418 = tpu.memref_slice %arg5[%add3A_414, %dma_start3A_417] : memref<8192x1024xf32, #tpu.memory_space<hbm>> -> memref<16x1024xf32, #tpu.memory_space<hbm>>
    tpu.enqueue_dma source(%arg12 : memref<16x1024xf32, #tpu.memory_space<vmem>>) target(%dma_start3A_418 : memref<16x1024xf32, #tpu.memory_space<hbm>>) target_semaphore(%arg28 : memref<!tpu.dma_semaphore, #tpu.memory_space<semaphore_mem>>)
    %dma_wait3A_419 = arith.constant 0 : i32
    %dma_wait3A_420 = tpu.memref_slice %arg2[%add3A_340, %dma_wait3A_419] : memref<8192x1024xf32, #tpu.memory_space<hbm>> -> memref<16x1024xf32, #tpu.memory_space<hbm>>
    %dma_wait3A_421 = arith.constant 0 : i32
    %dma_wait3A_422 = tpu.memref_slice %arg2[%add3A_340, %dma_wait3A_421] : memref<8192x1024xf32, #tpu.memory_space<hbm>> -> memref<16x1024xf32, #tpu.memory_space<hbm>>
    tpu.wait_dma2 semaphore(%arg15 : memref<!tpu.dma_semaphore, #tpu.memory_space<semaphore_mem>>) src(%dma_wait3A_422 : memref<16x1024xf32, #tpu.memory_space<hbm>>) dst(%arg6 : memref<16x1024xf32, #tpu.memory_space<vmem>>)
    %scan3A_423 = arith.constant 0 : i32
    %scan3A_424 = arith.constant 0 : i32
    %scan3A_425 = arith.constant 16 : i32
    %scan3A_426 = arith.addi %scan3A_424, %scan3A_425 : i32
    %scan3A_427 = arith.constant 1 : i32
    scf.for %scan3A_479 = %scan3A_424 to %scan3A_426 step %scan3A_427  : i32 {
      %broadcast_in_dim3A = vector.broadcast %scan3A_479 : i32 to vector<16xi32>
      tpu.vector_store_idx %arg6[%broadcast_in_dim3A, %get3A_26], %get3A_58 : memref<16x1024xf32, #tpu.memory_space<vmem>>[vector<16xi32>, vector<16xi32>], vector<16xf32>,
      tpu.vector_store_idx %arg6[%broadcast_in_dim3A, %get3A_28], %get3A_60 : memref<16x1024xf32, #tpu.memory_space<vmem>>[vector<16xi32>, vector<16xi32>], vector<16xf32>,
      tpu.vector_store_idx %arg6[%broadcast_in_dim3A, %get3A_30], %get3A_62 : memref<16x1024xf32, #tpu.memory_space<vmem>>[vector<16xi32>, vector<16xi32>], vector<16xf32>,
      tpu.vector_store_idx %arg6[%broadcast_in_dim3A, %get3A_32], %get3A_64 : memref<16x1024xf32, #tpu.memory_space<vmem>>[vector<16xi32>, vector<16xi32>], vector<16xf32>,
      tpu.vector_store_idx %arg6[%broadcast_in_dim3A, %get3A_34], %get3A_66 : memref<16x1024xf32, #tpu.memory_space<vmem>>[vector<16xi32>, vector<16xi32>], vector<16xf32>,
      tpu.vector_store_idx %arg6[%broadcast_in_dim3A, %get3A_36], %get3A_68 : memref<16x1024xf32, #tpu.memory_space<vmem>>[vector<16xi32>, vector<16xi32>], vector<16xf32>,
      tpu.vector_store_idx %arg6[%broadcast_in_dim3A, %get3A_38], %get3A_70 : memref<16x1024xf32, #tpu.memory_space<vmem>>[vector<16xi32>, vector<16xi32>], vector<16xf32>,
      tpu.vector_store_idx %arg6[%broadcast_in_dim3A, %get3A_40], %get3A_72 : memref<16x1024xf32, #tpu.memory_space<vmem>>[vector<16xi32>, vector<16xi32>], vector<16xf32>,
      tpu.vector_store_idx %arg6[%broadcast_in_dim3A, %get3A_42], %get3A_74 : memref<16x1024xf32, #tpu.memory_space<vmem>>[vector<16xi32>, vector<16xi32>], vector<16xf32>,
      tpu.vector_store_idx %arg6[%broadcast_in_dim3A, %get3A_44], %get3A_76 : memref<16x1024xf32, #tpu.memory_space<vmem>>[vector<16xi32>, vector<16xi32>], vector<16xf32>,
      tpu.vector_store_idx %arg6[%broadcast_in_dim3A, %get3A_46], %get3A_78 : memref<16x1024xf32, #tpu.memory_space<vmem>>[vector<16xi32>, vector<16xi32>], vector<16xf32>,
      tpu.vector_store_idx %arg6[%broadcast_in_dim3A, %get3A_48], %get3A_80 : memref<16x1024xf32, #tpu.memory_space<vmem>>[vector<16xi32>, vector<16xi32>], vector<16xf32>,
      tpu.vector_store_idx %arg6[%broadcast_in_dim3A, %get3A_50], %get3A_82 : memref<16x1024xf32, #tpu.memory_space<vmem>>[vector<16xi32>, vector<16xi32>], vector<16xf32>,
      tpu.vector_store_idx %arg6[%broadcast_in_dim3A, %get3A_52], %get3A_84 : memref<16x1024xf32, #tpu.memory_space<vmem>>[vector<16xi32>, vector<16xi32>], vector<16xf32>,
      tpu.vector_store_idx %arg6[%broadcast_in_dim3A, %get3A_54], %get3A_86 : memref<16x1024xf32, #tpu.memory_space<vmem>>[vector<16xi32>, vector<16xi32>], vector<16xf32>,
      tpu.vector_store_idx %arg6[%broadcast_in_dim3A, %get3A_56], %get3A_88 : memref<16x1024xf32, #tpu.memory_space<vmem>>[vector<16xi32>, vector<16xi32>], vector<16xf32>,
    }
    %scan3A_428 = arith.constant 16 : i32
    %add3A_429 = arith.constant 224 : i32
    %add3A_430 = arith.addi %mul3A_2, %add3A_429 : i32
    %dma_start3A_431 = arith.constant 0 : i32
    %dma_start3A_432 = tpu.memref_slice %arg5[%add3A_430, %dma_start3A_431] : memref<8192x1024xf32, #tpu.memory_space<hbm>> -> memref<16x1024xf32, #tpu.memory_space<hbm>>
    %dma_start3A_433 = arith.constant 0 : i32
    %dma_start3A_434 = tpu.memref_slice %arg5[%add3A_430, %dma_start3A_433] : memref<8192x1024xf32, #tpu.memory_space<hbm>> -> memref<16x1024xf32, #tpu.memory_space<hbm>>
    tpu.enqueue_dma source(%arg6 : memref<16x1024xf32, #tpu.memory_space<vmem>>) target(%dma_start3A_434 : memref<16x1024xf32, #tpu.memory_space<hbm>>) target_semaphore(%arg22 : memref<!tpu.dma_semaphore, #tpu.memory_space<semaphore_mem>>)
    %dma_wait3A_435 = arith.constant 0 : i32
    %dma_wait3A_436 = tpu.memref_slice %arg2[%add3A_366, %dma_wait3A_435] : memref<8192x1024xf32, #tpu.memory_space<hbm>> -> memref<16x1024xf32, #tpu.memory_space<hbm>>
    %dma_wait3A_437 = arith.constant 0 : i32
    %dma_wait3A_438 = tpu.memref_slice %arg2[%add3A_366, %dma_wait3A_437] : memref<8192x1024xf32, #tpu.memory_space<hbm>> -> memref<16x1024xf32, #tpu.memory_space<hbm>>
    tpu.wait_dma2 semaphore(%arg16 : memref<!tpu.dma_semaphore, #tpu.memory_space<semaphore_mem>>) src(%dma_wait3A_438 : memref<16x1024xf32, #tpu.memory_space<hbm>>) dst(%arg7 : memref<16x1024xf32, #tpu.memory_space<vmem>>)
    %scan3A_439 = arith.constant 0 : i32
    %scan3A_440 = arith.constant 0 : i32
    %scan3A_441 = arith.constant 16 : i32
    %scan3A_442 = arith.addi %scan3A_440, %scan3A_441 : i32
    %scan3A_443 = arith.constant 1 : i32
    scf.for %scan3A_479 = %scan3A_440 to %scan3A_442 step %scan3A_443  : i32 {
      %broadcast_in_dim3A = vector.broadcast %scan3A_479 : i32 to vector<16xi32>
      tpu.vector_store_idx %arg7[%broadcast_in_dim3A, %get3A_26], %get3A_58 : memref<16x1024xf32, #tpu.memory_space<vmem>>[vector<16xi32>, vector<16xi32>], vector<16xf32>,
      tpu.vector_store_idx %arg7[%broadcast_in_dim3A, %get3A_28], %get3A_60 : memref<16x1024xf32, #tpu.memory_space<vmem>>[vector<16xi32>, vector<16xi32>], vector<16xf32>,
      tpu.vector_store_idx %arg7[%broadcast_in_dim3A, %get3A_30], %get3A_62 : memref<16x1024xf32, #tpu.memory_space<vmem>>[vector<16xi32>, vector<16xi32>], vector<16xf32>,
      tpu.vector_store_idx %arg7[%broadcast_in_dim3A, %get3A_32], %get3A_64 : memref<16x1024xf32, #tpu.memory_space<vmem>>[vector<16xi32>, vector<16xi32>], vector<16xf32>,
      tpu.vector_store_idx %arg7[%broadcast_in_dim3A, %get3A_34], %get3A_66 : memref<16x1024xf32, #tpu.memory_space<vmem>>[vector<16xi32>, vector<16xi32>], vector<16xf32>,
      tpu.vector_store_idx %arg7[%broadcast_in_dim3A, %get3A_36], %get3A_68 : memref<16x1024xf32, #tpu.memory_space<vmem>>[vector<16xi32>, vector<16xi32>], vector<16xf32>,
      tpu.vector_store_idx %arg7[%broadcast_in_dim3A, %get3A_38], %get3A_70 : memref<16x1024xf32, #tpu.memory_space<vmem>>[vector<16xi32>, vector<16xi32>], vector<16xf32>,
      tpu.vector_store_idx %arg7[%broadcast_in_dim3A, %get3A_40], %get3A_72 : memref<16x1024xf32, #tpu.memory_space<vmem>>[vector<16xi32>, vector<16xi32>], vector<16xf32>,
      tpu.vector_store_idx %arg7[%broadcast_in_dim3A, %get3A_42], %get3A_74 : memref<16x1024xf32, #tpu.memory_space<vmem>>[vector<16xi32>, vector<16xi32>], vector<16xf32>,
      tpu.vector_store_idx %arg7[%broadcast_in_dim3A, %get3A_44], %get3A_76 : memref<16x1024xf32, #tpu.memory_space<vmem>>[vector<16xi32>, vector<16xi32>], vector<16xf32>,
      tpu.vector_store_idx %arg7[%broadcast_in_dim3A, %get3A_46], %get3A_78 : memref<16x1024xf32, #tpu.memory_space<vmem>>[vector<16xi32>, vector<16xi32>], vector<16xf32>,
      tpu.vector_store_idx %arg7[%broadcast_in_dim3A, %get3A_48], %get3A_80 : memref<16x1024xf32, #tpu.memory_space<vmem>>[vector<16xi32>, vector<16xi32>], vector<16xf32>,
      tpu.vector_store_idx %arg7[%broadcast_in_dim3A, %get3A_50], %get3A_82 : memref<16x1024xf32, #tpu.memory_space<vmem>>[vector<16xi32>, vector<16xi32>], vector<16xf32>,
      tpu.vector_store_idx %arg7[%broadcast_in_dim3A, %get3A_52], %get3A_84 : memref<16x1024xf32, #tpu.memory_space<vmem>>[vector<16xi32>, vector<16xi32>], vector<16xf32>,
      tpu.vector_store_idx %arg7[%broadcast_in_dim3A, %get3A_54], %get3A_86 : memref<16x1024xf32, #tpu.memory_space<vmem>>[vector<16xi32>, vector<16xi32>], vector<16xf32>,
      tpu.vector_store_idx %arg7[%broadcast_in_dim3A, %get3A_56], %get3A_88 : memref<16x1024xf32, #tpu.memory_space<vmem>>[vector<16xi32>, vector<16xi32>], vector<16xf32>,
    }
    %scan3A_444 = arith.constant 16 : i32
    %add3A_445 = arith.constant 240 : i32
    %add3A_446 = arith.addi %mul3A_2, %add3A_445 : i32
    %dma_start3A_447 = arith.constant 0 : i32
    %dma_start3A_448 = tpu.memref_slice %arg5[%add3A_446, %dma_start3A_447] : memref<8192x1024xf32, #tpu.memory_space<hbm>> -> memref<16x1024xf32, #tpu.memory_space<hbm>>
    %dma_start3A_449 = arith.constant 0 : i32
    %dma_start3A_450 = tpu.memref_slice %arg5[%add3A_446, %dma_start3A_449] : memref<8192x1024xf32, #tpu.memory_space<hbm>> -> memref<16x1024xf32, #tpu.memory_space<hbm>>
    tpu.enqueue_dma source(%arg7 : memref<16x1024xf32, #tpu.memory_space<vmem>>) target(%dma_start3A_450 : memref<16x1024xf32, #tpu.memory_space<hbm>>) target_semaphore(%arg23 : memref<!tpu.dma_semaphore, #tpu.memory_space<semaphore_mem>>)
    %dma_wait3A_451 = arith.constant 0 : i32
    %dma_wait3A_452 = tpu.memref_slice %arg5[%add3A_430, %dma_wait3A_451] : memref<8192x1024xf32, #tpu.memory_space<hbm>> -> memref<16x1024xf32, #tpu.memory_space<hbm>>
    %dma_wait3A_453 = arith.constant 0 : i32
    %dma_wait3A_454 = tpu.memref_slice %arg5[%add3A_430, %dma_wait3A_453] : memref<8192x1024xf32, #tpu.memory_space<hbm>> -> memref<16x1024xf32, #tpu.memory_space<hbm>>
    tpu.wait_dma2 semaphore(%arg22 : memref<!tpu.dma_semaphore, #tpu.memory_space<semaphore_mem>>) src(%arg6 : memref<16x1024xf32, #tpu.memory_space<vmem>>) dst(%dma_wait3A_454 : memref<16x1024xf32, #tpu.memory_space<hbm>>)
    %dma_wait3A_455 = arith.constant 0 : i32
    %dma_wait3A_456 = tpu.memref_slice %arg5[%add3A_446, %dma_wait3A_455] : memref<8192x1024xf32, #tpu.memory_space<hbm>> -> memref<16x1024xf32, #tpu.memory_space<hbm>>
    %dma_wait3A_457 = arith.constant 0 : i32
    %dma_wait3A_458 = tpu.memref_slice %arg5[%add3A_446, %dma_wait3A_457] : memref<8192x1024xf32, #tpu.memory_space<hbm>> -> memref<16x1024xf32, #tpu.memory_space<hbm>>
    tpu.wait_dma2 semaphore(%arg23 : memref<!tpu.dma_semaphore, #tpu.memory_space<semaphore_mem>>) src(%arg7 : memref<16x1024xf32, #tpu.memory_space<vmem>>) dst(%dma_wait3A_458 : memref<16x1024xf32, #tpu.memory_space<hbm>>)
    %dma_wait3A_459 = arith.constant 0 : i32
    %dma_wait3A_460 = tpu.memref_slice %arg5[%add3A_330, %dma_wait3A_459] : memref<8192x1024xf32, #tpu.memory_space<hbm>> -> memref<16x1024xf32, #tpu.memory_space<hbm>>
    %dma_wait3A_461 = arith.constant 0 : i32
    %dma_wait3A_462 = tpu.memref_slice %arg5[%add3A_330, %dma_wait3A_461] : memref<8192x1024xf32, #tpu.memory_space<hbm>> -> memref<16x1024xf32, #tpu.memory_space<hbm>>
    tpu.wait_dma2 semaphore(%arg24 : memref<!tpu.dma_semaphore, #tpu.memory_space<semaphore_mem>>) src(%arg8 : memref<16x1024xf32, #tpu.memory_space<vmem>>) dst(%dma_wait3A_462 : memref<16x1024xf32, #tpu.memory_space<hbm>>)
    %dma_wait3A_463 = arith.constant 0 : i32
    %dma_wait3A_464 = tpu.memref_slice %arg5[%add3A_356, %dma_wait3A_463] : memref<8192x1024xf32, #tpu.memory_space<hbm>> -> memref<16x1024xf32, #tpu.memory_space<hbm>>
    %dma_wait3A_465 = arith.constant 0 : i32
    %dma_wait3A_466 = tpu.memref_slice %arg5[%add3A_356, %dma_wait3A_465] : memref<8192x1024xf32, #tpu.memory_space<hbm>> -> memref<16x1024xf32, #tpu.memory_space<hbm>>
    tpu.wait_dma2 semaphore(%arg25 : memref<!tpu.dma_semaphore, #tpu.memory_space<semaphore_mem>>) src(%arg9 : memref<16x1024xf32, #tpu.memory_space<vmem>>) dst(%dma_wait3A_466 : memref<16x1024xf32, #tpu.memory_space<hbm>>)
    %dma_wait3A_467 = arith.constant 0 : i32
    %dma_wait3A_468 = tpu.memref_slice %arg5[%add3A_382, %dma_wait3A_467] : memref<8192x1024xf32, #tpu.memory_space<hbm>> -> memref<16x1024xf32, #tpu.memory_space<hbm>>
    %dma_wait3A_469 = arith.constant 0 : i32
    %dma_wait3A_470 = tpu.memref_slice %arg5[%add3A_382, %dma_wait3A_469] : memref<8192x1024xf32, #tpu.memory_space<hbm>> -> memref<16x1024xf32, #tpu.memory_space<hbm>>
    tpu.wait_dma2 semaphore(%arg26 : memref<!tpu.dma_semaphore, #tpu.memory_space<semaphore_mem>>) src(%arg10 : memref<16x1024xf32, #tpu.memory_space<vmem>>) dst(%dma_wait3A_470 : memref<16x1024xf32, #tpu.memory_space<hbm>>)
    %dma_wait3A_471 = arith.constant 0 : i32
    %dma_wait3A_472 = tpu.memref_slice %arg5[%add3A_398, %dma_wait3A_471] : memref<8192x1024xf32, #tpu.memory_space<hbm>> -> memref<16x1024xf32, #tpu.memory_space<hbm>>
    %dma_wait3A_473 = arith.constant 0 : i32
    %dma_wait3A_474 = tpu.memref_slice %arg5[%add3A_398, %dma_wait3A_473] : memref<8192x1024xf32, #tpu.memory_space<hbm>> -> memref<16x1024xf32, #tpu.memory_space<hbm>>
    tpu.wait_dma2 semaphore(%arg27 : memref<!tpu.dma_semaphore, #tpu.memory_space<semaphore_mem>>) src(%arg11 : memref<16x1024xf32, #tpu.memory_space<vmem>>) dst(%dma_wait3A_474 : memref<16x1024xf32, #tpu.memory_space<hbm>>)
    %dma_wait3A_475 = arith.constant 0 : i32
    %dma_wait3A_476 = tpu.memref_slice %arg5[%add3A_414, %dma_wait3A_475] : memref<8192x1024xf32, #tpu.memory_space<hbm>> -> memref<16x1024xf32, #tpu.memory_space<hbm>>
    %dma_wait3A_477 = arith.constant 0 : i32
    %dma_wait3A_478 = tpu.memref_slice %arg5[%add3A_414, %dma_wait3A_477] : memref<8192x1024xf32, #tpu.memory_space<hbm>> -> memref<16x1024xf32, #tpu.memory_space<hbm>>
    tpu.wait_dma2 semaphore(%arg28 : memref<!tpu.dma_semaphore, #tpu.memory_space<semaphore_mem>>) src(%arg12 : memref<16x1024xf32, #tpu.memory_space<vmem>>) dst(%dma_wait3A_478 : memref<16x1024xf32, #tpu.memory_space<hbm>>)
    return
  }
}

</mosaic_0001>

<sc_bundles>
// kernel: kernel.3.cloned.1.call-start
scs
__scs_entry_jumppad:
0x0: {  	(pc) =	sbr.rel $0x88, $3  }
0x1: {  	(tag) =	ssettag $0x0;
	lr =	simm.s32 $0x1  }
0x2: {  	[smem:$0x3F9F] =	sst lr;
	_ =	strace $0xD0000000  }
0x3: {  	_ = 	snop  }
0x4: {  	_ = 	snop  }
0x5: {  	_ = 	snop  }
0x6: {  	_ = 	snop  }
0x7: {  	_ = 	snop  }
__scs_overlays_trampoline_lowered:
0x8: {  	[smem:$0x3FAE] =	sst s0  }
0x9: {  	[smem:$0x3FAF] =	sst s1  }
0xa: {  	[smem:$0x3FB0] =	sst s2  }
0xb: {  	[smem:$0x3FB1] =	sst s3  }
0xc: {  	[smem:$0x3FB2] =	sst s4  }
0xd: {  	[smem:$0x3FB3] =	sst s5  }
0xe: {  	[smem:$0x3FB4] =	sst s6  }
0xf: {  	[smem:$0x3FB5] =	sst s7  }
0x10: {  	[smem:$0x3FB6] =	sst s8  }
0x11: {  	[smem:$0x3FB7] =	sst s9;
	s0 =	simm.s32 @!p0 $0x0  }
0x12: {  	s1 =	sld [smem:$0x3F9D];
	s0 =	simm.s32 @p0 $0x1  }
0x13: {  	[smem:$0x3FB8] =	sst s0;
	s0 =	simm.s32 @!p1 $0x0  }
0x14: {  	s2 =	sld [smem:$0x3F9C];
	s0 =	simm.s32 @p1 $0x1  }
0x15: {  	[smem:$0x3FB9] =	sst s0;
	s0 =	simm.s32 @!p2 $0x0  }
0x16: {  	s3 =	sld [smem:$0x3FDB];
	s0 =	simm.s32 @p2 $0x1  }
0x17: {  	s4 =	simm.s32 $0x1BF5;
	[smem:$0x3FBB] =	sst s0  }
0x18: {  	s0 =	sld [smem:$0x3F9E];
	_ =	swait.ge [sflag:s4], $0x0  }
0x19: {  	s7 =	sld [smem:$0x3F9F]  }
0x1a: {  	s8 =	sadd.s32 $0xFFFFE003, lr  }
0x1b: {  	s9 =	sadd.s32 $0xFFFFFEF7, lr;
	s5 =	simm.s32 $0xFFFFFFFF;
	p2 =	slt.u32 s8, $0xFFFFF086  }
0x1c: {  	p1 =	slt.u32 s9, $0xF7A;
	s5 =	simm.s32 @!p2 $0x0  }
0x1d: {  	s5 =	simm.s32 @p1 $0x1;
	p0 =	seq.s32 s7, s2  }
0x1e: {  	s7 =	smul.u32 @!p0 $0xF7A, s2;
	p2 =	seq.s32 @!p0 s5, $0x0  }
0x1f: {  	s9 =	smul.u32 $0xF7A, s1;
	s8 =	simm.s32 @!p0 $0x1BF5;
	p2 =	por !p2, p0  }
0x20: {  	[sflag:s8] =	ssyncset.s32 @!p0 $0xFFFFF086;
	s6 =	sadd.s32 @!p0 s3, s7;
	s7 =	simm.s32 @!p0 $0x108  }
0x21: {  	s3 =	sadd.s32 s3, s9;
	s6 =	sadd.s32 @!p0 $0x88, s6;
	s7 =	simm.s32 @p2 $0x1082  }
0x22: {  	[simem:s7], [sflag:s8] =	dma.local @!p0 [hbm:s6], $0xF7A  }
0x23: {  	s9 =	sor.u32 $0xD0000000, s2;
	s6 =	simm.s32 $0x108;
	_ =	swait.ge @!p0 [sflag:s8], $0x0  }
0x24: {  	s3 =	sadd.s32 $0x88, s3;
	s6 =	simm.s32 @!p1 $0x1082;
	[sflag:s4] =	ssyncset.s32 $0xFFFFF086  }
0x25: {  	[simem:s6], [sflag:s4] =	dma.local [hbm:s3], $0xF7A  }
0x26: {  	[smem:$0x3F9F] =	sst s1;
	(tag) =	ssettag s2;
	_ =	strace s9  }
0x27: {  	s1 =	sld [smem:$0x3FAF]  }
0x28: {  	s2 =	sld [smem:$0x3FB0]  }
0x29: {  	s4 =	sld [smem:$0x3FB2]  }
0x2a: {  	p0 =	seq.s32 s5, $0x0;
	s5 =	sld [smem:$0x3FB3]  }
0x2b: {  	s6 =	sld [smem:$0x3FB4]  }
0x2c: {  	s7 =	sld [smem:$0x3FB5]  }
0x2d: {  	s3 =	simm.s32 $0x108;
	s8 =	sld [smem:$0x3FB6]  }
0x2e: {  	s3 =	simm.s32 @!p0 $0x1082;
	s9 =	sld [smem:$0x3FB7]  }
0x2f: {  	lr =	sadd.s32 s0, s3;
	s0 =	sld [smem:$0x3FAE]  }
0x30: {  	s3 =	sld [smem:$0x3FB1]  }
0x31: {  	[smem:$0x3FBA] =	sst s10  }
0x32: {  	s10 =	sld [smem:$0x3FB8];
	_ =	sdelay $0x3  }
0x33: {  	p0 =	seq.s32 s10, $0x1;
	s10 =	sld [smem:$0x3FBA];
	_ =	sdelay $0x3  }
0x34: {  	[smem:$0x3FBA] =	sst s10  }
0x35: {  	s10 =	sld [smem:$0x3FB9];
	_ =	sdelay $0x3  }
0x36: {  	p1 =	seq.s32 s10, $0x1;
	s10 =	sld [smem:$0x3FBA];
	_ =	sdelay $0x3  }
0x37: {  	[smem:$0x3FBA] =	sst s10  }
0x38: {  	s10 =	sld [smem:$0x3FBB]  }
0x39: {  	_ = 	snop;
	(pc) =	sbr.ind lr, $3  }
0x3a: {  	_ = 	snop  }
0x3b: {  	_ = 	snop  }
0x3c: {  	p2 =	seq.s32 s10, $0x1;
	s10 =	sld [smem:$0x3FBA]  }
0x3d: {  	_ =	shalt  }
0x3e: {  	_ =	shalt  }
0x3f: {  	_ =	shalt  }
0x40: {  	_ =	shalt  }
0x41: {  	_ =	shalt  }
0x42: {  	_ =	shalt  }
0x43: {  	_ =	shalt  }
0x44: {  	_ =	shalt  }
0x45: {  	_ =	shalt  }
0x46: {  	_ =	shalt  }
0x47: {  	_ =	shalt  }
0x48: {  	_ =	shalt  }
0x49: {  	_ =	shalt  }
0x4a: {  	_ =	shalt  }
0x4b: {  	_ =	shalt  }
0x4c: {  	_ =	shalt  }
0x4d: {  	_ =	shalt  }
0x4e: {  	_ =	shalt  }
0x4f: {  	_ =	shalt  }
0x50: {  	_ =	shalt  }
0x51: {  	_ =	shalt  }
0x52: {  	_ =	shalt  }
0x53: {  	_ =	shalt  }
0x54: {  	_ =	shalt  }
0x55: {  	_ =	shalt  }
0x56: {  	_ =	shalt  }
0x57: {  	_ =	shalt  }
0x58: {  	_ =	shalt  }
0x59: {  	_ =	shalt  }
0x5a: {  	_ =	shalt  }
0x5b: {  	_ =	shalt  }
0x5c: {  	_ =	shalt  }
0x5d: {  	_ =	shalt  }
0x5e: {  	_ =	shalt  }
0x5f: {  	_ =	shalt  }
0x60: {  	_ =	shalt  }
0x61: {  	_ =	shalt  }
0x62: {  	_ =	shalt  }
0x63: {  	_ =	shalt  }
0x64: {  	_ =	shalt  }
0x65: {  	_ =	shalt  }
0x66: {  	_ =	shalt  }
0x67: {  	_ =	shalt  }
0x68: {  	_ =	shalt  }
0x69: {  	_ =	shalt  }
0x6a: {  	_ =	shalt  }
0x6b: {  	_ =	shalt  }
0x6c: {  	_ =	shalt  }
0x6d: {  	_ =	shalt  }
0x6e: {  	_ =	shalt  }
0x6f: {  	_ =	shalt  }
0x70: {  	_ =	shalt  }
0x71: {  	_ =	shalt  }
0x72: {  	_ =	shalt  }
0x73: {  	_ =	shalt  }
0x74: {  	_ =	shalt  }
0x75: {  	_ =	shalt  }
0x76: {  	_ =	shalt  }
0x77: {  	_ =	shalt  }
0x78: {  	_ =	shalt  }
0x79: {  	_ =	shalt  }
0x7a: {  	_ =	shalt  }
0x7b: {  	_ =	shalt  }
0x7c: {  	_ =	shalt  }
0x7d: {  	_ =	shalt  }
0x7e: {  	_ =	shalt  }
0x7f: {  	_ =	shalt  }
0x80: {  	_ =	shalt  }
0x81: {  	_ =	shalt  }
0x82: {  	_ =	shalt  }
0x83: {  	_ =	shalt  }
0x84: {  	_ =	shalt  }
0x85: {  	_ =	shalt  }
0x86: {  	_ =	shalt  }
0x87: {  	_ =	shalt  }
.Lfunc_end0:
.L_simem_size_0:
called_computation_lowered:
.L_overlay_start_0:
0x88: {  	s2 =	sld [smem:$0x3FD9]  }
0x89: {  	s3 =	sld [smem:$0x3FFE];
	_ =	sdelay $0x1  }
0x8a: {  	s1 =	srdreg.scid  }
0x8b: {  	s0 =	sand.u32 $0x1, s1  }
0x8c: {  	s17 =	sshll.u32 s0, $0xA;
	s2 =	sadd.s32 s3, s2  }
0x8d: {  	s2 =	sadd.s32 s2, s17  }
0x8e: {  	[smem:$0x3FC6] =	sst s2  }
0x8f: {  	_ = 	snop  }
0x90: {  	s2 =	sld [smem:$0x3FC9]  }
0x91: {  	s18 =	sld [smem:$0x3FD0];
	(tm) =	ssettm $0x1  }
0x92: {  	s4 =	sld [smem:$0x3FFB];
	_ =	sdelay $0x3  }
0x93: {  	_ =	strace s4  }
0x94: {  	s4 =	sld [smem:$0x3FFC];
	_ =	sdelay $0x3  }
0x95: {  	_ =	strace s4  }
0x96: {  	s4 =	sld [smem:$0x3FFD];
	_ =	sdelay $0x3  }
0x97: {  	_ =	strace s4  }
0x98: {  	_ =	strace $0x8FFFFFFF  }
0x99: {  	s19 =	sld [smem:$0x3FDB];
	_ =	sdelay $0x1  }
0x9a: {  	s5 =	simm.s32 $_scs_section_size  }
0x9b: {  	s6 =	simm.s32 $_size__tile_overlayer_lowered;
	s7 =	simm.s32 $_tile_overlayer_lowered  }
0x9c: {  	s22 =	simm.s32 $0x1BFF;
	s21 =	sshll.u32 s7, $0x1;
	s4 =	sadd.s32 s5, s19  }
0x9d: {  	s8 =	simm.s32 $0x0;
	s20 =	sshll.u32 s6, $0x1;
	s6 =	sadd.s32 s21, s4  }
0x9e: {  	[timem:s8], [sflag:s22] =	dma.local [hbm:s6], s20  }
0x9f: {  	_ =	swait.ge [sflag:s22], s20  }
0xa0: {  	s5 =	ssub.s32 $0x0, s20;
	[sflag:s22] =	ssyncset.done $0x0  }
0xa1: {  	[sflag:s22] =	ssyncadd.s32 s5;
	_ =	sdelay $0x1  }
0xa2: {  	s23 =	simm.s32 $0x1B8B  }
0xa3: {  	_ =	swait.ge [sflag:s23], $0x1  }
0xa4: {  	[sflag:s23] =	ssyncset.done $0x0  }
0xa5: {  	s25 =	simm.s32 $0x1B8E;
	s24 =	sld [smem:$0x3FFE];
	[sflag:s23] =	ssyncadd.s32 $0xFFFFFFFF  }
0xa6: {  	s26 =	simm.s32 $execute0_lowered;
	[smem:$0x3FD2] =	sst s25  }
0xa7: {  	s6 =	sshll.u32 s26, $0x1;
	_ =	strace $0x80000046;
	[dreg:$0x1] =	wrdreg $0xFFFFFFFF  }
0xa8: {  	s28 =	simm.s32 $_size_execute0_lowered;
	s4 =	sadd.s32 s4, s6;
	[dreg:$0x0] =	wrdreg $0x0  }
0xa9: {  	s6 =	sshll.u32 s28, $0x1;
	[dreg:$0x2] =	wrdreg s4  }
0xaa: {  	[dreg:$0x3] =	wrdreg s6  }
0xab: {  	[dreg:$0x4] =	wrdreg $0xC0  }
0xac: {  	_ =	task [dreg:s8], $0x5FFFF  }
0xad: {  	[dreg:$0x1] =	wrdreg $0xFFFFFFFF  }
0xae: {  	[dreg:$0x0] =	wrdreg $0x60  }
0xaf: {  	[dreg:$0x2] =	wrdreg s2  }
0xb0: {  	[dreg:$0x3] =	wrdreg s24  }
0xb1: {  	[dreg:$0x4] =	wrdreg s18  }
0xb2: {  	[dreg:$0x5] =	wrdreg $0x9  }
0xb3: {  	_ =	task.clear_ibuf [dreg:s8], $0x6FFFF;
	_ =	strace $0x90000046  }
0xb4: {  	s29 =	simm.s32 $0x9;
	_ =	strace $0x80000048  }
0xb5: {  	_ =	swait.ge [sflag:s29], $0x1  }
0xb6: {  	[sflag:s29] =	ssyncadd.s32 $0xFFFFFFFF  }
0xb7: {  	_ =	strace $0x90000048  }
0xb8: {  	_ =	sfence  }
0xb9: {  	s30 =	sld [smem:$0x0];
	_ =	sdelay $0x2  }
0xba: {  	s31 =	sshll.u32 s1, $0xD;
	s1 =	sshrl.u32 s1, $0x2  }
0xbb: {  	s3 =	sand.u32 $0x4000, s31;
	s1 =	sadd.s32 s1, s30  }
0xbc: {  	s0 =	sor.u32 s3, s0;
	s1 =	sshll.u32 s1, $0x11  }
0xbd: {  	s0 =	sor.u32 s1, s0  }
0xbe: {  	s0 =	sadd.s32 $0x8F2B, s0  }
0xbf: {  	[sflag:s0] =	ssyncadd.remote.s32 $0x1  }
0xc0: {  	_ =	sfence.sel $0xFFFF  }
0xc1: {  	[dreg:$0x0] =	wrdreg $0xFFFFFFFF;
	(pc) =	sbr.abs _section_cstart, $3  }
0xc2: {  	[dreg:$0x1] =	wrdreg $0xFFFFFFFF  }
0xc3: {  	_ =	task.clear_ibuf [dreg:s8], $0x2FFFF;
	_ =	strace $0x9FFFFFFF  }
0xc4: {  	(tm) =	ssettm $0x7FFFFFFF  }
0xc5: {  	_ =	shalt  }
tec
execute0_lowered:
.L_overlay_start_1:
0x0: {  	(tag) =	ssettag $0x1  }
0x1: {  	s0 =	rddreg [dreg:$0x0]  }
0x2: {  	s3 =	rddreg [dreg:$0x2];
	s2 =	srdreg.scid  }
0x3: {  	s1 =	simm.s32 $0x0;
	s5 =	stileid.u32;
	s2 =	sand.u32 $0x1, s2  }
0x4: {  	s5 =	sshll.u32 s5, $0x10;
	s4 =	ssub.s32 $0x2, s2;
	s2 =	sshll.u32 s2, $0xF  }
0x5: {  	[smem:$0x7FF] =	sst s1;
	s6 =	sshrl.u32 s4, $0x1;
	s2 =	sor.u32 s2, s5  }
0x6: {  	s6 =	ssub.s32 s4, s6;
	s14 =	sor.u32 $0x800, s2;
	s5 =	sor.u32 $0x1000, s2  }
0x7: {  	s28 =	sor.u32 $0x5000, s2;
	s7 =	sadd.s32 s0, s14;
	s4 =	sadd.s32 s3, s14  }
0x8: {  	s31 =	sadd.s32 s0, s28;
	s14 =	sadd.s32 s3, s28;
	s28 =	rddreg [dreg:$0x1]  }
0x9: {  	s16 =	sor.u32 $0x1800, s2;
	s15 =	sadd.s32 s0, s5;
	[dreg:$0x4] =	wrdreg s7  }
0xa: {  	s17 =	sor.u32 $0x2000, s2;
	s8 =	sadd.s32 s0, s16;
	[dreg:$0x5] =	wrdreg s15  }
0xb: {  	s9 =	sor.u32 $0x2800, s2;
	s10 =	sadd.s32 s0, s17;
	[dreg:$0x6] =	wrdreg s8  }
0xc: {  	s18 =	sadd.s32 s0, s9;
	[dreg:$0x7] =	wrdreg s10  }
0xd: {  	s19 =	sor.u32 $0x3000, s2;
	[dreg:$0x8] =	wrdreg s18  }
0xe: {  	s20 =	sadd.s32 s0, s19;
	[dreg:$0x9] =	wrdreg s4  }
0xf: {  	s21 =	sor.u32 $0x3800, s2;
	s5 =	sadd.s32 s3, s5;
	[dreg:$0xa] =	wrdreg s20  }
0x10: {  	s23 =	sor.u32 $0x4000, s2;
	s22 =	sadd.s32 s0, s21;
	[dreg:$0xb] =	wrdreg s5  }
0x11: {  	s25 =	sor.u32 $0x4800, s2;
	s24 =	sadd.s32 s0, s23;
	[dreg:$0xc] =	wrdreg s22  }
0x12: {  	s26 =	sadd.s32 s0, s25;
	[dreg:$0xe] =	wrdreg s24  }
0x13: {  	s9 =	sadd.s32 s3, s9;
	[dreg:$0x10] =	wrdreg s26  }
0x14: {  	[dreg:$0x11] =	wrdreg s9  }
0x15: {  	s29 =	simm.s32 $0xE;
	s11 =	sadd.s32 s3, s19;
	[dreg:$0x12] =	wrdreg s31  }
0x16: {  	s30 =	simm.s32 $0x0;
	s12 =	sadd.s32 s3, s23;
	[dreg:$0x13] =	wrdreg s11  }
0x17: {  	s13 =	sadd.s32 s3, s25;
	s19 =	sor.u32 $0x6800, s2;
	[dreg:$0x15] =	wrdreg s12  }
0x18: {  	s6 =	smax.u32 s6, $0x1;
	s7 =	sadd.s32 s3, s16;
	[dreg:$0x16] =	wrdreg s13  }
0x19: {  	s8 =	sadd.s32 s3, s17;
	s4 =	sadd.s32 s3, s21;
	[dreg:$0x17] =	wrdreg s14  }
0x1a: {  	s15 =	sadd.s32 s0, s2;
	s16 =	sadd.s32 s3, s2;
	s17 =	sor.u32 $0x5800, s2  }
0x1b: {  	s18 =	sor.u32 $0x6000, s2;
	s20 =	sor.u32 $0x7000, s2;
	s21 =	sor.u32 $0x7800, s2  }
0x1c: {  	s24 =	sadd.s32 s0, s19;
	s5 =	sadd.s32 $0xA00, s28;
	[dreg:$0xd] =	wrdreg s7  }
0x1d: {  	s9 =	simm.s32 $0xC000;
	s10 =	simm.s32 $0xF;
	[dreg:$0xf] =	wrdreg s8  }
0x1e: {  	s11 =	simm.s32 $0x10000;
	s12 =	simm.s32 $0x1;
	[dreg:$0x14] =	wrdreg s4  }
0x1f: {  	s13 =	simm.s32 $0x14000;
	s14 =	simm.s32 $0x2;
	[dreg:$0x18] =	wrdreg s15  }
0x20: {  	[dreg:$0x19] =	wrdreg s16;
	s22 =	sadd.s32 s0, s17;
	s23 =	sadd.s32 s0, s18  }
0x21: {  	[dreg:$0x1c] =	wrdreg s24;
	s25 =	sadd.s32 s0, s20;
	s0 =	sadd.s32 s0, s21  }
0x22: {  	s26 =	sadd.s32 s3, s17;
	s31 =	sadd.s32 s3, s18;
	[dreg:$0x1a] =	wrdreg s22  }
0x23: {  	s2 =	sadd.s32 s3, s20;
	s4 =	sadd.s32 $0x800, s28;
	[dreg:$0x1b] =	wrdreg s23  }
0x24: {  	s7 =	simm.s32 $0x4000;
	s8 =	simm.s32 $0x8000;
	[dreg:$0x1d] =	wrdreg s25  }
0x25: {  	s15 =	simm.s32 $0x18000;
	s16 =	simm.s32 $0x3;
	[dreg:$0x1e] =	wrdreg s0  }
0x26: {  	s17 =	simm.s32 $0x8;
	s18 =	simm.s32 $0x4;
	[dreg:$0x1f] =	wrdreg s26  }
0x27: {  	s20 =	simm.s32 $0x5;
	s24 =	simm.s32 $0x7;
	[smem:$0x7FD] =	sst s31  }
0x28: {  	s0 =	sadd.s32 s3, s19;
	s3 =	sadd.s32 s3, s21;
	s19 =	simm.s32 $0x9  }
0x29: {  	s21 =	simm.s32 $0xA;
	s22 =	simm.s32 $0x6;
	s23 =	simm.s32 $0xB  }
0x2a: {  	s25 =	simm.s32 $0xC;
	s26 =	simm.s32 $0xD;
	_ =	strace $0x80000047  }
.LBB2_1:
0x2b: {  	s28 =	rddreg [dreg:$0x18]  }
0x2c: {  	[tilespmem:s1], [sflag:$0x1] =	stream.linear.gather [hbm4b:s28+s1], $0x4000, $0x38;
	[tilespmem:$0x1C200] =	vst v63  }
0x2d: {  	s31 =	rddreg [dreg:$0x4]  }
0x2e: {  	[tilespmem:s7], [sflag:$0x2] =	stream.linear.gather [hbm4b:s31+s1], $0x4000, $0x38;
	[tilespmem:$0x1C200] =	vst v63  }
0x2f: {  	s31 =	rddreg [dreg:$0x5]  }
0x30: {  	[tilespmem:s8], [sflag:$0x3] =	stream.linear.gather [hbm4b:s31+s1], $0x4000, $0x38;
	[tilespmem:$0x1C200] =	vst v63  }
0x31: {  	s31 =	rddreg [dreg:$0x6]  }
0x32: {  	[tilespmem:s9], [sflag:$0x4] =	stream.linear.gather [hbm4b:s31+s1], $0x4000, $0x38;
	[tilespmem:$0x1C200] =	vst v63  }
0x33: {  	s28 =	simm.s32 $0x1C000  }
0x34: {  	[tilespmem:s28], [sflag:$0xF] =	stream.linear.gather [hbm4b:s4+s1], $0x100, $0x38;
	[tilespmem:$0x1C200] =	vst v63  }
0x35: {  	_ =	swait.ge [sflag:s10], $0x100  }
0x36: {  	[sflag:s10] =	ssyncset.done $0x0  }
0x37: {  	s28 =	simm.s32 $0x1C100;
	[sflag:s10] =	ssyncadd.s32 $0xFFFFFF00  }
0x38: {  	[tilespmem:s28], [sflag:$0xF] =	stream.linear.gather [hbm4b:s5+s1], $0x100, $0x38;
	[tilespmem:$0x1C200] =	vst v63  }
0x39: {  	_ =	swait.ge [sflag:s10], $0x100  }
0x3a: {  	[sflag:s10] =	ssyncset.done $0x0  }
0x3b: {  	[sflag:s10] =	ssyncadd.s32 $0xFFFFFF00  }
0x3c: {  	v0 =	vld [tilespmem:$0x1C000]  }
0x3d: {  	v1 =	vld [tilespmem:$0x1C010]  }
0x3e: {  	v4 =	vld [tilespmem:$0x1C040]  }
0x3f: {  	v5 =	vld [tilespmem:$0x1C050]  }
0x40: {  	v13 =	vld [tilespmem:$0x1C080]  }
0x41: {  	v15 =	vld [tilespmem:$0x1C090]  }
0x42: {  	v16 =	vld [tilespmem:$0x1C0A0]  }
0x43: {  	v17 =	vld [tilespmem:$0x1C0B0]  }
0x44: {  	v23 =	vld [tilespmem:$0x1C0D0]  }
0x45: {  	v25 =	vld [tilespmem:$0x1C0E0]  }
0x46: {  	v31 =	vld [tilespmem:$0x1C0F0];
	v6 =	vand.u32 $0x7F, v0;
	v0 =	vshll.u32 v0, $0x3;
	v7 =	vshll.u32 v1, $0x3  }
0x47: {  	v1 =	vand.u32 $0x7F, v1;
	v10 =	vand.u32 $0x7F, v4;
	v12 =	vand.u32 $0x7F, v5  }
0x48: {  	v18 =	vand.u32 $0x7F, v13;
	v20 =	vshll.u32 v15, $0x3;
	v21 =	vand.u32 $0x7F, v16  }
0x49: {  	v2 =	vld [tilespmem:$0x1C020];
	v22 =	vshll.u32 v16, $0x3;
	v24 =	vshll.u32 v17, $0x3;
	v26 =	vand.u32 $0x7F, v17  }
0x4a: {  	v3 =	vld [tilespmem:$0x1C030];
	v27 =	vshll.u32 v23, $0x3;
	v28 =	vand.u32 $0x7F, v23;
	v30 =	vshll.u32 v25, $0x3  }
0x4b: {  	v19 =	vld [tilespmem:$0x1C0C0];
	v35 =	vand.u32 $0x7F, v31;
	v31 =	vshll.u32 v31, $0x3;
	v0 =	vand.u32 $0xFFFFFC00, v0  }
0x4c: {  	v8 =	vld [tilespmem:$0x1C060];
	v7 =	vand.u32 $0xFFFFFC00, v7;
	v20 =	vand.u32 $0xFFFFFC00, v20;
	v22 =	vand.u32 $0xFFFFFC00, v22  }
0x4d: {  	v9 =	vld [tilespmem:$0x1C070];
	v24 =	vand.u32 $0xFFFFFC00, v24;
	v29 =	vand.u32 $0xFFFFFC00, v27;
	v30 =	vand.u32 $0xFFFFFC00, v30  }
0x4e: {  	v16 =	vld [tilespmem:$0x1C170];
	v0 =	vor.u32 v6, v0;
	v1 =	vor.u32 v1, v7;
	v6 =	vshll.u32 v2, $0x3  }
0x4f: {  	v17 =	vld [tilespmem:$0x1C180];
	v2 =	vand.u32 $0x7F, v2;
	v7 =	vshll.u32 v3, $0x3;
	v21 =	vor.u32 v21, v22  }
0x50: {  	v23 =	vld [tilespmem:$0x1C1B0];
	v22 =	vor.u32 v26, v24;
	v24 =	vand.u32 $0x7F, v19;
	v26 =	vshll.u32 v19, $0x3  }
0x51: {  	v19 =	vld [tilespmem:$0x1C1A0];
	v28 =	vor.u32 v28, v29;
	v29 =	vand.u32 $0x7F, v25;
	v6 =	vand.u32 $0xFFFFFC00, v6  }
0x52: {  	v25 =	vld [tilespmem:$0x1C1D0];
	v7 =	vand.u32 $0xFFFFFC00, v7;
	v26 =	vand.u32 $0xFFFFFC00, v26;
	v30 =	vor.u32 v29, v30  }
0x53: {  	v29 =	vld [tilespmem:$0x1C1F0];
	v2 =	vor.u32 v2, v6;
	v6 =	vand.u32 $0x7F, v3;
	v3 =	vshll.u32 v4, $0x3  }
0x54: {  	v4 =	vshll.u32 v5, $0x3;
	v27 =	vor.u32 v24, v26;
	v26 =	vmov s1;
	v24 =	vld [tilespmem:$0x1C1C0]  }
0x55: {  	v11 =	vand.u32 $0xFFFFFC00, v3;
	v14 =	vand.u32 $0xFFFFFC00, v4;
	v3 =	vld [tilespmem:$0x1C100];
	v4 =	vor.u32 v6, v7  }
0x56: {  	v7 =	vld [tilespmem:$0x1C110];
	v32 =	vshll.u32 v26, $0xA;
	v34 =	vshll.u32 v26, $0x7;
	v5 =	vor.u32 v10, v11  }
0x57: {  	v26 =	vld [tilespmem:$0x1C1E0];
	v6 =	vor.u32 v12, v14;
	v10 =	vand.u32 $0x7F, v8;
	v11 =	vshll.u32 v8, $0x3  }
0x58: {  	v12 =	vshll.u32 v9, $0x3;
	v8 =	vld [tilespmem:$0x1C120];
	v14 =	vand.u32 $0x7F, v9;
	v33 =	vand.u32 $0x2000, v32  }
0x59: {  	v9 =	vld [tilespmem:$0x1C130];
	v32 =	vand.u32 $0x380, v34;
	v11 =	vand.u32 $0xFFFFFC00, v11;
	v12 =	vand.u32 $0xFFFFFC00, v12  }
0x5a: {  	v10 =	vor.u32 v10, v11;
	v11 =	vor.u32 v14, v12;
	v14 =	vshll.u32 v13, $0x3;
	v12 =	vld [tilespmem:$0x1C140]  }
0x5b: {  	v53 =	vadd.s32 v0, v33;
	v36 =	vadd.s32 v1, v33;
	v13 =	vld [tilespmem:$0x1C150];
	v14 =	vand.u32 $0xFFFFFC00, v14  }
0x5c: {  	s31 =	rddreg [dreg:$0x7];
	v34 =	vor.u32 v32, v53;
	v14 =	vor.u32 v18, v14;
	v18 =	vand.u32 $0x7F, v15;
	v15 =	vld [tilespmem:$0x1C160]  }
0x5d: {  	v37 =	vadd.s32 v2, v33;
	v36 =	vor.u32 v32, v36;
	v20 =	vor.u32 v18, v20;
	v18 =	vld [tilespmem:$0x1C190];
	[tilespmem:s11], [sflag:$0x5] =	stream.linear.gather [hbm4b:s31+s1], $0x4000, $0x38  }
0x5e: {  	v31 =	vand.u32 $0xFFFFFC00, v31;
	v38 =	vadd.s32 v4, v33;
	v37 =	vor.u32 v32, v37;
	_ =	swait.ge [sflag:s12], $0x4000  }
0x5f: {  	v31 =	vor.u32 v35, v31;
	v39 =	vadd.s32 v5, v33;
	v38 =	vor.u32 v32, v38;
	[sflag:s12] =	ssyncset.done $0x0  }
0x60: {  	v40 =	vadd.s32 v6, v33;
	v60 =	vadd.s32 v21, v33;
	v54 =	vor.u32 v32, v39;
	[sflag:s12] =	ssyncadd.s32 $0xFFFFC000  }
0x61: {  	v55 =	vor.u32 v32, v40;
	v56 =	vadd.s32 v10, v33;
	[tilespmem:v34+s1+$0x0] =	vst.idx.msk $0xffff, v3  }
0x62: {  	v57 =	vadd.s32 v11, v33;
	v41 =	vor.u32 v32, v56;
	[tilespmem:v36+s1+$0x0] =	vst.idx.msk $0xffff, v7  }
0x63: {  	v61 =	vadd.s32 v22, v33;
	v40 =	vor.u32 v32, v57;
	[tilespmem:v37+s1+$0x0] =	vst.idx.msk $0xffff, v8  }
0x64: {  	v62 =	vadd.s32 v27, v33;
	v58 =	vadd.s32 v14, v33;
	[tilespmem:v38+s1+$0x0] =	vst.idx.msk $0xffff, v9  }
0x65: {  	v59 =	vadd.s32 v20, v33;
	v37 =	vor.u32 v32, v58;
	[tilespmem:v54+s1+$0x0] =	vst.idx.msk $0xffff, v12  }
0x66: {  	v63 =	vadd.s32 v28, v33;
	v34 =	vor.u32 v32, v59;
	[tilespmem:v55+s1+$0x0] =	vst.idx.msk $0xffff, v13  }
0x67: {  	v35 =	vor.u32 v32, v61;
	v36 =	vor.u32 v32, v60;
	[tilespmem:v41+s1+$0x0] =	vst.idx.msk $0xffff, v15  }
0x68: {  	v39 =	vor.u32 v32, v62;
	s31 =	simm.s32 $0x1;
	v38 =	vor.u32 v32, v63;
	[tilespmem:v40+s1+$0x0] =	vst.idx.msk $0xffff, v16  }
.LBB2_2:
0x69: {  	v40 =	vmov s31;
	p0 =	sne.s32 s31, $0xF;
	s31 =	sadd.s32 $0x1, s31;
	v41 =	vadd.s32 v30, v33;
	v42 =	vadd.s32 v31, v33  }
0x6a: {  	v33 =	vshll.u32 v40, $0xA;
	v40 =	vshll.u32 v40, $0x7;
	[tilespmem:v37+s1+$0x0] =	vst.idx.msk $0xffff, v17;
	v37 =	vor.u32 v32, v41  }
0x6b: {  	v33 =	vand.u32 $0x2000, v33;
	[tilespmem:v34+s1+$0x0] =	vst.idx.msk $0xffff, v18;
	v34 =	vor.u32 v32, v42  }
0x6c: {  	v32 =	vand.u32 $0x380, v40;
	v40 =	vadd.s32 v0, v33;
	v41 =	vadd.s32 v1, v33;
	[tilespmem:v36+s1+$0x0] =	vst.idx.msk $0xffff, v19  }
0x6d: {  	v36 =	vor.u32 v32, v40;
	v40 =	vor.u32 v32, v41;
	[tilespmem:v35+s1+$0x0] =	vst.idx.msk $0xffff, v23  }
0x6e: {  	v35 =	vadd.s32 v2, v33;
	v41 =	vadd.s32 v4, v33;
	[tilespmem:v39+s1+$0x0] =	vst.idx.msk $0xffff, v24  }
0x6f: {  	v35 =	vor.u32 v32, v35;
	v39 =	vor.u32 v32, v41;
	[tilespmem:v38+s1+$0x0] =	vst.idx.msk $0xffff, v25  }
0x70: {  	v41 =	vadd.s32 v6, v33;
	v38 =	vadd.s32 v5, v33;
	[tilespmem:v37+s1+$0x0] =	vst.idx.msk $0xffff, v26  }
0x71: {  	v41 =	vor.u32 v32, v41;
	v38 =	vor.u32 v32, v38;
	[tilespmem:v34+s1+$0x0] =	vst.idx.msk $0xffff, v29  }
0x72: {  	v34 =	vadd.s32 v10, v33;
	[tilespmem:v36+s1+$0x0] =	vst.idx.msk $0xffff, v3;
	v36 =	vadd.s32 v11, v33  }
0x73: {  	[tilespmem:v40+s1+$0x0] =	vst.idx.msk $0xffff, v7;
	v40 =	vor.u32 v32, v34;
	v42 =	vor.u32 v32, v36  }
0x74: {  	v34 =	vadd.s32 v14, v33;
	[tilespmem:v35+s1+$0x0] =	vst.idx.msk $0xffff, v8;
	v35 =	vadd.s32 v20, v33  }
.Ltmp0:
0x75: {  	v37 =	vor.u32 v32, v34;
	[tilespmem:v39+s1+$0x0] =	vst.idx.msk $0xffff, v9;
	v34 =	vor.u32 v32, v35;
	(pc) =	sbr.rel @p0 .LBB2_2-.Ltmp0, $4  }
0x76: {  	v35 =	vadd.s32 v21, v33;
	[tilespmem:v38+s1+$0x0] =	vst.idx.msk $0xffff, v12;
	v38 =	vadd.s32 v22, v33  }
0x77: {  	v36 =	vor.u32 v32, v35;
	[tilespmem:v41+s1+$0x0] =	vst.idx.msk $0xffff, v13;
	v35 =	vor.u32 v32, v38  }
0x78: {  	v38 =	vadd.s32 v27, v33;
	[tilespmem:v40+s1+$0x0] =	vst.idx.msk $0xffff, v15;
	v40 =	vadd.s32 v28, v33  }
0x79: {  	v39 =	vor.u32 v32, v38;
	[tilespmem:v42+s1+$0x0] =	vst.idx.msk $0xffff, v16;
	v38 =	vor.u32 v32, v40  }
0x7a: {  	_ =	sdelay $0x3  }
0x7b: {  	v40 =	vadd.s32 v30, v33;
	[tilespmem:v37+s1+$0x0] =	vst.idx.msk $0xffff, v17  }
0x7c: {  	v45 =	vadd.s32 v31, v33;
	v46 =	vor.u32 v32, v40;
	[tilespmem:v34+s1+$0x0] =	vst.idx.msk $0xffff, v18  }
0x7d: {  	v47 =	vor.u32 v32, v45;
	[tilespmem:v36+s1+$0x0] =	vst.idx.msk $0xffff, v19  }
0x7e: {  	[tilespmem:v35+s1+$0x0] =	vst.idx.msk $0xffff, v23  }
0x7f: {  	s31 =	simm.s32 $0x0;
	[tilespmem:v39+s1+$0x0] =	vst.idx.msk $0xffff, v24  }
0x80: {  	v48 =	vmov s31;
	[tilespmem:v38+s1+$0x0] =	vst.idx.msk $0xffff, v25  }
0x81: {  	v49 =	vshll.u32 v48, $0xA;
	[tilespmem:v46+s1+$0x0] =	vst.idx.msk $0xffff, v26  }
0x82: {  	s28 =	rddreg [dreg:$0x19];
	v50 =	vshll.u32 v48, $0x7;
	v33 =	vand.u32 $0x2000, v49;
	[tilespmem:v47+s1+$0x0] =	vst.idx.msk $0xffff, v29  }
0x83: {  	v32 =	vand.u32 $0x380, v50;
	v34 =	vadd.s32 v0, v33;
	[hbm4b:s28+s31] =	stream.linear.scatter [tilespmem:s31], [sflag:$0x8], $0x4000, $0x38;
	[tilespmem:$0x1C200] =	vst v63  }
0x84: {  	v51 =	vadd.s32 v1, v33;
	v34 =	vor.u32 v32, v34;
	s28 =	rddreg [dreg:$0x8]  }
0x85: {  	v52 =	vadd.s32 v2, v33;
	v35 =	vor.u32 v32, v51;
	[tilespmem:s13], [sflag:$0x6] =	stream.linear.gather [hbm4b:s28+s31], $0x4000, $0x38;
	[tilespmem:$0x1C200] =	vst v63  }
0x86: {  	v53 =	vadd.s32 v4, v33;
	v36 =	vor.u32 v32, v52;
	_ =	swait.ge [sflag:s14], $0x4000  }
0x87: {  	v54 =	vadd.s32 v5, v33;
	v37 =	vor.u32 v32, v53;
	[sflag:s14] =	ssyncset.done $0x0  }
0x88: {  	v55 =	vadd.s32 v6, v33;
	v56 =	vadd.s32 v10, v33;
	v38 =	vor.u32 v32, v54;
	[sflag:s14] =	ssyncadd.s32 $0xFFFFC000  }
0x89: {  	v57 =	vadd.s32 v11, v33;
	v39 =	vor.u32 v32, v55;
	[tilespmem:v34+s7+$0x0] =	vst.idx.msk $0xffff, v3  }
0x8a: {  	v58 =	vadd.s32 v14, v33;
	v41 =	vor.u32 v32, v56;
	[tilespmem:v35+s7+$0x0] =	vst.idx.msk $0xffff, v7  }
0x8b: {  	v59 =	vadd.s32 v20, v33;
	v40 =	vor.u32 v32, v57;
	[tilespmem:v36+s7+$0x0] =	vst.idx.msk $0xffff, v8  }
0x8c: {  	v60 =	vadd.s32 v21, v33;
	v61 =	vadd.s32 v22, v33;
	[tilespmem:v37+s7+$0x0] =	vst.idx.msk $0xffff, v9  }
0x8d: {  	v62 =	vadd.s32 v27, v33;
	v37 =	vor.u32 v32, v58;
	[tilespmem:v38+s7+$0x0] =	vst.idx.msk $0xffff, v12  }
0x8e: {  	v63 =	vadd.s32 v28, v33;
	v34 =	vor.u32 v32, v59;
	[tilespmem:v39+s7+$0x0] =	vst.idx.msk $0xffff, v13  }
0x8f: {  	v35 =	vor.u32 v32, v61;
	v36 =	vor.u32 v32, v60;
	[tilespmem:v41+s7+$0x0] =	vst.idx.msk $0xffff, v15  }
0x90: {  	s31 =	simm.s32 $0x1;
	v38 =	vor.u32 v32, v63;
	v39 =	vor.u32 v32, v62;
	[tilespmem:v40+s7+$0x0] =	vst.idx.msk $0xffff, v16  }
.LBB2_4:
0x91: {  	v40 =	vmov s31;
	p0 =	sne.s32 s31, $0xF;
	s31 =	sadd.s32 $0x1, s31;
	v41 =	vadd.s32 v30, v33;
	v42 =	vadd.s32 v31, v33  }
0x92: {  	v33 =	vshll.u32 v40, $0xA;
	v40 =	vshll.u32 v40, $0x7;
	[tilespmem:v37+s7+$0x0] =	vst.idx.msk $0xffff, v17;
	v37 =	vor.u32 v32, v41  }
0x93: {  	v33 =	vand.u32 $0x2000, v33;
	[tilespmem:v34+s7+$0x0] =	vst.idx.msk $0xffff, v18;
	v34 =	vor.u32 v32, v42  }
0x94: {  	v32 =	vand.u32 $0x380, v40;
	v40 =	vadd.s32 v0, v33;
	v41 =	vadd.s32 v1, v33;
	[tilespmem:v36+s7+$0x0] =	vst.idx.msk $0xffff, v19  }
0x95: {  	v36 =	vor.u32 v32, v40;
	v40 =	vor.u32 v32, v41;
	[tilespmem:v35+s7+$0x0] =	vst.idx.msk $0xffff, v23  }
0x96: {  	v35 =	vadd.s32 v2, v33;
	v41 =	vadd.s32 v4, v33;
	[tilespmem:v39+s7+$0x0] =	vst.idx.msk $0xffff, v24  }
0x97: {  	v35 =	vor.u32 v32, v35;
	v39 =	vor.u32 v32, v41;
	[tilespmem:v38+s7+$0x0] =	vst.idx.msk $0xffff, v25  }
0x98: {  	v41 =	vadd.s32 v6, v33;
	v38 =	vadd.s32 v5, v33;
	[tilespmem:v37+s7+$0x0] =	vst.idx.msk $0xffff, v26  }
0x99: {  	v41 =	vor.u32 v32, v41;
	v38 =	vor.u32 v32, v38;
	[tilespmem:v34+s7+$0x0] =	vst.idx.msk $0xffff, v29  }
0x9a: {  	v34 =	vadd.s32 v10, v33;
	[tilespmem:v36+s7+$0x0] =	vst.idx.msk $0xffff, v3;
	v36 =	vadd.s32 v11, v33  }
0x9b: {  	[tilespmem:v40+s7+$0x0] =	vst.idx.msk $0xffff, v7;
	v40 =	vor.u32 v32, v34;
	v42 =	vor.u32 v32, v36  }
0x9c: {  	v34 =	vadd.s32 v14, v33;
	[tilespmem:v35+s7+$0x0] =	vst.idx.msk $0xffff, v8;
	v35 =	vadd.s32 v20, v33  }
.Ltmp1:
0x9d: {  	v37 =	vor.u32 v32, v34;
	[tilespmem:v39+s7+$0x0] =	vst.idx.msk $0xffff, v9;
	v34 =	vor.u32 v32, v35;
	(pc) =	sbr.rel @p0 .LBB2_4-.Ltmp1, $4  }
0x9e: {  	v35 =	vadd.s32 v21, v33;
	[tilespmem:v38+s7+$0x0] =	vst.idx.msk $0xffff, v12;
	v38 =	vadd.s32 v22, v33  }
0x9f: {  	v36 =	vor.u32 v32, v35;
	[tilespmem:v41+s7+$0x0] =	vst.idx.msk $0xffff, v13;
	v35 =	vor.u32 v32, v38  }
0xa0: {  	v38 =	vadd.s32 v27, v33;
	[tilespmem:v40+s7+$0x0] =	vst.idx.msk $0xffff, v15;
	v40 =	vadd.s32 v28, v33  }
0xa1: {  	v39 =	vor.u32 v32, v38;
	[tilespmem:v42+s7+$0x0] =	vst.idx.msk $0xffff, v16;
	v38 =	vor.u32 v32, v40  }
0xa2: {  	_ =	sdelay $0x3  }
0xa3: {  	v40 =	vadd.s32 v30, v33;
	[tilespmem:v37+s7+$0x0] =	vst.idx.msk $0xffff, v17  }
0xa4: {  	v45 =	vadd.s32 v31, v33;
	v46 =	vor.u32 v32, v40;
	[tilespmem:v34+s7+$0x0] =	vst.idx.msk $0xffff, v18  }
0xa5: {  	v47 =	vor.u32 v32, v45;
	[tilespmem:v36+s7+$0x0] =	vst.idx.msk $0xffff, v19  }
0xa6: {  	[tilespmem:v35+s7+$0x0] =	vst.idx.msk $0xffff, v23  }
0xa7: {  	s31 =	simm.s32 $0x0;
	[tilespmem:v39+s7+$0x0] =	vst.idx.msk $0xffff, v24  }
0xa8: {  	v48 =	vmov s31;
	[tilespmem:v38+s7+$0x0] =	vst.idx.msk $0xffff, v25  }
0xa9: {  	v49 =	vshll.u32 v48, $0xA;
	[tilespmem:v46+s7+$0x0] =	vst.idx.msk $0xffff, v26  }
0xaa: {  	s28 =	rddreg [dreg:$0x9];
	v50 =	vshll.u32 v48, $0x7;
	v33 =	vand.u32 $0x2000, v49;
	[tilespmem:v47+s7+$0x0] =	vst.idx.msk $0xffff, v29  }
0xab: {  	v32 =	vand.u32 $0x380, v50;
	v34 =	vadd.s32 v0, v33;
	[hbm4b:s28+s31] =	stream.linear.scatter [tilespmem:s7], [sflag:$0x9], $0x4000, $0x38;
	[tilespmem:$0x1C200] =	vst v63  }
0xac: {  	v51 =	vadd.s32 v1, v33;
	v34 =	vor.u32 v32, v34;
	s28 =	rddreg [dreg:$0xa]  }
0xad: {  	v52 =	vadd.s32 v2, v33;
	v35 =	vor.u32 v32, v51;
	[tilespmem:s15], [sflag:$0x7] =	stream.linear.gather [hbm4b:s28+s31], $0x4000, $0x38;
	[tilespmem:$0x1C200] =	vst v63  }
0xae: {  	v53 =	vadd.s32 v4, v33;
	v36 =	vor.u32 v32, v52;
	_ =	swait.ge [sflag:s16], $0x4000  }
0xaf: {  	v54 =	vadd.s32 v5, v33;
	v37 =	vor.u32 v32, v53;
	[sflag:s16] =	ssyncset.done $0x0  }
0xb0: {  	v55 =	vadd.s32 v6, v33;
	v56 =	vadd.s32 v10, v33;
	v38 =	vor.u32 v32, v54;
	[sflag:s16] =	ssyncadd.s32 $0xFFFFC000  }
0xb1: {  	v57 =	vadd.s32 v11, v33;
	v39 =	vor.u32 v32, v55;
	[tilespmem:v34+s8+$0x0] =	vst.idx.msk $0xffff, v3  }
0xb2: {  	v58 =	vadd.s32 v14, v33;
	v41 =	vor.u32 v32, v56;
	[tilespmem:v35+s8+$0x0] =	vst.idx.msk $0xffff, v7  }
0xb3: {  	v59 =	vadd.s32 v20, v33;
	v40 =	vor.u32 v32, v57;
	[tilespmem:v36+s8+$0x0] =	vst.idx.msk $0xffff, v8  }
0xb4: {  	v60 =	vadd.s32 v21, v33;
	v61 =	vadd.s32 v22, v33;
	[tilespmem:v37+s8+$0x0] =	vst.idx.msk $0xffff, v9  }
0xb5: {  	v62 =	vadd.s32 v27, v33;
	v37 =	vor.u32 v32, v58;
	[tilespmem:v38+s8+$0x0] =	vst.idx.msk $0xffff, v12  }
0xb6: {  	v63 =	vadd.s32 v28, v33;
	v34 =	vor.u32 v32, v59;
	[tilespmem:v39+s8+$0x0] =	vst.idx.msk $0xffff, v13  }
0xb7: {  	v35 =	vor.u32 v32, v61;
	v36 =	vor.u32 v32, v60;
	[tilespmem:v41+s8+$0x0] =	vst.idx.msk $0xffff, v15  }
0xb8: {  	s31 =	simm.s32 $0x1;
	v38 =	vor.u32 v32, v63;
	v39 =	vor.u32 v32, v62;
	[tilespmem:v40+s8+$0x0] =	vst.idx.msk $0xffff, v16  }
.LBB2_6:
0xb9: {  	v40 =	vmov s31;
	p0 =	sne.s32 s31, $0xF;
	s31 =	sadd.s32 $0x1, s31;
	v41 =	vadd.s32 v30, v33;
	v42 =	vadd.s32 v31, v33  }
0xba: {  	v33 =	vshll.u32 v40, $0xA;
	v40 =	vshll.u32 v40, $0x7;
	[tilespmem:v37+s8+$0x0] =	vst.idx.msk $0xffff, v17;
	v37 =	vor.u32 v32, v41  }
0xbb: {  	v33 =	vand.u32 $0x2000, v33;
	[tilespmem:v34+s8+$0x0] =	vst.idx.msk $0xffff, v18;
	v34 =	vor.u32 v32, v42  }
0xbc: {  	v32 =	vand.u32 $0x380, v40;
	v40 =	vadd.s32 v0, v33;
	v41 =	vadd.s32 v1, v33;
	[tilespmem:v36+s8+$0x0] =	vst.idx.msk $0xffff, v19  }
0xbd: {  	v36 =	vor.u32 v32, v40;
	v40 =	vor.u32 v32, v41;
	[tilespmem:v35+s8+$0x0] =	vst.idx.msk $0xffff, v23  }
0xbe: {  	v35 =	vadd.s32 v2, v33;
	v41 =	vadd.s32 v4, v33;
	[tilespmem:v39+s8+$0x0] =	vst.idx.msk $0xffff, v24  }
0xbf: {  	v35 =	vor.u32 v32, v35;
	v39 =	vor.u32 v32, v41;
	[tilespmem:v38+s8+$0x0] =	vst.idx.msk $0xffff, v25  }
0xc0: {  	v41 =	vadd.s32 v6, v33;
	v38 =	vadd.s32 v5, v33;
	[tilespmem:v37+s8+$0x0] =	vst.idx.msk $0xffff, v26  }
0xc1: {  	v41 =	vor.u32 v32, v41;
	v38 =	vor.u32 v32, v38;
	[tilespmem:v34+s8+$0x0] =	vst.idx.msk $0xffff, v29  }
0xc2: {  	v34 =	vadd.s32 v10, v33;
	[tilespmem:v36+s8+$0x0] =	vst.idx.msk $0xffff, v3;
	v36 =	vadd.s32 v11, v33  }
0xc3: {  	[tilespmem:v40+s8+$0x0] =	vst.idx.msk $0xffff, v7;
	v40 =	vor.u32 v32, v34;
	v42 =	vor.u32 v32, v36  }
0xc4: {  	v34 =	vadd.s32 v14, v33;
	[tilespmem:v35+s8+$0x0] =	vst.idx.msk $0xffff, v8;
	v35 =	vadd.s32 v20, v33  }
.Ltmp2:
0xc5: {  	v37 =	vor.u32 v32, v34;
	[tilespmem:v39+s8+$0x0] =	vst.idx.msk $0xffff, v9;
	v34 =	vor.u32 v32, v35;
	(pc) =	sbr.rel @p0 .LBB2_6-.Ltmp2, $4  }
0xc6: {  	v35 =	vadd.s32 v21, v33;
	[tilespmem:v38+s8+$0x0] =	vst.idx.msk $0xffff, v12;
	v38 =	vadd.s32 v22, v33  }
0xc7: {  	v36 =	vor.u32 v32, v35;
	[tilespmem:v41+s8+$0x0] =	vst.idx.msk $0xffff, v13;
	v35 =	vor.u32 v32, v38  }
0xc8: {  	v38 =	vadd.s32 v27, v33;
	[tilespmem:v40+s8+$0x0] =	vst.idx.msk $0xffff, v15;
	v40 =	vadd.s32 v28, v33  }
0xc9: {  	v39 =	vor.u32 v32, v38;
	[tilespmem:v42+s8+$0x0] =	vst.idx.msk $0xffff, v16;
	v38 =	vor.u32 v32, v40  }
0xca: {  	_ =	sdelay $0x3  }
0xcb: {  	v40 =	vadd.s32 v30, v33;
	[tilespmem:v37+s8+$0x0] =	vst.idx.msk $0xffff, v17  }
0xcc: {  	v45 =	vadd.s32 v31, v33;
	v46 =	vor.u32 v32, v40;
	[tilespmem:v34+s8+$0x0] =	vst.idx.msk $0xffff, v18  }
0xcd: {  	v47 =	vor.u32 v32, v45;
	[tilespmem:v36+s8+$0x0] =	vst.idx.msk $0xffff, v19  }
0xce: {  	[tilespmem:v35+s8+$0x0] =	vst.idx.msk $0xffff, v23  }
0xcf: {  	[tilespmem:v39+s8+$0x0] =	vst.idx.msk $0xffff, v24  }
0xd0: {  	[tilespmem:v38+s8+$0x0] =	vst.idx.msk $0xffff, v25  }
0xd1: {  	s31 =	simm.s32 $0x0;
	[tilespmem:v46+s8+$0x0] =	vst.idx.msk $0xffff, v26  }
0xd2: {  	s28 =	rddreg [dreg:$0xb];
	v48 =	vmov s31;
	[tilespmem:v47+s8+$0x0] =	vst.idx.msk $0xffff, v29  }
0xd3: {  	v49 =	vshll.u32 v48, $0xA;
	[hbm4b:s28+s31] =	stream.linear.scatter [tilespmem:s8], [sflag:$0xA], $0x4000, $0x38;
	[tilespmem:$0x1C200] =	vst v63  }
0xd4: {  	v32 =	vshll.u32 v48, $0x7;
	v33 =	vand.u32 $0x2000, v49;
	_ =	swait.ge [sflag:s17], $0x4000  }
0xd5: {  	v32 =	vand.u32 $0x380, v32;
	v50 =	vadd.s32 v0, v33;
	[sflag:s17] =	ssyncset.done $0x0  }
0xd6: {  	v51 =	vadd.s32 v1, v33;
	v34 =	vor.u32 v32, v50;
	s28 =	rddreg [dreg:$0xc];
	[sflag:s17] =	ssyncadd.s32 $0xFFFFC000  }
0xd7: {  	v52 =	vadd.s32 v2, v33;
	v35 =	vor.u32 v32, v51;
	[tilespmem:s31], [sflag:$0x1] =	stream.linear.gather [hbm4b:s28+s31], $0x4000, $0x38;
	[tilespmem:$0x1C200] =	vst v63  }
0xd8: {  	v53 =	vadd.s32 v4, v33;
	v36 =	vor.u32 v32, v52;
	_ =	swait.ge [sflag:s18], $0x4000  }
0xd9: {  	v54 =	vadd.s32 v5, v33;
	v37 =	vor.u32 v32, v53;
	[sflag:s18] =	ssyncset.done $0x0  }
0xda: {  	v55 =	vadd.s32 v6, v33;
	v56 =	vadd.s32 v10, v33;
	v38 =	vor.u32 v32, v54;
	[sflag:s18] =	ssyncadd.s32 $0xFFFFC000  }
0xdb: {  	v57 =	vadd.s32 v11, v33;
	v39 =	vor.u32 v32, v55;
	[tilespmem:v34+s9+$0x0] =	vst.idx.msk $0xffff, v3  }
0xdc: {  	v58 =	vadd.s32 v14, v33;
	v41 =	vor.u32 v32, v56;
	[tilespmem:v35+s9+$0x0] =	vst.idx.msk $0xffff, v7  }
0xdd: {  	v59 =	vadd.s32 v20, v33;
	v40 =	vor.u32 v32, v57;
	[tilespmem:v36+s9+$0x0] =	vst.idx.msk $0xffff, v8  }
0xde: {  	v60 =	vadd.s32 v21, v33;
	v61 =	vadd.s32 v22, v33;
	[tilespmem:v37+s9+$0x0] =	vst.idx.msk $0xffff, v9  }
0xdf: {  	v62 =	vadd.s32 v27, v33;
	v37 =	vor.u32 v32, v58;
	[tilespmem:v38+s9+$0x0] =	vst.idx.msk $0xffff, v12  }
0xe0: {  	v63 =	vadd.s32 v28, v33;
	v34 =	vor.u32 v32, v59;
	[tilespmem:v39+s9+$0x0] =	vst.idx.msk $0xffff, v13  }
0xe1: {  	v35 =	vor.u32 v32, v61;
	v36 =	vor.u32 v32, v60;
	[tilespmem:v41+s9+$0x0] =	vst.idx.msk $0xffff, v15  }
0xe2: {  	s31 =	simm.s32 $0x1;
	v38 =	vor.u32 v32, v63;
	v39 =	vor.u32 v32, v62;
	[tilespmem:v40+s9+$0x0] =	vst.idx.msk $0xffff, v16  }
.LBB2_8:
0xe3: {  	v40 =	vmov s31;
	p0 =	sne.s32 s31, $0xF;
	s31 =	sadd.s32 $0x1, s31;
	v41 =	vadd.s32 v30, v33;
	v42 =	vadd.s32 v31, v33  }
0xe4: {  	v33 =	vshll.u32 v40, $0xA;
	v40 =	vshll.u32 v40, $0x7;
	[tilespmem:v37+s9+$0x0] =	vst.idx.msk $0xffff, v17;
	v37 =	vor.u32 v32, v41  }
0xe5: {  	v33 =	vand.u32 $0x2000, v33;
	[tilespmem:v34+s9+$0x0] =	vst.idx.msk $0xffff, v18;
	v34 =	vor.u32 v32, v42  }
0xe6: {  	v32 =	vand.u32 $0x380, v40;
	v40 =	vadd.s32 v0, v33;
	v41 =	vadd.s32 v1, v33;
	[tilespmem:v36+s9+$0x0] =	vst.idx.msk $0xffff, v19  }
0xe7: {  	v36 =	vor.u32 v32, v40;
	v40 =	vor.u32 v32, v41;
	[tilespmem:v35+s9+$0x0] =	vst.idx.msk $0xffff, v23  }
0xe8: {  	v35 =	vadd.s32 v2, v33;
	v41 =	vadd.s32 v4, v33;
	[tilespmem:v39+s9+$0x0] =	vst.idx.msk $0xffff, v24  }
0xe9: {  	v35 =	vor.u32 v32, v35;
	v39 =	vor.u32 v32, v41;
	[tilespmem:v38+s9+$0x0] =	vst.idx.msk $0xffff, v25  }
0xea: {  	v41 =	vadd.s32 v6, v33;
	v38 =	vadd.s32 v5, v33;
	[tilespmem:v37+s9+$0x0] =	vst.idx.msk $0xffff, v26  }
0xeb: {  	v41 =	vor.u32 v32, v41;
	v38 =	vor.u32 v32, v38;
	[tilespmem:v34+s9+$0x0] =	vst.idx.msk $0xffff, v29  }
0xec: {  	v34 =	vadd.s32 v10, v33;
	[tilespmem:v36+s9+$0x0] =	vst.idx.msk $0xffff, v3;
	v36 =	vadd.s32 v11, v33  }
0xed: {  	[tilespmem:v40+s9+$0x0] =	vst.idx.msk $0xffff, v7;
	v40 =	vor.u32 v32, v34;
	v42 =	vor.u32 v32, v36  }
0xee: {  	v34 =	vadd.s32 v14, v33;
	[tilespmem:v35+s9+$0x0] =	vst.idx.msk $0xffff, v8;
	v35 =	vadd.s32 v20, v33  }
.Ltmp3:
0xef: {  	v37 =	vor.u32 v32, v34;
	[tilespmem:v39+s9+$0x0] =	vst.idx.msk $0xffff, v9;
	v34 =	vor.u32 v32, v35;
	(pc) =	sbr.rel @p0 .LBB2_8-.Ltmp3, $4  }
0xf0: {  	v35 =	vadd.s32 v21, v33;
	[tilespmem:v38+s9+$0x0] =	vst.idx.msk $0xffff, v12;
	v38 =	vadd.s32 v22, v33  }
0xf1: {  	v36 =	vor.u32 v32, v35;
	[tilespmem:v41+s9+$0x0] =	vst.idx.msk $0xffff, v13;
	v35 =	vor.u32 v32, v38  }
0xf2: {  	v38 =	vadd.s32 v27, v33;
	[tilespmem:v40+s9+$0x0] =	vst.idx.msk $0xffff, v15;
	v40 =	vadd.s32 v28, v33  }
0xf3: {  	v39 =	vor.u32 v32, v38;
	[tilespmem:v42+s9+$0x0] =	vst.idx.msk $0xffff, v16;
	v38 =	vor.u32 v32, v40  }
0xf4: {  	_ =	sdelay $0x3  }
0xf5: {  	v40 =	vadd.s32 v30, v33;
	[tilespmem:v37+s9+$0x0] =	vst.idx.msk $0xffff, v17  }
0xf6: {  	v45 =	vadd.s32 v31, v33;
	v46 =	vor.u32 v32, v40;
	[tilespmem:v34+s9+$0x0] =	vst.idx.msk $0xffff, v18  }
0xf7: {  	v47 =	vor.u32 v32, v45;
	[tilespmem:v36+s9+$0x0] =	vst.idx.msk $0xffff, v19  }
0xf8: {  	[tilespmem:v35+s9+$0x0] =	vst.idx.msk $0xffff, v23  }
0xf9: {  	[tilespmem:v39+s9+$0x0] =	vst.idx.msk $0xffff, v24  }
0xfa: {  	[tilespmem:v38+s9+$0x0] =	vst.idx.msk $0xffff, v25  }
0xfb: {  	s31 =	simm.s32 $0x0;
	[tilespmem:v46+s9+$0x0] =	vst.idx.msk $0xffff, v26  }
0xfc: {  	s28 =	rddreg [dreg:$0xd];
	v48 =	vmov s31;
	[tilespmem:v47+s9+$0x0] =	vst.idx.msk $0xffff, v29  }
0xfd: {  	v49 =	vshll.u32 v48, $0xA;
	[hbm4b:s28+s31] =	stream.linear.scatter [tilespmem:s9], [sflag:$0xB], $0x4000, $0x38;
	[tilespmem:$0x1C200] =	vst v63  }
0xfe: {  	v32 =	vshll.u32 v48, $0x7;
	v33 =	vand.u32 $0x2000, v49;
	_ =	swait.ge [sflag:s19], $0x4000  }
0xff: {  	v32 =	vand.u32 $0x380, v32;
	v50 =	vadd.s32 v0, v33;
	[sflag:s19] =	ssyncset.done $0x0  }
0x100: {  	v51 =	vadd.s32 v1, v33;
	v34 =	vor.u32 v32, v50;
	s28 =	rddreg [dreg:$0xe];
	[sflag:s19] =	ssyncadd.s32 $0xFFFFC000  }
0x101: {  	v52 =	vadd.s32 v2, v33;
	v35 =	vor.u32 v32, v51;
	[tilespmem:s7], [sflag:$0x2] =	stream.linear.gather [hbm4b:s28+s31], $0x4000, $0x38;
	[tilespmem:$0x1C200] =	vst v63  }
0x102: {  	v53 =	vadd.s32 v4, v33;
	v36 =	vor.u32 v32, v52;
	_ =	swait.ge [sflag:s20], $0x4000  }
0x103: {  	v54 =	vadd.s32 v5, v33;
	v37 =	vor.u32 v32, v53;
	[sflag:s20] =	ssyncset.done $0x0  }
0x104: {  	v55 =	vadd.s32 v6, v33;
	v56 =	vadd.s32 v10, v33;
	v38 =	vor.u32 v32, v54;
	[sflag:s20] =	ssyncadd.s32 $0xFFFFC000  }
0x105: {  	v57 =	vadd.s32 v11, v33;
	v39 =	vor.u32 v32, v55;
	[tilespmem:v34+s11+$0x0] =	vst.idx.msk $0xffff, v3  }
0x106: {  	v58 =	vadd.s32 v14, v33;
	v41 =	vor.u32 v32, v56;
	[tilespmem:v35+s11+$0x0] =	vst.idx.msk $0xffff, v7  }
0x107: {  	v59 =	vadd.s32 v20, v33;
	v40 =	vor.u32 v32, v57;
	[tilespmem:v36+s11+$0x0] =	vst.idx.msk $0xffff, v8  }
0x108: {  	v60 =	vadd.s32 v21, v33;
	v61 =	vadd.s32 v22, v33;
	[tilespmem:v37+s11+$0x0] =	vst.idx.msk $0xffff, v9  }
0x109: {  	v62 =	vadd.s32 v27, v33;
	v37 =	vor.u32 v32, v58;
	[tilespmem:v38+s11+$0x0] =	vst.idx.msk $0xffff, v12  }
0x10a: {  	v63 =	vadd.s32 v28, v33;
	v34 =	vor.u32 v32, v59;
	[tilespmem:v39+s11+$0x0] =	vst.idx.msk $0xffff, v13  }
0x10b: {  	v35 =	vor.u32 v32, v61;
	v36 =	vor.u32 v32, v60;
	[tilespmem:v41+s11+$0x0] =	vst.idx.msk $0xffff, v15  }
0x10c: {  	s31 =	simm.s32 $0x1;
	v38 =	vor.u32 v32, v63;
	v39 =	vor.u32 v32, v62;
	[tilespmem:v40+s11+$0x0] =	vst.idx.msk $0xffff, v16  }
.LBB2_10:
0x10d: {  	v40 =	vmov s31;
	p0 =	sne.s32 s31, $0xF;
	s31 =	sadd.s32 $0x1, s31;
	v41 =	vadd.s32 v30, v33;
	v42 =	vadd.s32 v31, v33  }
0x10e: {  	v33 =	vshll.u32 v40, $0xA;
	v40 =	vshll.u32 v40, $0x7;
	[tilespmem:v37+s11+$0x0] =	vst.idx.msk $0xffff, v17;
	v37 =	vor.u32 v32, v41  }
0x10f: {  	v33 =	vand.u32 $0x2000, v33;
	[tilespmem:v34+s11+$0x0] =	vst.idx.msk $0xffff, v18;
	v34 =	vor.u32 v32, v42  }
0x110: {  	v32 =	vand.u32 $0x380, v40;
	v40 =	vadd.s32 v0, v33;
	v41 =	vadd.s32 v1, v33;
	[tilespmem:v36+s11+$0x0] =	vst.idx.msk $0xffff, v19  }
0x111: {  	v36 =	vor.u32 v32, v40;
	v40 =	vor.u32 v32, v41;
	[tilespmem:v35+s11+$0x0] =	vst.idx.msk $0xffff, v23  }
0x112: {  	v35 =	vadd.s32 v2, v33;
	v41 =	vadd.s32 v4, v33;
	[tilespmem:v39+s11+$0x0] =	vst.idx.msk $0xffff, v24  }
0x113: {  	v35 =	vor.u32 v32, v35;
	v39 =	vor.u32 v32, v41;
	[tilespmem:v38+s11+$0x0] =	vst.idx.msk $0xffff, v25  }
0x114: {  	v41 =	vadd.s32 v6, v33;
	v38 =	vadd.s32 v5, v33;
	[tilespmem:v37+s11+$0x0] =	vst.idx.msk $0xffff, v26  }
0x115: {  	v41 =	vor.u32 v32, v41;
	v38 =	vor.u32 v32, v38;
	[tilespmem:v34+s11+$0x0] =	vst.idx.msk $0xffff, v29  }
0x116: {  	v34 =	vadd.s32 v10, v33;
	[tilespmem:v36+s11+$0x0] =	vst.idx.msk $0xffff, v3;
	v36 =	vadd.s32 v11, v33  }
0x117: {  	[tilespmem:v40+s11+$0x0] =	vst.idx.msk $0xffff, v7;
	v40 =	vor.u32 v32, v34;
	v42 =	vor.u32 v32, v36  }
0x118: {  	v34 =	vadd.s32 v14, v33;
	[tilespmem:v35+s11+$0x0] =	vst.idx.msk $0xffff, v8;
	v35 =	vadd.s32 v20, v33  }
.Ltmp4:
0x119: {  	v37 =	vor.u32 v32, v34;
	[tilespmem:v39+s11+$0x0] =	vst.idx.msk $0xffff, v9;
	v34 =	vor.u32 v32, v35;
	(pc) =	sbr.rel @p0 .LBB2_10-.Ltmp4, $4  }
0x11a: {  	v35 =	vadd.s32 v21, v33;
	[tilespmem:v38+s11+$0x0] =	vst.idx.msk $0xffff, v12;
	v38 =	vadd.s32 v22, v33  }
0x11b: {  	v36 =	vor.u32 v32, v35;
	[tilespmem:v41+s11+$0x0] =	vst.idx.msk $0xffff, v13;
	v35 =	vor.u32 v32, v38  }
0x11c: {  	v38 =	vadd.s32 v27, v33;
	[tilespmem:v40+s11+$0x0] =	vst.idx.msk $0xffff, v15;
	v40 =	vadd.s32 v28, v33  }
0x11d: {  	v39 =	vor.u32 v32, v38;
	[tilespmem:v42+s11+$0x0] =	vst.idx.msk $0xffff, v16;
	v38 =	vor.u32 v32, v40  }
0x11e: {  	_ =	sdelay $0x3  }
0x11f: {  	v40 =	vadd.s32 v30, v33;
	[tilespmem:v37+s11+$0x0] =	vst.idx.msk $0xffff, v17  }
0x120: {  	v45 =	vadd.s32 v31, v33;
	v46 =	vor.u32 v32, v40;
	[tilespmem:v34+s11+$0x0] =	vst.idx.msk $0xffff, v18  }
0x121: {  	v47 =	vor.u32 v32, v45;
	[tilespmem:v36+s11+$0x0] =	vst.idx.msk $0xffff, v19  }
0x122: {  	[tilespmem:v35+s11+$0x0] =	vst.idx.msk $0xffff, v23  }
0x123: {  	[tilespmem:v39+s11+$0x0] =	vst.idx.msk $0xffff, v24  }
0x124: {  	[tilespmem:v38+s11+$0x0] =	vst.idx.msk $0xffff, v25  }
0x125: {  	s31 =	simm.s32 $0x0;
	[tilespmem:v46+s11+$0x0] =	vst.idx.msk $0xffff, v26  }
0x126: {  	s28 =	rddreg [dreg:$0xf];
	v48 =	vmov s31;
	[tilespmem:v47+s11+$0x0] =	vst.idx.msk $0xffff, v29  }
0x127: {  	v49 =	vshll.u32 v48, $0xA;
	[hbm4b:s28+s31] =	stream.linear.scatter [tilespmem:s11], [sflag:$0xC], $0x4000, $0x38;
	[tilespmem:$0x1C200] =	vst v63  }
0x128: {  	v32 =	vshll.u32 v48, $0x7;
	v33 =	vand.u32 $0x2000, v49;
	_ =	swait.ge [sflag:s21], $0x4000  }
0x129: {  	v32 =	vand.u32 $0x380, v32;
	v50 =	vadd.s32 v0, v33;
	[sflag:s21] =	ssyncset.done $0x0  }
0x12a: {  	v51 =	vadd.s32 v1, v33;
	v34 =	vor.u32 v32, v50;
	s28 =	rddreg [dreg:$0x10];
	[sflag:s21] =	ssyncadd.s32 $0xFFFFC000  }
0x12b: {  	v52 =	vadd.s32 v2, v33;
	v35 =	vor.u32 v32, v51;
	[tilespmem:s8], [sflag:$0x3] =	stream.linear.gather [hbm4b:s28+s31], $0x4000, $0x38;
	[tilespmem:$0x1C200] =	vst v63  }
0x12c: {  	v53 =	vadd.s32 v4, v33;
	v36 =	vor.u32 v32, v52;
	_ =	swait.ge [sflag:s22], $0x4000  }
0x12d: {  	v54 =	vadd.s32 v5, v33;
	v37 =	vor.u32 v32, v53;
	[sflag:s22] =	ssyncset.done $0x0  }
0x12e: {  	v55 =	vadd.s32 v6, v33;
	v56 =	vadd.s32 v10, v33;
	v38 =	vor.u32 v32, v54;
	[sflag:s22] =	ssyncadd.s32 $0xFFFFC000  }
0x12f: {  	v57 =	vadd.s32 v11, v33;
	v39 =	vor.u32 v32, v55;
	[tilespmem:v34+s13+$0x0] =	vst.idx.msk $0xffff, v3  }
0x130: {  	v58 =	vadd.s32 v14, v33;
	v41 =	vor.u32 v32, v56;
	[tilespmem:v35+s13+$0x0] =	vst.idx.msk $0xffff, v7  }
0x131: {  	v59 =	vadd.s32 v20, v33;
	v40 =	vor.u32 v32, v57;
	[tilespmem:v36+s13+$0x0] =	vst.idx.msk $0xffff, v8  }
0x132: {  	v60 =	vadd.s32 v21, v33;
	v61 =	vadd.s32 v22, v33;
	[tilespmem:v37+s13+$0x0] =	vst.idx.msk $0xffff, v9  }
0x133: {  	v62 =	vadd.s32 v27, v33;
	v37 =	vor.u32 v32, v58;
	[tilespmem:v38+s13+$0x0] =	vst.idx.msk $0xffff, v12  }
0x134: {  	v63 =	vadd.s32 v28, v33;
	v34 =	vor.u32 v32, v59;
	[tilespmem:v39+s13+$0x0] =	vst.idx.msk $0xffff, v13  }
0x135: {  	v35 =	vor.u32 v32, v61;
	v36 =	vor.u32 v32, v60;
	[tilespmem:v41+s13+$0x0] =	vst.idx.msk $0xffff, v15  }
0x136: {  	s31 =	simm.s32 $0x1;
	v38 =	vor.u32 v32, v63;
	v39 =	vor.u32 v32, v62;
	[tilespmem:v40+s13+$0x0] =	vst.idx.msk $0xffff, v16  }
.LBB2_12:
0x137: {  	v40 =	vmov s31;
	p0 =	sne.s32 s31, $0xF;
	s31 =	sadd.s32 $0x1, s31;
	v41 =	vadd.s32 v30, v33;
	v42 =	vadd.s32 v31, v33  }
0x138: {  	v33 =	vshll.u32 v40, $0xA;
	v40 =	vshll.u32 v40, $0x7;
	[tilespmem:v37+s13+$0x0] =	vst.idx.msk $0xffff, v17;
	v37 =	vor.u32 v32, v41  }
0x139: {  	v33 =	vand.u32 $0x2000, v33;
	[tilespmem:v34+s13+$0x0] =	vst.idx.msk $0xffff, v18;
	v34 =	vor.u32 v32, v42  }
0x13a: {  	v32 =	vand.u32 $0x380, v40;
	v40 =	vadd.s32 v0, v33;
	v41 =	vadd.s32 v1, v33;
	[tilespmem:v36+s13+$0x0] =	vst.idx.msk $0xffff, v19  }
0x13b: {  	v36 =	vor.u32 v32, v40;
	v40 =	vor.u32 v32, v41;
	[tilespmem:v35+s13+$0x0] =	vst.idx.msk $0xffff, v23  }
0x13c: {  	v35 =	vadd.s32 v2, v33;
	v41 =	vadd.s32 v4, v33;
	[tilespmem:v39+s13+$0x0] =	vst.idx.msk $0xffff, v24  }
0x13d: {  	v35 =	vor.u32 v32, v35;
	v39 =	vor.u32 v32, v41;
	[tilespmem:v38+s13+$0x0] =	vst.idx.msk $0xffff, v25  }
0x13e: {  	v41 =	vadd.s32 v6, v33;
	v38 =	vadd.s32 v5, v33;
	[tilespmem:v37+s13+$0x0] =	vst.idx.msk $0xffff, v26  }
0x13f: {  	v41 =	vor.u32 v32, v41;
	v38 =	vor.u32 v32, v38;
	[tilespmem:v34+s13+$0x0] =	vst.idx.msk $0xffff, v29  }
0x140: {  	v34 =	vadd.s32 v10, v33;
	[tilespmem:v36+s13+$0x0] =	vst.idx.msk $0xffff, v3;
	v36 =	vadd.s32 v11, v33  }
0x141: {  	[tilespmem:v40+s13+$0x0] =	vst.idx.msk $0xffff, v7;
	v40 =	vor.u32 v32, v34;
	v42 =	vor.u32 v32, v36  }
0x142: {  	v34 =	vadd.s32 v14, v33;
	[tilespmem:v35+s13+$0x0] =	vst.idx.msk $0xffff, v8;
	v35 =	vadd.s32 v20, v33  }
.Ltmp5:
0x143: {  	v37 =	vor.u32 v32, v34;
	[tilespmem:v39+s13+$0x0] =	vst.idx.msk $0xffff, v9;
	v34 =	vor.u32 v32, v35;
	(pc) =	sbr.rel @p0 .LBB2_12-.Ltmp5, $4  }
0x144: {  	v35 =	vadd.s32 v21, v33;
	[tilespmem:v38+s13+$0x0] =	vst.idx.msk $0xffff, v12;
	v38 =	vadd.s32 v22, v33  }
0x145: {  	v36 =	vor.u32 v32, v35;
	[tilespmem:v41+s13+$0x0] =	vst.idx.msk $0xffff, v13;
	v35 =	vor.u32 v32, v38  }
0x146: {  	v38 =	vadd.s32 v27, v33;
	[tilespmem:v40+s13+$0x0] =	vst.idx.msk $0xffff, v15;
	v40 =	vadd.s32 v28, v33  }
0x147: {  	v39 =	vor.u32 v32, v38;
	[tilespmem:v42+s13+$0x0] =	vst.idx.msk $0xffff, v16;
	v38 =	vor.u32 v32, v40  }
0x148: {  	_ =	sdelay $0x3  }
0x149: {  	v40 =	vadd.s32 v30, v33;
	[tilespmem:v37+s13+$0x0] =	vst.idx.msk $0xffff, v17  }
0x14a: {  	v45 =	vadd.s32 v31, v33;
	v46 =	vor.u32 v32, v40;
	[tilespmem:v34+s13+$0x0] =	vst.idx.msk $0xffff, v18  }
0x14b: {  	v47 =	vor.u32 v32, v45;
	[tilespmem:v36+s13+$0x0] =	vst.idx.msk $0xffff, v19  }
0x14c: {  	[tilespmem:v35+s13+$0x0] =	vst.idx.msk $0xffff, v23  }
0x14d: {  	[tilespmem:v39+s13+$0x0] =	vst.idx.msk $0xffff, v24  }
0x14e: {  	[tilespmem:v38+s13+$0x0] =	vst.idx.msk $0xffff, v25  }
0x14f: {  	s31 =	simm.s32 $0x0;
	[tilespmem:v46+s13+$0x0] =	vst.idx.msk $0xffff, v26  }
0x150: {  	s28 =	rddreg [dreg:$0x11];
	v48 =	vmov s31;
	[tilespmem:v47+s13+$0x0] =	vst.idx.msk $0xffff, v29  }
0x151: {  	v49 =	vshll.u32 v48, $0xA;
	[hbm4b:s28+s31] =	stream.linear.scatter [tilespmem:s13], [sflag:$0xD], $0x4000, $0x38;
	[tilespmem:$0x1C200] =	vst v63  }
0x152: {  	v32 =	vshll.u32 v48, $0x7;
	v33 =	vand.u32 $0x2000, v49;
	_ =	swait.ge [sflag:s23], $0x4000  }
0x153: {  	v32 =	vand.u32 $0x380, v32;
	v50 =	vadd.s32 v0, v33;
	[sflag:s23] =	ssyncset.done $0x0  }
0x154: {  	v51 =	vadd.s32 v1, v33;
	v34 =	vor.u32 v32, v50;
	s28 =	rddreg [dreg:$0x12];
	[sflag:s23] =	ssyncadd.s32 $0xFFFFC000  }
0x155: {  	v52 =	vadd.s32 v2, v33;
	v35 =	vor.u32 v32, v51;
	[tilespmem:s9], [sflag:$0x4] =	stream.linear.gather [hbm4b:s28+s31], $0x4000, $0x38;
	[tilespmem:$0x1C200] =	vst v63  }
0x156: {  	v53 =	vadd.s32 v4, v33;
	v36 =	vor.u32 v32, v52;
	_ =	swait.ge [sflag:s24], $0x4000  }
0x157: {  	v54 =	vadd.s32 v5, v33;
	v37 =	vor.u32 v32, v53;
	[sflag:s24] =	ssyncset.done $0x0  }
0x158: {  	v55 =	vadd.s32 v6, v33;
	v56 =	vadd.s32 v10, v33;
	v38 =	vor.u32 v32, v54;
	[sflag:s24] =	ssyncadd.s32 $0xFFFFC000  }
0x159: {  	v57 =	vadd.s32 v11, v33;
	v39 =	vor.u32 v32, v55;
	[tilespmem:v34+s15+$0x0] =	vst.idx.msk $0xffff, v3  }
0x15a: {  	v58 =	vadd.s32 v14, v33;
	v41 =	vor.u32 v32, v56;
	[tilespmem:v35+s15+$0x0] =	vst.idx.msk $0xffff, v7  }
0x15b: {  	v59 =	vadd.s32 v20, v33;
	v40 =	vor.u32 v32, v57;
	[tilespmem:v36+s15+$0x0] =	vst.idx.msk $0xffff, v8  }
0x15c: {  	v60 =	vadd.s32 v21, v33;
	v61 =	vadd.s32 v22, v33;
	[tilespmem:v37+s15+$0x0] =	vst.idx.msk $0xffff, v9  }
0x15d: {  	v62 =	vadd.s32 v27, v33;
	v37 =	vor.u32 v32, v58;
	[tilespmem:v38+s15+$0x0] =	vst.idx.msk $0xffff, v12  }
0x15e: {  	v63 =	vadd.s32 v28, v33;
	v34 =	vor.u32 v32, v59;
	[tilespmem:v39+s15+$0x0] =	vst.idx.msk $0xffff, v13  }
0x15f: {  	v35 =	vor.u32 v32, v61;
	v36 =	vor.u32 v32, v60;
	[tilespmem:v41+s15+$0x0] =	vst.idx.msk $0xffff, v15  }
0x160: {  	s31 =	simm.s32 $0x1;
	v38 =	vor.u32 v32, v63;
	v39 =	vor.u32 v32, v62;
	[tilespmem:v40+s15+$0x0] =	vst.idx.msk $0xffff, v16  }
.LBB2_14:
0x161: {  	v40 =	vmov s31;
	p0 =	sne.s32 s31, $0xF;
	s31 =	sadd.s32 $0x1, s31;
	v41 =	vadd.s32 v30, v33;
	v42 =	vadd.s32 v31, v33  }
0x162: {  	v33 =	vshll.u32 v40, $0xA;
	v40 =	vshll.u32 v40, $0x7;
	[tilespmem:v37+s15+$0x0] =	vst.idx.msk $0xffff, v17;
	v37 =	vor.u32 v32, v41  }
0x163: {  	v33 =	vand.u32 $0x2000, v33;
	[tilespmem:v34+s15+$0x0] =	vst.idx.msk $0xffff, v18;
	v34 =	vor.u32 v32, v42  }
0x164: {  	v32 =	vand.u32 $0x380, v40;
	v40 =	vadd.s32 v0, v33;
	v41 =	vadd.s32 v1, v33;
	[tilespmem:v36+s15+$0x0] =	vst.idx.msk $0xffff, v19  }
0x165: {  	v36 =	vor.u32 v32, v40;
	v40 =	vor.u32 v32, v41;
	[tilespmem:v35+s15+$0x0] =	vst.idx.msk $0xffff, v23  }
0x166: {  	v35 =	vadd.s32 v2, v33;
	v41 =	vadd.s32 v4, v33;
	[tilespmem:v39+s15+$0x0] =	vst.idx.msk $0xffff, v24  }
0x167: {  	v35 =	vor.u32 v32, v35;
	v39 =	vor.u32 v32, v41;
	[tilespmem:v38+s15+$0x0] =	vst.idx.msk $0xffff, v25  }
0x168: {  	v41 =	vadd.s32 v6, v33;
	v38 =	vadd.s32 v5, v33;
	[tilespmem:v37+s15+$0x0] =	vst.idx.msk $0xffff, v26  }
0x169: {  	v41 =	vor.u32 v32, v41;
	v38 =	vor.u32 v32, v38;
	[tilespmem:v34+s15+$0x0] =	vst.idx.msk $0xffff, v29  }
0x16a: {  	v34 =	vadd.s32 v10, v33;
	[tilespmem:v36+s15+$0x0] =	vst.idx.msk $0xffff, v3;
	v36 =	vadd.s32 v11, v33  }
0x16b: {  	[tilespmem:v40+s15+$0x0] =	vst.idx.msk $0xffff, v7;
	v40 =	vor.u32 v32, v34;
	v42 =	vor.u32 v32, v36  }
0x16c: {  	v34 =	vadd.s32 v14, v33;
	[tilespmem:v35+s15+$0x0] =	vst.idx.msk $0xffff, v8;
	v35 =	vadd.s32 v20, v33  }
.Ltmp6:
0x16d: {  	v37 =	vor.u32 v32, v34;
	[tilespmem:v39+s15+$0x0] =	vst.idx.msk $0xffff, v9;
	v34 =	vor.u32 v32, v35;
	(pc) =	sbr.rel @p0 .LBB2_14-.Ltmp6, $4  }
0x16e: {  	v35 =	vadd.s32 v21, v33;
	[tilespmem:v38+s15+$0x0] =	vst.idx.msk $0xffff, v12;
	v38 =	vadd.s32 v22, v33  }
0x16f: {  	v36 =	vor.u32 v32, v35;
	[tilespmem:v41+s15+$0x0] =	vst.idx.msk $0xffff, v13;
	v35 =	vor.u32 v32, v38  }
0x170: {  	v38 =	vadd.s32 v27, v33;
	[tilespmem:v40+s15+$0x0] =	vst.idx.msk $0xffff, v15;
	v40 =	vadd.s32 v28, v33  }
0x171: {  	v39 =	vor.u32 v32, v38;
	[tilespmem:v42+s15+$0x0] =	vst.idx.msk $0xffff, v16;
	v38 =	vor.u32 v32, v40  }
0x172: {  	_ =	sdelay $0x3  }
0x173: {  	v40 =	vadd.s32 v30, v33;
	[tilespmem:v37+s15+$0x0] =	vst.idx.msk $0xffff, v17  }
0x174: {  	v45 =	vadd.s32 v31, v33;
	v46 =	vor.u32 v32, v40;
	[tilespmem:v34+s15+$0x0] =	vst.idx.msk $0xffff, v18  }
0x175: {  	v47 =	vor.u32 v32, v45;
	[tilespmem:v36+s15+$0x0] =	vst.idx.msk $0xffff, v19  }
0x176: {  	[tilespmem:v35+s15+$0x0] =	vst.idx.msk $0xffff, v23  }
0x177: {  	[tilespmem:v39+s15+$0x0] =	vst.idx.msk $0xffff, v24  }
0x178: {  	[tilespmem:v38+s15+$0x0] =	vst.idx.msk $0xffff, v25  }
0x179: {  	s31 =	simm.s32 $0x0;
	[tilespmem:v46+s15+$0x0] =	vst.idx.msk $0xffff, v26  }
0x17a: {  	s28 =	rddreg [dreg:$0x13];
	v48 =	vmov s31;
	[tilespmem:v47+s15+$0x0] =	vst.idx.msk $0xffff, v29  }
0x17b: {  	v49 =	vshll.u32 v48, $0xA;
	[hbm4b:s28+s31] =	stream.linear.scatter [tilespmem:s15], [sflag:$0xE], $0x4000, $0x38;
	[tilespmem:$0x1C200] =	vst v63  }
0x17c: {  	v32 =	vshll.u32 v48, $0x7;
	v33 =	vand.u32 $0x2000, v49;
	_ =	swait.ge [sflag:s25], $0x4000  }
0x17d: {  	v32 =	vand.u32 $0x380, v32;
	v50 =	vadd.s32 v0, v33;
	[sflag:s25] =	ssyncset.done $0x0  }
0x17e: {  	v51 =	vadd.s32 v1, v33;
	v34 =	vor.u32 v32, v50;
	s28 =	rddreg [dreg:$0x1a];
	[sflag:s25] =	ssyncadd.s32 $0xFFFFC000  }
0x17f: {  	v52 =	vadd.s32 v2, v33;
	v35 =	vor.u32 v32, v51;
	[tilespmem:s11], [sflag:$0x5] =	stream.linear.gather [hbm4b:s28+s31], $0x4000, $0x38;
	[tilespmem:$0x1C200] =	vst v63  }
0x180: {  	v53 =	vadd.s32 v4, v33;
	v36 =	vor.u32 v32, v52;
	_ =	swait.ge [sflag:s12], $0x4000  }
0x181: {  	v54 =	vadd.s32 v5, v33;
	v37 =	vor.u32 v32, v53;
	[sflag:s12] =	ssyncset.done $0x0  }
0x182: {  	v55 =	vadd.s32 v6, v33;
	v56 =	vadd.s32 v10, v33;
	v38 =	vor.u32 v32, v54;
	[sflag:s12] =	ssyncadd.s32 $0xFFFFC000  }
0x183: {  	v57 =	vadd.s32 v11, v33;
	v39 =	vor.u32 v32, v55;
	[tilespmem:v34+s1+$0x0] =	vst.idx.msk $0xffff, v3  }
0x184: {  	v58 =	vadd.s32 v14, v33;
	v41 =	vor.u32 v32, v56;
	[tilespmem:v35+s1+$0x0] =	vst.idx.msk $0xffff, v7  }
0x185: {  	v59 =	vadd.s32 v20, v33;
	v40 =	vor.u32 v32, v57;
	[tilespmem:v36+s1+$0x0] =	vst.idx.msk $0xffff, v8  }
0x186: {  	v60 =	vadd.s32 v21, v33;
	v61 =	vadd.s32 v22, v33;
	[tilespmem:v37+s1+$0x0] =	vst.idx.msk $0xffff, v9  }
0x187: {  	v62 =	vadd.s32 v27, v33;
	v37 =	vor.u32 v32, v58;
	[tilespmem:v38+s1+$0x0] =	vst.idx.msk $0xffff, v12  }
0x188: {  	v63 =	vadd.s32 v28, v33;
	v34 =	vor.u32 v32, v59;
	[tilespmem:v39+s1+$0x0] =	vst.idx.msk $0xffff, v13  }
0x189: {  	v35 =	vor.u32 v32, v61;
	v36 =	vor.u32 v32, v60;
	[tilespmem:v41+s1+$0x0] =	vst.idx.msk $0xffff, v15  }
0x18a: {  	s31 =	simm.s32 $0x1;
	v38 =	vor.u32 v32, v63;
	v39 =	vor.u32 v32, v62;
	[tilespmem:v40+s1+$0x0] =	vst.idx.msk $0xffff, v16  }
.LBB2_16:
0x18b: {  	v40 =	vmov s31;
	p0 =	sne.s32 s31, $0xF;
	s31 =	sadd.s32 $0x1, s31;
	v41 =	vadd.s32 v30, v33;
	v42 =	vadd.s32 v31, v33  }
0x18c: {  	v33 =	vshll.u32 v40, $0xA;
	v40 =	vshll.u32 v40, $0x7;
	[tilespmem:v37+s1+$0x0] =	vst.idx.msk $0xffff, v17;
	v37 =	vor.u32 v32, v41  }
0x18d: {  	v33 =	vand.u32 $0x2000, v33;
	[tilespmem:v34+s1+$0x0] =	vst.idx.msk $0xffff, v18;
	v34 =	vor.u32 v32, v42  }
0x18e: {  	v32 =	vand.u32 $0x380, v40;
	v40 =	vadd.s32 v0, v33;
	v41 =	vadd.s32 v1, v33;
	[tilespmem:v36+s1+$0x0] =	vst.idx.msk $0xffff, v19  }
0x18f: {  	v36 =	vor.u32 v32, v40;
	v40 =	vor.u32 v32, v41;
	[tilespmem:v35+s1+$0x0] =	vst.idx.msk $0xffff, v23  }
0x190: {  	v35 =	vadd.s32 v2, v33;
	v41 =	vadd.s32 v4, v33;
	[tilespmem:v39+s1+$0x0] =	vst.idx.msk $0xffff, v24  }
0x191: {  	v35 =	vor.u32 v32, v35;
	v39 =	vor.u32 v32, v41;
	[tilespmem:v38+s1+$0x0] =	vst.idx.msk $0xffff, v25  }
0x192: {  	v41 =	vadd.s32 v6, v33;
	v38 =	vadd.s32 v5, v33;
	[tilespmem:v37+s1+$0x0] =	vst.idx.msk $0xffff, v26  }
0x193: {  	v41 =	vor.u32 v32, v41;
	v38 =	vor.u32 v32, v38;
	[tilespmem:v34+s1+$0x0] =	vst.idx.msk $0xffff, v29  }
0x194: {  	v34 =	vadd.s32 v10, v33;
	[tilespmem:v36+s1+$0x0] =	vst.idx.msk $0xffff, v3;
	v36 =	vadd.s32 v11, v33  }
0x195: {  	[tilespmem:v40+s1+$0x0] =	vst.idx.msk $0xffff, v7;
	v40 =	vor.u32 v32, v34;
	v42 =	vor.u32 v32, v36  }
0x196: {  	v34 =	vadd.s32 v14, v33;
	[tilespmem:v35+s1+$0x0] =	vst.idx.msk $0xffff, v8;
	v35 =	vadd.s32 v20, v33  }
.Ltmp7:
0x197: {  	v37 =	vor.u32 v32, v34;
	[tilespmem:v39+s1+$0x0] =	vst.idx.msk $0xffff, v9;
	v34 =	vor.u32 v32, v35;
	(pc) =	sbr.rel @p0 .LBB2_16-.Ltmp7, $4  }
0x198: {  	v35 =	vadd.s32 v21, v33;
	[tilespmem:v38+s1+$0x0] =	vst.idx.msk $0xffff, v12;
	v38 =	vadd.s32 v22, v33  }
0x199: {  	v36 =	vor.u32 v32, v35;
	[tilespmem:v41+s1+$0x0] =	vst.idx.msk $0xffff, v13;
	v35 =	vor.u32 v32, v38  }
0x19a: {  	v38 =	vadd.s32 v27, v33;
	[tilespmem:v40+s1+$0x0] =	vst.idx.msk $0xffff, v15;
	v40 =	vadd.s32 v28, v33  }
0x19b: {  	v39 =	vor.u32 v32, v38;
	[tilespmem:v42+s1+$0x0] =	vst.idx.msk $0xffff, v16;
	v38 =	vor.u32 v32, v40  }
0x19c: {  	_ =	sdelay $0x3  }
0x19d: {  	v40 =	vadd.s32 v30, v33;
	[tilespmem:v37+s1+$0x0] =	vst.idx.msk $0xffff, v17  }
0x19e: {  	v45 =	vadd.s32 v31, v33;
	v46 =	vor.u32 v32, v40;
	[tilespmem:v34+s1+$0x0] =	vst.idx.msk $0xffff, v18  }
0x19f: {  	v47 =	vor.u32 v32, v45;
	[tilespmem:v36+s1+$0x0] =	vst.idx.msk $0xffff, v19  }
0x1a0: {  	[tilespmem:v35+s1+$0x0] =	vst.idx.msk $0xffff, v23  }
0x1a1: {  	[tilespmem:v39+s1+$0x0] =	vst.idx.msk $0xffff, v24  }
0x1a2: {  	[tilespmem:v38+s1+$0x0] =	vst.idx.msk $0xffff, v25  }
0x1a3: {  	s31 =	simm.s32 $0x0;
	[tilespmem:v46+s1+$0x0] =	vst.idx.msk $0xffff, v26  }
0x1a4: {  	s28 =	rddreg [dreg:$0x14];
	v48 =	vmov s31;
	[tilespmem:v47+s1+$0x0] =	vst.idx.msk $0xffff, v29  }
0x1a5: {  	v49 =	vshll.u32 v48, $0xA;
	[hbm4b:s28+s31] =	stream.linear.scatter [tilespmem:s31], [sflag:$0x8], $0x4000, $0x38;
	[tilespmem:$0x1C200] =	vst v63  }
0x1a6: {  	v32 =	vshll.u32 v48, $0x7;
	v33 =	vand.u32 $0x2000, v49;
	_ =	swait.ge [sflag:s26], $0x4000  }
0x1a7: {  	v32 =	vand.u32 $0x380, v32;
	v50 =	vadd.s32 v0, v33;
	[sflag:s26] =	ssyncset.done $0x0  }
0x1a8: {  	v51 =	vadd.s32 v1, v33;
	v34 =	vor.u32 v32, v50;
	s28 =	rddreg [dreg:$0x1b];
	[sflag:s26] =	ssyncadd.s32 $0xFFFFC000  }
0x1a9: {  	v52 =	vadd.s32 v2, v33;
	v35 =	vor.u32 v32, v51;
	[tilespmem:s13], [sflag:$0x6] =	stream.linear.gather [hbm4b:s28+s31], $0x4000, $0x38;
	[tilespmem:$0x1C200] =	vst v63  }
0x1aa: {  	v53 =	vadd.s32 v4, v33;
	v36 =	vor.u32 v32, v52;
	_ =	swait.ge [sflag:s14], $0x4000  }
0x1ab: {  	v54 =	vadd.s32 v5, v33;
	v37 =	vor.u32 v32, v53;
	[sflag:s14] =	ssyncset.done $0x0  }
0x1ac: {  	v55 =	vadd.s32 v6, v33;
	v56 =	vadd.s32 v10, v33;
	v38 =	vor.u32 v32, v54;
	[sflag:s14] =	ssyncadd.s32 $0xFFFFC000  }
0x1ad: {  	v57 =	vadd.s32 v11, v33;
	v39 =	vor.u32 v32, v55;
	[tilespmem:v34+s7+$0x0] =	vst.idx.msk $0xffff, v3  }
0x1ae: {  	v58 =	vadd.s32 v14, v33;
	v41 =	vor.u32 v32, v56;
	[tilespmem:v35+s7+$0x0] =	vst.idx.msk $0xffff, v7  }
0x1af: {  	v59 =	vadd.s32 v20, v33;
	v40 =	vor.u32 v32, v57;
	[tilespmem:v36+s7+$0x0] =	vst.idx.msk $0xffff, v8  }
0x1b0: {  	v60 =	vadd.s32 v21, v33;
	v61 =	vadd.s32 v22, v33;
	[tilespmem:v37+s7+$0x0] =	vst.idx.msk $0xffff, v9  }
0x1b1: {  	v62 =	vadd.s32 v27, v33;
	v37 =	vor.u32 v32, v58;
	[tilespmem:v38+s7+$0x0] =	vst.idx.msk $0xffff, v12  }
0x1b2: {  	v63 =	vadd.s32 v28, v33;
	v34 =	vor.u32 v32, v59;
	[tilespmem:v39+s7+$0x0] =	vst.idx.msk $0xffff, v13  }
0x1b3: {  	v35 =	vor.u32 v32, v61;
	v36 =	vor.u32 v32, v60;
	[tilespmem:v41+s7+$0x0] =	vst.idx.msk $0xffff, v15  }
0x1b4: {  	s31 =	simm.s32 $0x1;
	v38 =	vor.u32 v32, v63;
	v39 =	vor.u32 v32, v62;
	[tilespmem:v40+s7+$0x0] =	vst.idx.msk $0xffff, v16  }
.LBB2_18:
0x1b5: {  	v40 =	vmov s31;
	p0 =	sne.s32 s31, $0xF;
	s31 =	sadd.s32 $0x1, s31;
	v41 =	vadd.s32 v30, v33;
	v42 =	vadd.s32 v31, v33  }
0x1b6: {  	v33 =	vshll.u32 v40, $0xA;
	v40 =	vshll.u32 v40, $0x7;
	[tilespmem:v37+s7+$0x0] =	vst.idx.msk $0xffff, v17;
	v37 =	vor.u32 v32, v41  }
0x1b7: {  	v33 =	vand.u32 $0x2000, v33;
	[tilespmem:v34+s7+$0x0] =	vst.idx.msk $0xffff, v18;
	v34 =	vor.u32 v32, v42  }
0x1b8: {  	v32 =	vand.u32 $0x380, v40;
	v40 =	vadd.s32 v0, v33;
	v41 =	vadd.s32 v1, v33;
	[tilespmem:v36+s7+$0x0] =	vst.idx.msk $0xffff, v19  }
0x1b9: {  	v36 =	vor.u32 v32, v40;
	v40 =	vor.u32 v32, v41;
	[tilespmem:v35+s7+$0x0] =	vst.idx.msk $0xffff, v23  }
0x1ba: {  	v35 =	vadd.s32 v2, v33;
	v41 =	vadd.s32 v4, v33;
	[tilespmem:v39+s7+$0x0] =	vst.idx.msk $0xffff, v24  }
0x1bb: {  	v35 =	vor.u32 v32, v35;
	v39 =	vor.u32 v32, v41;
	[tilespmem:v38+s7+$0x0] =	vst.idx.msk $0xffff, v25  }
0x1bc: {  	v41 =	vadd.s32 v6, v33;
	v38 =	vadd.s32 v5, v33;
	[tilespmem:v37+s7+$0x0] =	vst.idx.msk $0xffff, v26  }
0x1bd: {  	v41 =	vor.u32 v32, v41;
	v38 =	vor.u32 v32, v38;
	[tilespmem:v34+s7+$0x0] =	vst.idx.msk $0xffff, v29  }
0x1be: {  	v34 =	vadd.s32 v10, v33;
	[tilespmem:v36+s7+$0x0] =	vst.idx.msk $0xffff, v3;
	v36 =	vadd.s32 v11, v33  }
0x1bf: {  	[tilespmem:v40+s7+$0x0] =	vst.idx.msk $0xffff, v7;
	v40 =	vor.u32 v32, v34;
	v42 =	vor.u32 v32, v36  }
0x1c0: {  	v34 =	vadd.s32 v14, v33;
	[tilespmem:v35+s7+$0x0] =	vst.idx.msk $0xffff, v8;
	v35 =	vadd.s32 v20, v33  }
.Ltmp8:
0x1c1: {  	v37 =	vor.u32 v32, v34;
	[tilespmem:v39+s7+$0x0] =	vst.idx.msk $0xffff, v9;
	v34 =	vor.u32 v32, v35;
	(pc) =	sbr.rel @p0 .LBB2_18-.Ltmp8, $4  }
0x1c2: {  	v35 =	vadd.s32 v21, v33;
	[tilespmem:v38+s7+$0x0] =	vst.idx.msk $0xffff, v12;
	v38 =	vadd.s32 v22, v33  }
0x1c3: {  	v36 =	vor.u32 v32, v35;
	[tilespmem:v41+s7+$0x0] =	vst.idx.msk $0xffff, v13;
	v35 =	vor.u32 v32, v38  }
0x1c4: {  	v38 =	vadd.s32 v27, v33;
	[tilespmem:v40+s7+$0x0] =	vst.idx.msk $0xffff, v15;
	v40 =	vadd.s32 v28, v33  }
0x1c5: {  	v39 =	vor.u32 v32, v38;
	[tilespmem:v42+s7+$0x0] =	vst.idx.msk $0xffff, v16;
	v38 =	vor.u32 v32, v40  }
0x1c6: {  	_ =	sdelay $0x3  }
0x1c7: {  	v40 =	vadd.s32 v30, v33;
	[tilespmem:v37+s7+$0x0] =	vst.idx.msk $0xffff, v17  }
0x1c8: {  	v45 =	vadd.s32 v31, v33;
	v46 =	vor.u32 v32, v40;
	[tilespmem:v34+s7+$0x0] =	vst.idx.msk $0xffff, v18  }
0x1c9: {  	v47 =	vor.u32 v32, v45;
	[tilespmem:v36+s7+$0x0] =	vst.idx.msk $0xffff, v19  }
0x1ca: {  	[tilespmem:v35+s7+$0x0] =	vst.idx.msk $0xffff, v23  }
0x1cb: {  	[tilespmem:v39+s7+$0x0] =	vst.idx.msk $0xffff, v24  }
0x1cc: {  	[tilespmem:v38+s7+$0x0] =	vst.idx.msk $0xffff, v25  }
0x1cd: {  	s31 =	simm.s32 $0x0;
	[tilespmem:v46+s7+$0x0] =	vst.idx.msk $0xffff, v26  }
0x1ce: {  	s28 =	rddreg [dreg:$0x15];
	v48 =	vmov s31;
	[tilespmem:v47+s7+$0x0] =	vst.idx.msk $0xffff, v29  }
0x1cf: {  	v49 =	vshll.u32 v48, $0xA;
	[hbm4b:s28+s31] =	stream.linear.scatter [tilespmem:s7], [sflag:$0x9], $0x4000, $0x38;
	[tilespmem:$0x1C200] =	vst v63  }
0x1d0: {  	v32 =	vshll.u32 v48, $0x7;
	v33 =	vand.u32 $0x2000, v49;
	_ =	swait.ge [sflag:s29], $0x4000  }
0x1d1: {  	v32 =	vand.u32 $0x380, v32;
	v50 =	vadd.s32 v0, v33;
	[sflag:s29] =	ssyncset.done $0x0  }
0x1d2: {  	v51 =	vadd.s32 v1, v33;
	v34 =	vor.u32 v32, v50;
	s28 =	rddreg [dreg:$0x1c];
	[sflag:s29] =	ssyncadd.s32 $0xFFFFC000  }
0x1d3: {  	v52 =	vadd.s32 v2, v33;
	v35 =	vor.u32 v32, v51;
	[tilespmem:s15], [sflag:$0x7] =	stream.linear.gather [hbm4b:s28+s31], $0x4000, $0x38;
	[tilespmem:$0x1C200] =	vst v63  }
0x1d4: {  	v53 =	vadd.s32 v4, v33;
	v36 =	vor.u32 v32, v52;
	_ =	swait.ge [sflag:s16], $0x4000  }
0x1d5: {  	v54 =	vadd.s32 v5, v33;
	v37 =	vor.u32 v32, v53;
	[sflag:s16] =	ssyncset.done $0x0  }
0x1d6: {  	v55 =	vadd.s32 v6, v33;
	v56 =	vadd.s32 v10, v33;
	v38 =	vor.u32 v32, v54;
	[sflag:s16] =	ssyncadd.s32 $0xFFFFC000  }
0x1d7: {  	v57 =	vadd.s32 v11, v33;
	v39 =	vor.u32 v32, v55;
	[tilespmem:v34+s8+$0x0] =	vst.idx.msk $0xffff, v3  }
0x1d8: {  	v58 =	vadd.s32 v14, v33;
	v41 =	vor.u32 v32, v56;
	[tilespmem:v35+s8+$0x0] =	vst.idx.msk $0xffff, v7  }
0x1d9: {  	v59 =	vadd.s32 v20, v33;
	v40 =	vor.u32 v32, v57;
	[tilespmem:v36+s8+$0x0] =	vst.idx.msk $0xffff, v8  }
0x1da: {  	v60 =	vadd.s32 v21, v33;
	v61 =	vadd.s32 v22, v33;
	[tilespmem:v37+s8+$0x0] =	vst.idx.msk $0xffff, v9  }
0x1db: {  	v62 =	vadd.s32 v27, v33;
	v37 =	vor.u32 v32, v58;
	[tilespmem:v38+s8+$0x0] =	vst.idx.msk $0xffff, v12  }
0x1dc: {  	v63 =	vadd.s32 v28, v33;
	v34 =	vor.u32 v32, v59;
	[tilespmem:v39+s8+$0x0] =	vst.idx.msk $0xffff, v13  }
0x1dd: {  	v35 =	vor.u32 v32, v61;
	v36 =	vor.u32 v32, v60;
	[tilespmem:v41+s8+$0x0] =	vst.idx.msk $0xffff, v15  }
0x1de: {  	s31 =	simm.s32 $0x1;
	v38 =	vor.u32 v32, v63;
	v39 =	vor.u32 v32, v62;
	[tilespmem:v40+s8+$0x0] =	vst.idx.msk $0xffff, v16  }
.LBB2_20:
0x1df: {  	v40 =	vmov s31;
	p0 =	sne.s32 s31, $0xF;
	s31 =	sadd.s32 $0x1, s31;
	v41 =	vadd.s32 v30, v33;
	v42 =	vadd.s32 v31, v33  }
0x1e0: {  	v33 =	vshll.u32 v40, $0xA;
	v40 =	vshll.u32 v40, $0x7;
	[tilespmem:v37+s8+$0x0] =	vst.idx.msk $0xffff, v17;
	v37 =	vor.u32 v32, v41  }
0x1e1: {  	v33 =	vand.u32 $0x2000, v33;
	[tilespmem:v34+s8+$0x0] =	vst.idx.msk $0xffff, v18;
	v34 =	vor.u32 v32, v42  }
0x1e2: {  	v32 =	vand.u32 $0x380, v40;
	v40 =	vadd.s32 v0, v33;
	v41 =	vadd.s32 v1, v33;
	[tilespmem:v36+s8+$0x0] =	vst.idx.msk $0xffff, v19  }
0x1e3: {  	v36 =	vor.u32 v32, v40;
	v40 =	vor.u32 v32, v41;
	[tilespmem:v35+s8+$0x0] =	vst.idx.msk $0xffff, v23  }
0x1e4: {  	v35 =	vadd.s32 v2, v33;
	v41 =	vadd.s32 v4, v33;
	[tilespmem:v39+s8+$0x0] =	vst.idx.msk $0xffff, v24  }
0x1e5: {  	v35 =	vor.u32 v32, v35;
	v39 =	vor.u32 v32, v41;
	[tilespmem:v38+s8+$0x0] =	vst.idx.msk $0xffff, v25  }
0x1e6: {  	v41 =	vadd.s32 v6, v33;
	v38 =	vadd.s32 v5, v33;
	[tilespmem:v37+s8+$0x0] =	vst.idx.msk $0xffff, v26  }
0x1e7: {  	v41 =	vor.u32 v32, v41;
	v38 =	vor.u32 v32, v38;
	[tilespmem:v34+s8+$0x0] =	vst.idx.msk $0xffff, v29  }
0x1e8: {  	v34 =	vadd.s32 v10, v33;
	[tilespmem:v36+s8+$0x0] =	vst.idx.msk $0xffff, v3;
	v36 =	vadd.s32 v11, v33  }
0x1e9: {  	[tilespmem:v40+s8+$0x0] =	vst.idx.msk $0xffff, v7;
	v40 =	vor.u32 v32, v34;
	v42 =	vor.u32 v32, v36  }
0x1ea: {  	v34 =	vadd.s32 v14, v33;
	[tilespmem:v35+s8+$0x0] =	vst.idx.msk $0xffff, v8;
	v35 =	vadd.s32 v20, v33  }
.Ltmp9:
0x1eb: {  	v37 =	vor.u32 v32, v34;
	[tilespmem:v39+s8+$0x0] =	vst.idx.msk $0xffff, v9;
	v34 =	vor.u32 v32, v35;
	(pc) =	sbr.rel @p0 .LBB2_20-.Ltmp9, $4  }
0x1ec: {  	v35 =	vadd.s32 v21, v33;
	[tilespmem:v38+s8+$0x0] =	vst.idx.msk $0xffff, v12;
	v38 =	vadd.s32 v22, v33  }
0x1ed: {  	v36 =	vor.u32 v32, v35;
	[tilespmem:v41+s8+$0x0] =	vst.idx.msk $0xffff, v13;
	v35 =	vor.u32 v32, v38  }
0x1ee: {  	v38 =	vadd.s32 v27, v33;
	[tilespmem:v40+s8+$0x0] =	vst.idx.msk $0xffff, v15;
	v40 =	vadd.s32 v28, v33  }
0x1ef: {  	v39 =	vor.u32 v32, v38;
	[tilespmem:v42+s8+$0x0] =	vst.idx.msk $0xffff, v16;
	v38 =	vor.u32 v32, v40  }
0x1f0: {  	_ =	sdelay $0x3  }
0x1f1: {  	v40 =	vadd.s32 v30, v33;
	[tilespmem:v37+s8+$0x0] =	vst.idx.msk $0xffff, v17  }
0x1f2: {  	v45 =	vadd.s32 v31, v33;
	v46 =	vor.u32 v32, v40;
	[tilespmem:v34+s8+$0x0] =	vst.idx.msk $0xffff, v18  }
0x1f3: {  	v47 =	vor.u32 v32, v45;
	[tilespmem:v36+s8+$0x0] =	vst.idx.msk $0xffff, v19  }
0x1f4: {  	[tilespmem:v35+s8+$0x0] =	vst.idx.msk $0xffff, v23  }
0x1f5: {  	[tilespmem:v39+s8+$0x0] =	vst.idx.msk $0xffff, v24  }
0x1f6: {  	[tilespmem:v38+s8+$0x0] =	vst.idx.msk $0xffff, v25  }
0x1f7: {  	s31 =	simm.s32 $0x0;
	[tilespmem:v46+s8+$0x0] =	vst.idx.msk $0xffff, v26  }
0x1f8: {  	s28 =	rddreg [dreg:$0x16];
	v48 =	vmov s31;
	[tilespmem:v47+s8+$0x0] =	vst.idx.msk $0xffff, v29  }
0x1f9: {  	v49 =	vshll.u32 v48, $0xA;
	[hbm4b:s28+s31] =	stream.linear.scatter [tilespmem:s8], [sflag:$0xA], $0x4000, $0x38;
	[tilespmem:$0x1C200] =	vst v63  }
0x1fa: {  	v32 =	vshll.u32 v48, $0x7;
	v33 =	vand.u32 $0x2000, v49;
	_ =	swait.ge [sflag:s17], $0x4000  }
0x1fb: {  	v32 =	vand.u32 $0x380, v32;
	v50 =	vadd.s32 v0, v33;
	[sflag:s17] =	ssyncset.done $0x0  }
0x1fc: {  	v51 =	vadd.s32 v1, v33;
	v34 =	vor.u32 v32, v50;
	s28 =	rddreg [dreg:$0x1d];
	[sflag:s17] =	ssyncadd.s32 $0xFFFFC000  }
0x1fd: {  	v52 =	vadd.s32 v2, v33;
	v35 =	vor.u32 v32, v51;
	[tilespmem:s31], [sflag:$0x1] =	stream.linear.gather [hbm4b:s28+s31], $0x4000, $0x38;
	[tilespmem:$0x1C200] =	vst v63  }
0x1fe: {  	v53 =	vadd.s32 v4, v33;
	v36 =	vor.u32 v32, v52;
	_ =	swait.ge [sflag:s18], $0x4000  }
0x1ff: {  	v54 =	vadd.s32 v5, v33;
	v37 =	vor.u32 v32, v53;
	[sflag:s18] =	ssyncset.done $0x0  }
0x200: {  	v55 =	vadd.s32 v6, v33;
	v56 =	vadd.s32 v10, v33;
	v38 =	vor.u32 v32, v54;
	[sflag:s18] =	ssyncadd.s32 $0xFFFFC000  }
0x201: {  	v57 =	vadd.s32 v11, v33;
	v39 =	vor.u32 v32, v55;
	[tilespmem:v34+s9+$0x0] =	vst.idx.msk $0xffff, v3  }
0x202: {  	v58 =	vadd.s32 v14, v33;
	v41 =	vor.u32 v32, v56;
	[tilespmem:v35+s9+$0x0] =	vst.idx.msk $0xffff, v7  }
0x203: {  	v59 =	vadd.s32 v20, v33;
	v40 =	vor.u32 v32, v57;
	[tilespmem:v36+s9+$0x0] =	vst.idx.msk $0xffff, v8  }
0x204: {  	v60 =	vadd.s32 v21, v33;
	v61 =	vadd.s32 v22, v33;
	[tilespmem:v37+s9+$0x0] =	vst.idx.msk $0xffff, v9  }
0x205: {  	v62 =	vadd.s32 v27, v33;
	v37 =	vor.u32 v32, v58;
	[tilespmem:v38+s9+$0x0] =	vst.idx.msk $0xffff, v12  }
0x206: {  	v63 =	vadd.s32 v28, v33;
	v34 =	vor.u32 v32, v59;
	[tilespmem:v39+s9+$0x0] =	vst.idx.msk $0xffff, v13  }
0x207: {  	v35 =	vor.u32 v32, v61;
	v36 =	vor.u32 v32, v60;
	[tilespmem:v41+s9+$0x0] =	vst.idx.msk $0xffff, v15  }
0x208: {  	s31 =	simm.s32 $0x1;
	v38 =	vor.u32 v32, v63;
	v39 =	vor.u32 v32, v62;
	[tilespmem:v40+s9+$0x0] =	vst.idx.msk $0xffff, v16  }
.LBB2_22:
0x209: {  	v40 =	vmov s31;
	p0 =	sne.s32 s31, $0xF;
	s31 =	sadd.s32 $0x1, s31;
	v41 =	vadd.s32 v30, v33;
	v42 =	vadd.s32 v31, v33  }
0x20a: {  	v33 =	vshll.u32 v40, $0xA;
	v40 =	vshll.u32 v40, $0x7;
	[tilespmem:v37+s9+$0x0] =	vst.idx.msk $0xffff, v17;
	v37 =	vor.u32 v32, v41  }
0x20b: {  	v33 =	vand.u32 $0x2000, v33;
	[tilespmem:v34+s9+$0x0] =	vst.idx.msk $0xffff, v18;
	v34 =	vor.u32 v32, v42  }
0x20c: {  	v32 =	vand.u32 $0x380, v40;
	v40 =	vadd.s32 v0, v33;
	v41 =	vadd.s32 v1, v33;
	[tilespmem:v36+s9+$0x0] =	vst.idx.msk $0xffff, v19  }
0x20d: {  	v36 =	vor.u32 v32, v40;
	v40 =	vor.u32 v32, v41;
	[tilespmem:v35+s9+$0x0] =	vst.idx.msk $0xffff, v23  }
0x20e: {  	v35 =	vadd.s32 v2, v33;
	v41 =	vadd.s32 v4, v33;
	[tilespmem:v39+s9+$0x0] =	vst.idx.msk $0xffff, v24  }
0x20f: {  	v35 =	vor.u32 v32, v35;
	v39 =	vor.u32 v32, v41;
	[tilespmem:v38+s9+$0x0] =	vst.idx.msk $0xffff, v25  }
0x210: {  	v41 =	vadd.s32 v6, v33;
	v38 =	vadd.s32 v5, v33;
	[tilespmem:v37+s9+$0x0] =	vst.idx.msk $0xffff, v26  }
0x211: {  	v41 =	vor.u32 v32, v41;
	v38 =	vor.u32 v32, v38;
	[tilespmem:v34+s9+$0x0] =	vst.idx.msk $0xffff, v29  }
0x212: {  	v34 =	vadd.s32 v10, v33;
	[tilespmem:v36+s9+$0x0] =	vst.idx.msk $0xffff, v3;
	v36 =	vadd.s32 v11, v33  }
0x213: {  	[tilespmem:v40+s9+$0x0] =	vst.idx.msk $0xffff, v7;
	v40 =	vor.u32 v32, v34;
	v42 =	vor.u32 v32, v36  }
0x214: {  	v34 =	vadd.s32 v14, v33;
	[tilespmem:v35+s9+$0x0] =	vst.idx.msk $0xffff, v8;
	v35 =	vadd.s32 v20, v33  }
.Ltmp10:
0x215: {  	v37 =	vor.u32 v32, v34;
	[tilespmem:v39+s9+$0x0] =	vst.idx.msk $0xffff, v9;
	v34 =	vor.u32 v32, v35;
	(pc) =	sbr.rel @p0 .LBB2_22-.Ltmp10, $4  }
0x216: {  	v35 =	vadd.s32 v21, v33;
	[tilespmem:v38+s9+$0x0] =	vst.idx.msk $0xffff, v12;
	v38 =	vadd.s32 v22, v33  }
0x217: {  	v36 =	vor.u32 v32, v35;
	[tilespmem:v41+s9+$0x0] =	vst.idx.msk $0xffff, v13;
	v35 =	vor.u32 v32, v38  }
0x218: {  	v38 =	vadd.s32 v27, v33;
	[tilespmem:v40+s9+$0x0] =	vst.idx.msk $0xffff, v15;
	v40 =	vadd.s32 v28, v33  }
0x219: {  	v39 =	vor.u32 v32, v38;
	[tilespmem:v42+s9+$0x0] =	vst.idx.msk $0xffff, v16;
	v38 =	vor.u32 v32, v40  }
0x21a: {  	_ =	sdelay $0x3  }
0x21b: {  	v40 =	vadd.s32 v30, v33;
	[tilespmem:v37+s9+$0x0] =	vst.idx.msk $0xffff, v17  }
0x21c: {  	v44 =	vadd.s32 v31, v33;
	v45 =	vor.u32 v32, v40;
	[tilespmem:v34+s9+$0x0] =	vst.idx.msk $0xffff, v18  }
0x21d: {  	v46 =	vor.u32 v32, v44;
	[tilespmem:v36+s9+$0x0] =	vst.idx.msk $0xffff, v19  }
0x21e: {  	[tilespmem:v35+s9+$0x0] =	vst.idx.msk $0xffff, v23  }
0x21f: {  	[tilespmem:v39+s9+$0x0] =	vst.idx.msk $0xffff, v24  }
0x220: {  	[tilespmem:v38+s9+$0x0] =	vst.idx.msk $0xffff, v25  }
0x221: {  	s31 =	simm.s32 $0x0;
	[tilespmem:v45+s9+$0x0] =	vst.idx.msk $0xffff, v26  }
0x222: {  	s28 =	rddreg [dreg:$0x17];
	v47 =	vmov s31;
	[tilespmem:v46+s9+$0x0] =	vst.idx.msk $0xffff, v29  }
0x223: {  	v48 =	vshll.u32 v47, $0xA;
	[hbm4b:s28+s31] =	stream.linear.scatter [tilespmem:s9], [sflag:$0xB], $0x4000, $0x38;
	[tilespmem:$0x1C200] =	vst v63  }
0x224: {  	v32 =	vshll.u32 v47, $0x7;
	v33 =	vand.u32 $0x2000, v48;
	_ =	swait.ge [sflag:s19], $0x4000  }
0x225: {  	v32 =	vand.u32 $0x380, v32;
	v49 =	vadd.s32 v0, v33;
	[sflag:s19] =	ssyncset.done $0x0  }
0x226: {  	v50 =	vadd.s32 v1, v33;
	v34 =	vor.u32 v32, v49;
	s28 =	rddreg [dreg:$0x1e];
	[sflag:s19] =	ssyncadd.s32 $0xFFFFC000  }
0x227: {  	v51 =	vadd.s32 v2, v33;
	v35 =	vor.u32 v32, v50;
	[tilespmem:s7], [sflag:$0x2] =	stream.linear.gather [hbm4b:s28+s31], $0x4000, $0x38;
	[tilespmem:$0x1C200] =	vst v63  }
0x228: {  	v52 =	vadd.s32 v4, v33;
	v36 =	vor.u32 v32, v51;
	_ =	swait.ge [sflag:s20], $0x4000  }
0x229: {  	v53 =	vadd.s32 v5, v33;
	v37 =	vor.u32 v32, v52;
	[sflag:s20] =	ssyncset.done $0x0  }
0x22a: {  	v54 =	vadd.s32 v6, v33;
	v56 =	vadd.s32 v10, v33;
	v55 =	vor.u32 v32, v53;
	[sflag:s20] =	ssyncadd.s32 $0xFFFFC000  }
0x22b: {  	v57 =	vadd.s32 v11, v33;
	v39 =	vor.u32 v32, v54;
	[tilespmem:v34+s11+$0x0] =	vst.idx.msk $0xffff, v3  }
0x22c: {  	v58 =	vadd.s32 v14, v33;
	v41 =	vor.u32 v32, v56;
	[tilespmem:v35+s11+$0x0] =	vst.idx.msk $0xffff, v7  }
0x22d: {  	v59 =	vadd.s32 v20, v33;
	v42 =	vor.u32 v32, v57;
	[tilespmem:v36+s11+$0x0] =	vst.idx.msk $0xffff, v8  }
0x22e: {  	v60 =	vadd.s32 v21, v33;
	v61 =	vadd.s32 v22, v33;
	[tilespmem:v37+s11+$0x0] =	vst.idx.msk $0xffff, v9  }
0x22f: {  	v62 =	vadd.s32 v27, v33;
	v38 =	vor.u32 v32, v58;
	[tilespmem:v55+s11+$0x0] =	vst.idx.msk $0xffff, v12  }
0x230: {  	v63 =	vadd.s32 v28, v33;
	v34 =	vor.u32 v32, v59;
	[tilespmem:v39+s11+$0x0] =	vst.idx.msk $0xffff, v13  }
0x231: {  	v35 =	vor.u32 v32, v61;
	v37 =	vor.u32 v32, v60;
	[tilespmem:v41+s11+$0x0] =	vst.idx.msk $0xffff, v15  }
0x232: {  	s31 =	simm.s32 $0x1;
	v36 =	vor.u32 v32, v63;
	v39 =	vor.u32 v32, v62;
	[tilespmem:v42+s11+$0x0] =	vst.idx.msk $0xffff, v16  }
.LBB2_24:
0x233: {  	v40 =	vmov s31;
	p0 =	sne.s32 s31, $0xF;
	s31 =	sadd.s32 $0x1, s31;
	v41 =	vadd.s32 v30, v33;
	v42 =	vadd.s32 v31, v33  }
0x234: {  	v33 =	vshll.u32 v40, $0xA;
	v40 =	vshll.u32 v40, $0x7;
	[tilespmem:v38+s11+$0x0] =	vst.idx.msk $0xffff, v17;
	v38 =	vor.u32 v32, v41  }
0x235: {  	v33 =	vand.u32 $0x2000, v33;
	[tilespmem:v34+s11+$0x0] =	vst.idx.msk $0xffff, v18;
	v34 =	vor.u32 v32, v42  }
0x236: {  	v32 =	vand.u32 $0x380, v40;
	v40 =	vadd.s32 v0, v33;
	v41 =	vadd.s32 v1, v33;
	[tilespmem:v37+s11+$0x0] =	vst.idx.msk $0xffff, v19  }
0x237: {  	v37 =	vor.u32 v32, v40;
	v40 =	vor.u32 v32, v41;
	[tilespmem:v35+s11+$0x0] =	vst.idx.msk $0xffff, v23  }
0x238: {  	v35 =	vadd.s32 v2, v33;
	v41 =	vadd.s32 v4, v33;
	[tilespmem:v39+s11+$0x0] =	vst.idx.msk $0xffff, v24  }
0x239: {  	v35 =	vor.u32 v32, v35;
	v39 =	vor.u32 v32, v41;
	[tilespmem:v36+s11+$0x0] =	vst.idx.msk $0xffff, v25  }
0x23a: {  	v41 =	vadd.s32 v6, v33;
	v36 =	vadd.s32 v5, v33;
	[tilespmem:v38+s11+$0x0] =	vst.idx.msk $0xffff, v26  }
0x23b: {  	v41 =	vor.u32 v32, v41;
	v36 =	vor.u32 v32, v36;
	[tilespmem:v34+s11+$0x0] =	vst.idx.msk $0xffff, v29  }
0x23c: {  	v34 =	vadd.s32 v10, v33;
	[tilespmem:v37+s11+$0x0] =	vst.idx.msk $0xffff, v3;
	v37 =	vadd.s32 v11, v33  }
0x23d: {  	[tilespmem:v40+s11+$0x0] =	vst.idx.msk $0xffff, v7;
	v40 =	vor.u32 v32, v34;
	v42 =	vor.u32 v32, v37  }
0x23e: {  	v34 =	vadd.s32 v14, v33;
	[tilespmem:v35+s11+$0x0] =	vst.idx.msk $0xffff, v8;
	v35 =	vadd.s32 v20, v33  }
.Ltmp11:
0x23f: {  	v38 =	vor.u32 v32, v34;
	[tilespmem:v39+s11+$0x0] =	vst.idx.msk $0xffff, v9;
	v34 =	vor.u32 v32, v35;
	(pc) =	sbr.rel @p0 .LBB2_24-.Ltmp11, $4  }
0x240: {  	v35 =	vadd.s32 v21, v33;
	[tilespmem:v36+s11+$0x0] =	vst.idx.msk $0xffff, v12;
	v36 =	vadd.s32 v22, v33  }
0x241: {  	v37 =	vor.u32 v32, v35;
	[tilespmem:v41+s11+$0x0] =	vst.idx.msk $0xffff, v13;
	v35 =	vor.u32 v32, v36  }
0x242: {  	v36 =	vadd.s32 v27, v33;
	[tilespmem:v40+s11+$0x0] =	vst.idx.msk $0xffff, v15;
	v40 =	vadd.s32 v28, v33  }
0x243: {  	v39 =	vor.u32 v32, v36;
	[tilespmem:v42+s11+$0x0] =	vst.idx.msk $0xffff, v16;
	v36 =	vor.u32 v32, v40  }
0x244: {  	_ =	sdelay $0x3  }
0x245: {  	v40 =	vadd.s32 v30, v33;
	[tilespmem:v38+s11+$0x0] =	vst.idx.msk $0xffff, v17  }
0x246: {  	v44 =	vadd.s32 v31, v33;
	v45 =	vor.u32 v32, v40;
	[tilespmem:v34+s11+$0x0] =	vst.idx.msk $0xffff, v18  }
0x247: {  	s31 =	simm.s32 $0x0;
	v46 =	vor.u32 v32, v44;
	[tilespmem:v37+s11+$0x0] =	vst.idx.msk $0xffff, v19  }
0x248: {  	v47 =	vmov s31;
	[tilespmem:v35+s11+$0x0] =	vst.idx.msk $0xffff, v23  }
0x249: {  	v48 =	vshll.u32 v47, $0xA;
	[tilespmem:v39+s11+$0x0] =	vst.idx.msk $0xffff, v24  }
0x24a: {  	v32 =	vshll.u32 v47, $0x7;
	v33 =	vand.u32 $0x2000, v48;
	[tilespmem:v36+s11+$0x0] =	vst.idx.msk $0xffff, v25  }
0x24b: {  	v32 =	vand.u32 $0x380, v32;
	v49 =	vadd.s32 v0, v33;
	[tilespmem:v45+s11+$0x0] =	vst.idx.msk $0xffff, v26  }
0x24c: {  	s28 =	rddreg [dreg:$0x1f];
	v50 =	vadd.s32 v1, v33;
	v35 =	vor.u32 v32, v49;
	[tilespmem:v46+s11+$0x0] =	vst.idx.msk $0xffff, v29  }
0x24d: {  	v51 =	vadd.s32 v2, v33;
	v34 =	vor.u32 v32, v50;
	[hbm4b:s28+s31] =	stream.linear.scatter [tilespmem:s11], [sflag:$0xC], $0x4000, $0x38;
	[tilespmem:$0x1C200] =	vst v63  }
0x24e: {  	v52 =	vadd.s32 v4, v33;
	v36 =	vor.u32 v32, v51;
	_ =	swait.ge [sflag:s22], $0x4000  }
0x24f: {  	v53 =	vadd.s32 v5, v33;
	v37 =	vor.u32 v32, v52;
	[sflag:s22] =	ssyncset.done $0x0  }
0x250: {  	v54 =	vadd.s32 v6, v33;
	v56 =	vadd.s32 v10, v33;
	v55 =	vor.u32 v32, v53;
	[sflag:s22] =	ssyncadd.s32 $0xFFFFC000  }
0x251: {  	v57 =	vadd.s32 v11, v33;
	v39 =	vor.u32 v32, v54;
	[tilespmem:v35+s13+$0x0] =	vst.idx.msk $0xffff, v3  }
0x252: {  	v58 =	vadd.s32 v14, v33;
	v41 =	vor.u32 v32, v56;
	[tilespmem:v34+s13+$0x0] =	vst.idx.msk $0xffff, v7  }
0x253: {  	v59 =	vadd.s32 v20, v33;
	v42 =	vor.u32 v32, v57;
	[tilespmem:v36+s13+$0x0] =	vst.idx.msk $0xffff, v8  }
0x254: {  	v60 =	vadd.s32 v21, v33;
	v61 =	vadd.s32 v22, v33;
	[tilespmem:v37+s13+$0x0] =	vst.idx.msk $0xffff, v9  }
0x255: {  	v62 =	vadd.s32 v27, v33;
	v38 =	vor.u32 v32, v58;
	[tilespmem:v55+s13+$0x0] =	vst.idx.msk $0xffff, v12  }
0x256: {  	v63 =	vadd.s32 v28, v33;
	v34 =	vor.u32 v32, v59;
	[tilespmem:v39+s13+$0x0] =	vst.idx.msk $0xffff, v13  }
0x257: {  	v35 =	vor.u32 v32, v61;
	v37 =	vor.u32 v32, v60;
	[tilespmem:v41+s13+$0x0] =	vst.idx.msk $0xffff, v15  }
0x258: {  	s31 =	simm.s32 $0x1;
	v36 =	vor.u32 v32, v63;
	v39 =	vor.u32 v32, v62;
	[tilespmem:v42+s13+$0x0] =	vst.idx.msk $0xffff, v16  }
.LBB2_26:
0x259: {  	v40 =	vmov s31;
	p0 =	sne.s32 s31, $0xF;
	s31 =	sadd.s32 $0x1, s31;
	v41 =	vadd.s32 v30, v33;
	v42 =	vadd.s32 v31, v33  }
0x25a: {  	v33 =	vshll.u32 v40, $0xA;
	v40 =	vshll.u32 v40, $0x7;
	[tilespmem:v38+s13+$0x0] =	vst.idx.msk $0xffff, v17;
	v38 =	vor.u32 v32, v41  }
0x25b: {  	v33 =	vand.u32 $0x2000, v33;
	[tilespmem:v34+s13+$0x0] =	vst.idx.msk $0xffff, v18;
	v34 =	vor.u32 v32, v42  }
0x25c: {  	v32 =	vand.u32 $0x380, v40;
	v40 =	vadd.s32 v0, v33;
	v41 =	vadd.s32 v1, v33;
	[tilespmem:v37+s13+$0x0] =	vst.idx.msk $0xffff, v19  }
0x25d: {  	v37 =	vor.u32 v32, v40;
	v40 =	vor.u32 v32, v41;
	[tilespmem:v35+s13+$0x0] =	vst.idx.msk $0xffff, v23  }
0x25e: {  	v35 =	vadd.s32 v2, v33;
	v41 =	vadd.s32 v4, v33;
	[tilespmem:v39+s13+$0x0] =	vst.idx.msk $0xffff, v24  }
0x25f: {  	v35 =	vor.u32 v32, v35;
	v39 =	vor.u32 v32, v41;
	[tilespmem:v36+s13+$0x0] =	vst.idx.msk $0xffff, v25  }
0x260: {  	v41 =	vadd.s32 v6, v33;
	v36 =	vadd.s32 v5, v33;
	[tilespmem:v38+s13+$0x0] =	vst.idx.msk $0xffff, v26  }
0x261: {  	v41 =	vor.u32 v32, v41;
	v36 =	vor.u32 v32, v36;
	[tilespmem:v34+s13+$0x0] =	vst.idx.msk $0xffff, v29  }
0x262: {  	v34 =	vadd.s32 v10, v33;
	[tilespmem:v37+s13+$0x0] =	vst.idx.msk $0xffff, v3;
	v37 =	vadd.s32 v11, v33  }
0x263: {  	[tilespmem:v40+s13+$0x0] =	vst.idx.msk $0xffff, v7;
	v40 =	vor.u32 v32, v34;
	v42 =	vor.u32 v32, v37  }
0x264: {  	v34 =	vadd.s32 v14, v33;
	[tilespmem:v35+s13+$0x0] =	vst.idx.msk $0xffff, v8;
	v35 =	vadd.s32 v20, v33  }
.Ltmp12:
0x265: {  	v38 =	vor.u32 v32, v34;
	[tilespmem:v39+s13+$0x0] =	vst.idx.msk $0xffff, v9;
	v34 =	vor.u32 v32, v35;
	(pc) =	sbr.rel @p0 .LBB2_26-.Ltmp12, $4  }
0x266: {  	v35 =	vadd.s32 v21, v33;
	[tilespmem:v36+s13+$0x0] =	vst.idx.msk $0xffff, v12;
	v36 =	vadd.s32 v22, v33  }
0x267: {  	v37 =	vor.u32 v32, v35;
	[tilespmem:v41+s13+$0x0] =	vst.idx.msk $0xffff, v13;
	v35 =	vor.u32 v32, v36  }
0x268: {  	v36 =	vadd.s32 v27, v33;
	[tilespmem:v40+s13+$0x0] =	vst.idx.msk $0xffff, v15;
	v40 =	vadd.s32 v28, v33  }
0x269: {  	v39 =	vor.u32 v32, v36;
	[tilespmem:v42+s13+$0x0] =	vst.idx.msk $0xffff, v16;
	v36 =	vor.u32 v32, v40  }
0x26a: {  	_ =	sdelay $0x3  }
0x26b: {  	v40 =	vadd.s32 v30, v33;
	[tilespmem:v38+s13+$0x0] =	vst.idx.msk $0xffff, v17  }
0x26c: {  	v44 =	vadd.s32 v31, v33;
	v45 =	vor.u32 v32, v40;
	[tilespmem:v34+s13+$0x0] =	vst.idx.msk $0xffff, v18  }
0x26d: {  	s31 =	simm.s32 $0x0;
	v46 =	vor.u32 v32, v44;
	[tilespmem:v37+s13+$0x0] =	vst.idx.msk $0xffff, v19  }
0x26e: {  	v47 =	vmov s31;
	[tilespmem:v35+s13+$0x0] =	vst.idx.msk $0xffff, v23  }
0x26f: {  	v48 =	vshll.u32 v47, $0xA;
	[tilespmem:v39+s13+$0x0] =	vst.idx.msk $0xffff, v24  }
0x270: {  	s28 =	sld [smem:$0x7FD];
	v32 =	vshll.u32 v47, $0x7;
	v33 =	vand.u32 $0x2000, v48;
	[tilespmem:v36+s13+$0x0] =	vst.idx.msk $0xffff, v25  }
0x271: {  	v32 =	vand.u32 $0x380, v32;
	v49 =	vadd.s32 v0, v33;
	[tilespmem:v45+s13+$0x0] =	vst.idx.msk $0xffff, v26  }
0x272: {  	v50 =	vadd.s32 v1, v33;
	v35 =	vor.u32 v32, v49;
	[tilespmem:v46+s13+$0x0] =	vst.idx.msk $0xffff, v29  }
0x273: {  	v51 =	vadd.s32 v2, v33;
	v34 =	vor.u32 v32, v50;
	[hbm4b:s28+s31] =	stream.linear.scatter [tilespmem:s13], [sflag:$0xD], $0x4000, $0x38;
	[tilespmem:$0x1C200] =	vst v63  }
0x274: {  	v52 =	vadd.s32 v4, v33;
	v36 =	vor.u32 v32, v51;
	_ =	swait.ge [sflag:s24], $0x4000  }
0x275: {  	v53 =	vadd.s32 v5, v33;
	v37 =	vor.u32 v32, v52;
	[sflag:s24] =	ssyncset.done $0x0  }
0x276: {  	v54 =	vadd.s32 v6, v33;
	v56 =	vadd.s32 v10, v33;
	v55 =	vor.u32 v32, v53;
	[sflag:s24] =	ssyncadd.s32 $0xFFFFC000  }
0x277: {  	v57 =	vadd.s32 v11, v33;
	v39 =	vor.u32 v32, v54;
	[tilespmem:v35+s15+$0x0] =	vst.idx.msk $0xffff, v3  }
0x278: {  	v58 =	vadd.s32 v14, v33;
	v41 =	vor.u32 v32, v56;
	[tilespmem:v34+s15+$0x0] =	vst.idx.msk $0xffff, v7  }
0x279: {  	v59 =	vadd.s32 v20, v33;
	v42 =	vor.u32 v32, v57;
	[tilespmem:v36+s15+$0x0] =	vst.idx.msk $0xffff, v8  }
0x27a: {  	v60 =	vadd.s32 v21, v33;
	v61 =	vadd.s32 v22, v33;
	[tilespmem:v37+s15+$0x0] =	vst.idx.msk $0xffff, v9  }
0x27b: {  	v62 =	vadd.s32 v27, v33;
	v38 =	vor.u32 v32, v58;
	[tilespmem:v55+s15+$0x0] =	vst.idx.msk $0xffff, v12  }
0x27c: {  	v63 =	vadd.s32 v28, v33;
	v34 =	vor.u32 v32, v59;
	[tilespmem:v39+s15+$0x0] =	vst.idx.msk $0xffff, v13  }
0x27d: {  	v35 =	vor.u32 v32, v61;
	v37 =	vor.u32 v32, v60;
	[tilespmem:v41+s15+$0x0] =	vst.idx.msk $0xffff, v15  }
0x27e: {  	s31 =	simm.s32 $0x1;
	v36 =	vor.u32 v32, v63;
	v39 =	vor.u32 v32, v62;
	[tilespmem:v42+s15+$0x0] =	vst.idx.msk $0xffff, v16  }
.LBB2_28:
0x27f: {  	v40 =	vmov s31;
	p0 =	sne.s32 s31, $0xF;
	s31 =	sadd.s32 $0x1, s31;
	v41 =	vadd.s32 v30, v33;
	v42 =	vadd.s32 v31, v33  }
0x280: {  	v33 =	vshll.u32 v40, $0xA;
	v40 =	vshll.u32 v40, $0x7;
	[tilespmem:v38+s15+$0x0] =	vst.idx.msk $0xffff, v17;
	v38 =	vor.u32 v32, v41  }
0x281: {  	v33 =	vand.u32 $0x2000, v33;
	[tilespmem:v34+s15+$0x0] =	vst.idx.msk $0xffff, v18;
	v34 =	vor.u32 v32, v42  }
0x282: {  	v32 =	vand.u32 $0x380, v40;
	v40 =	vadd.s32 v0, v33;
	v41 =	vadd.s32 v1, v33;
	[tilespmem:v37+s15+$0x0] =	vst.idx.msk $0xffff, v19  }
0x283: {  	v37 =	vor.u32 v32, v40;
	v40 =	vor.u32 v32, v41;
	[tilespmem:v35+s15+$0x0] =	vst.idx.msk $0xffff, v23  }
0x284: {  	v35 =	vadd.s32 v2, v33;
	v41 =	vadd.s32 v4, v33;
	[tilespmem:v39+s15+$0x0] =	vst.idx.msk $0xffff, v24  }
0x285: {  	v35 =	vor.u32 v32, v35;
	v39 =	vor.u32 v32, v41;
	[tilespmem:v36+s15+$0x0] =	vst.idx.msk $0xffff, v25  }
0x286: {  	v41 =	vadd.s32 v6, v33;
	v36 =	vadd.s32 v5, v33;
	[tilespmem:v38+s15+$0x0] =	vst.idx.msk $0xffff, v26  }
0x287: {  	v41 =	vor.u32 v32, v41;
	v36 =	vor.u32 v32, v36;
	[tilespmem:v34+s15+$0x0] =	vst.idx.msk $0xffff, v29  }
0x288: {  	v34 =	vadd.s32 v10, v33;
	[tilespmem:v37+s15+$0x0] =	vst.idx.msk $0xffff, v3;
	v37 =	vadd.s32 v11, v33  }
0x289: {  	[tilespmem:v40+s15+$0x0] =	vst.idx.msk $0xffff, v7;
	v40 =	vor.u32 v32, v34;
	v42 =	vor.u32 v32, v37  }
0x28a: {  	v34 =	vadd.s32 v14, v33;
	[tilespmem:v35+s15+$0x0] =	vst.idx.msk $0xffff, v8;
	v35 =	vadd.s32 v20, v33  }
.Ltmp13:
0x28b: {  	v38 =	vor.u32 v32, v34;
	[tilespmem:v39+s15+$0x0] =	vst.idx.msk $0xffff, v9;
	v34 =	vor.u32 v32, v35;
	(pc) =	sbr.rel @p0 .LBB2_28-.Ltmp13, $4  }
0x28c: {  	v35 =	vadd.s32 v21, v33;
	[tilespmem:v36+s15+$0x0] =	vst.idx.msk $0xffff, v12;
	v36 =	vadd.s32 v22, v33  }
0x28d: {  	v37 =	vor.u32 v32, v35;
	[tilespmem:v41+s15+$0x0] =	vst.idx.msk $0xffff, v13;
	v35 =	vor.u32 v32, v36  }
0x28e: {  	v36 =	vadd.s32 v27, v33;
	[tilespmem:v40+s15+$0x0] =	vst.idx.msk $0xffff, v15;
	v40 =	vadd.s32 v28, v33  }
0x28f: {  	v39 =	vor.u32 v32, v36;
	[tilespmem:v42+s15+$0x0] =	vst.idx.msk $0xffff, v16;
	v36 =	vor.u32 v32, v40  }
0x290: {  	_ =	sdelay $0x3  }
0x291: {  	v40 =	vadd.s32 v30, v33;
	[tilespmem:v38+s15+$0x0] =	vst.idx.msk $0xffff, v17  }
0x292: {  	v44 =	vadd.s32 v31, v33;
	v45 =	vor.u32 v32, v40;
	[tilespmem:v34+s15+$0x0] =	vst.idx.msk $0xffff, v18  }
0x293: {  	s31 =	simm.s32 $0x0;
	v46 =	vor.u32 v32, v44;
	[tilespmem:v37+s15+$0x0] =	vst.idx.msk $0xffff, v19  }
0x294: {  	v47 =	vmov s31;
	[tilespmem:v35+s15+$0x0] =	vst.idx.msk $0xffff, v23  }
0x295: {  	v48 =	vshll.u32 v47, $0xA;
	[tilespmem:v39+s15+$0x0] =	vst.idx.msk $0xffff, v24  }
0x296: {  	v32 =	vshll.u32 v47, $0x7;
	v33 =	vand.u32 $0x2000, v48;
	[tilespmem:v36+s15+$0x0] =	vst.idx.msk $0xffff, v25  }
0x297: {  	v32 =	vand.u32 $0x380, v32;
	v49 =	vadd.s32 v0, v33;
	[tilespmem:v45+s15+$0x0] =	vst.idx.msk $0xffff, v26  }
0x298: {  	v50 =	vadd.s32 v1, v33;
	v35 =	vor.u32 v32, v49;
	[tilespmem:v46+s15+$0x0] =	vst.idx.msk $0xffff, v29  }
0x299: {  	v51 =	vadd.s32 v2, v33;
	v34 =	vor.u32 v32, v50;
	[hbm4b:s0+s31] =	stream.linear.scatter [tilespmem:s15], [sflag:$0xE], $0x4000, $0x38;
	[tilespmem:$0x1C200] =	vst v63  }
0x29a: {  	v52 =	vadd.s32 v4, v33;
	v36 =	vor.u32 v32, v51;
	_ =	swait.ge [sflag:s12], $0x4000  }
0x29b: {  	v53 =	vadd.s32 v5, v33;
	v37 =	vor.u32 v32, v52;
	[sflag:s12] =	ssyncset.done $0x0  }
0x29c: {  	v54 =	vadd.s32 v6, v33;
	v56 =	vadd.s32 v10, v33;
	v55 =	vor.u32 v32, v53;
	[sflag:s12] =	ssyncadd.s32 $0xFFFFC000  }
0x29d: {  	v57 =	vadd.s32 v11, v33;
	v39 =	vor.u32 v32, v54;
	[tilespmem:v35+s1+$0x0] =	vst.idx.msk $0xffff, v3  }
0x29e: {  	v58 =	vadd.s32 v14, v33;
	v41 =	vor.u32 v32, v56;
	[tilespmem:v34+s1+$0x0] =	vst.idx.msk $0xffff, v7  }
0x29f: {  	v59 =	vadd.s32 v20, v33;
	v42 =	vor.u32 v32, v57;
	[tilespmem:v36+s1+$0x0] =	vst.idx.msk $0xffff, v8  }
0x2a0: {  	v60 =	vadd.s32 v21, v33;
	v61 =	vadd.s32 v22, v33;
	[tilespmem:v37+s1+$0x0] =	vst.idx.msk $0xffff, v9  }
0x2a1: {  	v62 =	vadd.s32 v27, v33;
	v38 =	vor.u32 v32, v58;
	[tilespmem:v55+s1+$0x0] =	vst.idx.msk $0xffff, v12  }
0x2a2: {  	v63 =	vadd.s32 v28, v33;
	v34 =	vor.u32 v32, v59;
	[tilespmem:v39+s1+$0x0] =	vst.idx.msk $0xffff, v13  }
0x2a3: {  	v35 =	vor.u32 v32, v61;
	v37 =	vor.u32 v32, v60;
	[tilespmem:v41+s1+$0x0] =	vst.idx.msk $0xffff, v15  }
0x2a4: {  	s31 =	simm.s32 $0x1;
	v36 =	vor.u32 v32, v63;
	v39 =	vor.u32 v32, v62;
	[tilespmem:v42+s1+$0x0] =	vst.idx.msk $0xffff, v16  }
.LBB2_30:
0x2a5: {  	v40 =	vmov s31;
	p0 =	sne.s32 s31, $0xF;
	s31 =	sadd.s32 $0x1, s31;
	v41 =	vadd.s32 v30, v33;
	v42 =	vadd.s32 v31, v33  }
0x2a6: {  	v33 =	vshll.u32 v40, $0xA;
	v40 =	vshll.u32 v40, $0x7;
	[tilespmem:v38+s1+$0x0] =	vst.idx.msk $0xffff, v17;
	v38 =	vor.u32 v32, v41  }
0x2a7: {  	v33 =	vand.u32 $0x2000, v33;
	[tilespmem:v34+s1+$0x0] =	vst.idx.msk $0xffff, v18;
	v34 =	vor.u32 v32, v42  }
0x2a8: {  	v32 =	vand.u32 $0x380, v40;
	v40 =	vadd.s32 v0, v33;
	v41 =	vadd.s32 v1, v33;
	[tilespmem:v37+s1+$0x0] =	vst.idx.msk $0xffff, v19  }
0x2a9: {  	v37 =	vor.u32 v32, v40;
	v40 =	vor.u32 v32, v41;
	[tilespmem:v35+s1+$0x0] =	vst.idx.msk $0xffff, v23  }
0x2aa: {  	v35 =	vadd.s32 v2, v33;
	v41 =	vadd.s32 v4, v33;
	[tilespmem:v39+s1+$0x0] =	vst.idx.msk $0xffff, v24  }
0x2ab: {  	v35 =	vor.u32 v32, v35;
	v39 =	vor.u32 v32, v41;
	[tilespmem:v36+s1+$0x0] =	vst.idx.msk $0xffff, v25  }
0x2ac: {  	v41 =	vadd.s32 v6, v33;
	v36 =	vadd.s32 v5, v33;
	[tilespmem:v38+s1+$0x0] =	vst.idx.msk $0xffff, v26  }
0x2ad: {  	v41 =	vor.u32 v32, v41;
	v36 =	vor.u32 v32, v36;
	[tilespmem:v34+s1+$0x0] =	vst.idx.msk $0xffff, v29  }
0x2ae: {  	v34 =	vadd.s32 v10, v33;
	[tilespmem:v37+s1+$0x0] =	vst.idx.msk $0xffff, v3;
	v37 =	vadd.s32 v11, v33  }
0x2af: {  	[tilespmem:v40+s1+$0x0] =	vst.idx.msk $0xffff, v7;
	v40 =	vor.u32 v32, v34;
	v42 =	vor.u32 v32, v37  }
0x2b0: {  	v34 =	vadd.s32 v14, v33;
	[tilespmem:v35+s1+$0x0] =	vst.idx.msk $0xffff, v8;
	v35 =	vadd.s32 v20, v33  }
.Ltmp14:
0x2b1: {  	v38 =	vor.u32 v32, v34;
	[tilespmem:v39+s1+$0x0] =	vst.idx.msk $0xffff, v9;
	v34 =	vor.u32 v32, v35;
	(pc) =	sbr.rel @p0 .LBB2_30-.Ltmp14, $4  }
0x2b2: {  	v35 =	vadd.s32 v21, v33;
	[tilespmem:v36+s1+$0x0] =	vst.idx.msk $0xffff, v12;
	v36 =	vadd.s32 v22, v33  }
0x2b3: {  	v37 =	vor.u32 v32, v35;
	[tilespmem:v41+s1+$0x0] =	vst.idx.msk $0xffff, v13;
	v35 =	vor.u32 v32, v36  }
0x2b4: {  	v36 =	vadd.s32 v27, v33;
	[tilespmem:v40+s1+$0x0] =	vst.idx.msk $0xffff, v15;
	v40 =	vadd.s32 v28, v33  }
0x2b5: {  	v39 =	vor.u32 v32, v36;
	[tilespmem:v42+s1+$0x0] =	vst.idx.msk $0xffff, v16;
	v36 =	vor.u32 v32, v40  }
0x2b6: {  	_ =	sdelay $0x3  }
0x2b7: {  	v40 =	vadd.s32 v30, v33;
	[tilespmem:v38+s1+$0x0] =	vst.idx.msk $0xffff, v17  }
0x2b8: {  	v45 =	vadd.s32 v31, v33;
	v46 =	vor.u32 v32, v40;
	[tilespmem:v34+s1+$0x0] =	vst.idx.msk $0xffff, v18  }
0x2b9: {  	s31 =	simm.s32 $0x0;
	v47 =	vor.u32 v32, v45;
	[tilespmem:v37+s1+$0x0] =	vst.idx.msk $0xffff, v19  }
0x2ba: {  	v48 =	vmov s31;
	[tilespmem:v35+s1+$0x0] =	vst.idx.msk $0xffff, v23  }
0x2bb: {  	v49 =	vshll.u32 v48, $0xA;
	[tilespmem:v39+s1+$0x0] =	vst.idx.msk $0xffff, v24  }
0x2bc: {  	v32 =	vshll.u32 v48, $0x7;
	v33 =	vand.u32 $0x2000, v49;
	[tilespmem:v36+s1+$0x0] =	vst.idx.msk $0xffff, v25  }
0x2bd: {  	v32 =	vand.u32 $0x380, v32;
	v50 =	vadd.s32 v0, v33;
	[tilespmem:v46+s1+$0x0] =	vst.idx.msk $0xffff, v26  }
0x2be: {  	v51 =	vadd.s32 v1, v33;
	v35 =	vor.u32 v32, v50;
	[tilespmem:v47+s1+$0x0] =	vst.idx.msk $0xffff, v29  }
0x2bf: {  	v52 =	vadd.s32 v2, v33;
	v34 =	vor.u32 v32, v51;
	[hbm4b:s2+s31] =	stream.linear.scatter [tilespmem:s31], [sflag:$0x8], $0x4000, $0x38;
	[tilespmem:$0x1C200] =	vst v63  }
0x2c0: {  	v53 =	vadd.s32 v4, v33;
	v36 =	vor.u32 v32, v52;
	_ =	swait.ge [sflag:s14], $0x4000  }
0x2c1: {  	v54 =	vadd.s32 v5, v33;
	v37 =	vor.u32 v32, v53;
	[sflag:s14] =	ssyncset.done $0x0  }
0x2c2: {  	v55 =	vadd.s32 v6, v33;
	v56 =	vadd.s32 v10, v33;
	v38 =	vor.u32 v32, v54;
	[sflag:s14] =	ssyncadd.s32 $0xFFFFC000  }
0x2c3: {  	v57 =	vadd.s32 v11, v33;
	v39 =	vor.u32 v32, v55;
	[tilespmem:v35+s7+$0x0] =	vst.idx.msk $0xffff, v3  }
0x2c4: {  	v58 =	vadd.s32 v14, v33;
	v41 =	vor.u32 v32, v56;
	[tilespmem:v34+s7+$0x0] =	vst.idx.msk $0xffff, v7  }
0x2c5: {  	v59 =	vadd.s32 v20, v33;
	v40 =	vor.u32 v32, v57;
	[tilespmem:v36+s7+$0x0] =	vst.idx.msk $0xffff, v8  }
0x2c6: {  	v60 =	vadd.s32 v21, v33;
	v61 =	vadd.s32 v22, v33;
	[tilespmem:v37+s7+$0x0] =	vst.idx.msk $0xffff, v9  }
0x2c7: {  	v62 =	vadd.s32 v27, v33;
	v37 =	vor.u32 v32, v58;
	[tilespmem:v38+s7+$0x0] =	vst.idx.msk $0xffff, v12  }
0x2c8: {  	v63 =	vadd.s32 v28, v33;
	v34 =	vor.u32 v32, v59;
	[tilespmem:v39+s7+$0x0] =	vst.idx.msk $0xffff, v13  }
0x2c9: {  	v35 =	vor.u32 v32, v61;
	v36 =	vor.u32 v32, v60;
	[tilespmem:v41+s7+$0x0] =	vst.idx.msk $0xffff, v15  }
0x2ca: {  	s31 =	simm.s32 $0x1;
	v38 =	vor.u32 v32, v63;
	v39 =	vor.u32 v32, v62;
	[tilespmem:v40+s7+$0x0] =	vst.idx.msk $0xffff, v16  }
.LBB2_32:
0x2cb: {  	v40 =	vmov s31;
	p0 =	sne.s32 s31, $0xF;
	s31 =	sadd.s32 $0x1, s31;
	v41 =	vadd.s32 v30, v33;
	v42 =	vadd.s32 v31, v33  }
0x2cc: {  	v33 =	vshll.u32 v40, $0xA;
	v40 =	vshll.u32 v40, $0x7;
	[tilespmem:v37+s7+$0x0] =	vst.idx.msk $0xffff, v17;
	v37 =	vor.u32 v32, v41  }
0x2cd: {  	v33 =	vand.u32 $0x2000, v33;
	[tilespmem:v34+s7+$0x0] =	vst.idx.msk $0xffff, v18;
	v34 =	vor.u32 v32, v42  }
0x2ce: {  	v32 =	vand.u32 $0x380, v40;
	v40 =	vadd.s32 v0, v33;
	v41 =	vadd.s32 v1, v33;
	[tilespmem:v36+s7+$0x0] =	vst.idx.msk $0xffff, v19  }
0x2cf: {  	v36 =	vor.u32 v32, v40;
	v40 =	vor.u32 v32, v41;
	[tilespmem:v35+s7+$0x0] =	vst.idx.msk $0xffff, v23  }
0x2d0: {  	v35 =	vadd.s32 v2, v33;
	v41 =	vadd.s32 v4, v33;
	[tilespmem:v39+s7+$0x0] =	vst.idx.msk $0xffff, v24  }
0x2d1: {  	v35 =	vor.u32 v32, v35;
	v39 =	vor.u32 v32, v41;
	[tilespmem:v38+s7+$0x0] =	vst.idx.msk $0xffff, v25  }
0x2d2: {  	v41 =	vadd.s32 v6, v33;
	v38 =	vadd.s32 v5, v33;
	[tilespmem:v37+s7+$0x0] =	vst.idx.msk $0xffff, v26  }
0x2d3: {  	v41 =	vor.u32 v32, v41;
	v38 =	vor.u32 v32, v38;
	[tilespmem:v34+s7+$0x0] =	vst.idx.msk $0xffff, v29  }
0x2d4: {  	v34 =	vadd.s32 v10, v33;
	[tilespmem:v36+s7+$0x0] =	vst.idx.msk $0xffff, v3;
	v36 =	vadd.s32 v11, v33  }
0x2d5: {  	[tilespmem:v40+s7+$0x0] =	vst.idx.msk $0xffff, v7;
	v40 =	vor.u32 v32, v34;
	v42 =	vor.u32 v32, v36  }
0x2d6: {  	v34 =	vadd.s32 v14, v33;
	[tilespmem:v35+s7+$0x0] =	vst.idx.msk $0xffff, v8;
	v35 =	vadd.s32 v20, v33  }
.Ltmp15:
0x2d7: {  	v37 =	vor.u32 v32, v34;
	[tilespmem:v39+s7+$0x0] =	vst.idx.msk $0xffff, v9;
	v34 =	vor.u32 v32, v35;
	(pc) =	sbr.rel @p0 .LBB2_32-.Ltmp15, $4  }
0x2d8: {  	v35 =	vadd.s32 v21, v33;
	[tilespmem:v38+s7+$0x0] =	vst.idx.msk $0xffff, v12;
	v38 =	vadd.s32 v22, v33  }
0x2d9: {  	v36 =	vor.u32 v32, v35;
	[tilespmem:v41+s7+$0x0] =	vst.idx.msk $0xffff, v13;
	v35 =	vor.u32 v32, v38  }
0x2da: {  	v38 =	vadd.s32 v27, v33;
	[tilespmem:v40+s7+$0x0] =	vst.idx.msk $0xffff, v15;
	v40 =	vadd.s32 v28, v33  }
0x2db: {  	v39 =	vor.u32 v32, v38;
	[tilespmem:v42+s7+$0x0] =	vst.idx.msk $0xffff, v16;
	v38 =	vor.u32 v32, v40  }
0x2dc: {  	_ =	sdelay $0x3  }
0x2dd: {  	v0 =	vadd.s32 v30, v33;
	[tilespmem:v37+s7+$0x0] =	vst.idx.msk $0xffff, v17  }
0x2de: {  	v1 =	vadd.s32 v31, v33;
	v0 =	vor.u32 v32, v0;
	[tilespmem:v34+s7+$0x0] =	vst.idx.msk $0xffff, v18  }
0x2df: {  	v1 =	vor.u32 v32, v1;
	[tilespmem:v36+s7+$0x0] =	vst.idx.msk $0xffff, v19  }
0x2e0: {  	[tilespmem:v35+s7+$0x0] =	vst.idx.msk $0xffff, v23  }
0x2e1: {  	[tilespmem:v39+s7+$0x0] =	vst.idx.msk $0xffff, v24  }
0x2e2: {  	[tilespmem:v38+s7+$0x0] =	vst.idx.msk $0xffff, v25  }
0x2e3: {  	[tilespmem:v0+s7+$0x0] =	vst.idx.msk $0xffff, v26  }
0x2e4: {  	[tilespmem:v1+s7+$0x0] =	vst.idx.msk $0xffff, v29  }
0x2e5: {  	[hbm4b:s3+s1] =	stream.linear.scatter [tilespmem:s7], [sflag:$0x9], $0x4000, $0x38;
	[tilespmem:$0x1C200] =	vst v63  }
0x2e6: {  	_ =	swait.ge [sflag:s17], $0x4000  }
0x2e7: {  	[sflag:s17] =	ssyncset.done $0x0  }
0x2e8: {  	[sflag:s17] =	ssyncadd.s32 $0xFFFFC000  }
0x2e9: {  	_ =	swait.ge [sflag:s19], $0x4000  }
0x2ea: {  	[sflag:s19] =	ssyncset.done $0x0  }
0x2eb: {  	[sflag:s19] =	ssyncadd.s32 $0xFFFFC000  }
0x2ec: {  	_ =	swait.ge [sflag:s21], $0x4000  }
0x2ed: {  	[sflag:s21] =	ssyncset.done $0x0  }
0x2ee: {  	[sflag:s21] =	ssyncadd.s32 $0xFFFFC000  }
0x2ef: {  	_ =	swait.ge [sflag:s23], $0x4000  }
0x2f0: {  	[sflag:s23] =	ssyncset.done $0x0  }
0x2f1: {  	[sflag:s23] =	ssyncadd.s32 $0xFFFFC000  }
0x2f2: {  	_ =	swait.ge [sflag:s25], $0x4000  }
0x2f3: {  	[sflag:s25] =	ssyncset.done $0x0  }
0x2f4: {  	s30 =	sadd.s32 $0x1, s30;
	[sflag:s25] =	ssyncadd.s32 $0xFFFFC000  }
0x2f5: {  	p0 =	sne.s32 s30, s6;
	_ =	swait.ge [sflag:s26], $0x4000  }
.Ltmp16:
0x2f6: {  	[sflag:s26] =	ssyncset.done $0x0;
	(pc) =	sbr.rel @p0 .LBB2_1-.Ltmp16, $4  }
0x2f7: {  	[sflag:s26] =	ssyncadd.s32 $0xFFFFC000  }
0x2f8: {  	_ =	swait.ge [sflag:s29], $0x4000  }
0x2f9: {  	[sflag:s29] =	ssyncset.done $0x0  }
0x2fa: {  	[sflag:s29] =	ssyncadd.s32 $0xFFFFC000  }
0x2fb: {  	_ =	sfence.sel $0x180000  }
0x2fc: {  	[bflag:$0x0] =	sbarrier.arrive $0xFFFF  }
0x2fd: {  	_ =	strace $0x90000047  }
0x2fe: {  	s0 =	stileid.u32;
	[bflag:$0x2] =	sbarrier.arrive $0xFFFF  }
0x2ff: {  	p0 =	sne.s32 s0, $0x0;
	s0 =	rddreg [dreg:$0x3]  }
0x300: {  	s0 =	sadd.s32 @!p0 $0x100000, s0  }
0x301: {  	[sflag:s0] =	ssyncadd.tile.s32 @!p0 $0x1;
	_ =	shalt  }
.Lfunc_end2:
_tile_overlayer_lowered:
.L_overlay_start_2:
0x302: {  	(tag) =	ssettag $0x2  }
0x303: {  	s0 =	rddreg [dreg:$0x0];
	s2 =	stileid.u32  }
0x304: {  	s1 =	rddreg [dreg:$0x1];
	p0 =	sne.s32 s2, $0x0  }
0x305: {  	s3 =	rddreg [dreg:$0x2];
	[bflag:$0x3] =	sbarrier.arrive $0xFFFF;
	s2 =	simm.s32 @!p0 $0x1C0F  }
0x306: {  	[timem:s3], [sflag:s2] =	dma.local @!p0 [hbm:s0], s1  }
0x307: {  	s0 =	simm.s32 @!p0 $0xF  }
0x308: {  	_ =	swait.ge @!p0 [sflag:s0], s1  }
0x309: {  	s1 =	ssub.s32 @!p0 $0x0, s1;
	[sflag:s0] =	ssyncset.done @!p0 $0x0  }
0x30a: {  	[sflag:s0] =	ssyncadd.s32 @!p0 s1  }
0x30b: {  	[bflag:$0x3] =	sbarrier.arrive $0xFFFF  }
0x30c: {  	_ =	shalt  }

</sc_bundles>
